<compile_context>
chip_gen: v7x
topology: tpu7x:2x2x1
jax: 0.10.2.dev20260603
libtpu: 0.0.44.dev20260713+nightly
codegen_flags: <defaults>
</compile_context>

<pallas_src>
import functools

import jax
import jax.numpy as jnp
from jax import lax
from jax.experimental import pallas as pl
from jax.experimental.pallas import tpu as pltpu
from jax.experimental.pallas import tpu_sc as plsc

_NUM_USER = 10000
_NUM_ITEM = 10000
_VOCAB = 50000
_NW = 320000
_DIM_E = 64
_NUM_NEG = 4
_B = 4096
_TEMP = 0.1
_LR_LAMBDA = 0.5
_REG_WEIGHT = 1e-3

_D = 128
_NC = 2
_NS = 16
_KW = 128
_NBLK = _NW // _KW
_BLK_PER_W = 84
_ITEM_PAD = 10240
_ROWS_PER_SUB = _ITEM_PAD // _NS
_ZROWS = 64

_G = 1 + _NUM_NEG
_NIDX = _B * _G
_IDX_PER_W = _NIDX // (_NC * _NS)
_GBLK = 128


def _sc_gather_segsum(t_feat_table, word_ids, word_item_ids):
    mesh = plsc.VectorSubcoreMesh(core_axis_name="c", subcore_axis_name="s")

    @functools.partial(
        pl.kernel,
        out_type=jax.ShapeDtypeStruct((_NC * _ITEM_PAD, _D), jnp.float32),
        mesh=mesh,
        scratch_types=[
            pltpu.VMEM((_ZROWS, _D), jnp.float32),
            pltpu.VMEM((_KW,), jnp.int32),
            pltpu.VMEM((_KW,), jnp.int32),
            pltpu.VMEM((_KW,), jnp.int32),
            pltpu.VMEM((_KW,), jnp.int32),
            pltpu.VMEM((_KW,), jnp.int32),
            pltpu.VMEM((_KW,), jnp.int32),
            pltpu.VMEM((_KW, _D), jnp.float32),
            pltpu.VMEM((_KW, _D), jnp.float32),
            pltpu.VMEM_SHARED((_ITEM_PAD, _D), jnp.float32),
            pltpu.SemaphoreType.DMA,
            pltpu.SemaphoreType.DMA,
            pltpu.SemaphoreType.DMA,
            pltpu.SemaphoreType.DMA,
            pltpu.SemaphoreType.DMA,
            pltpu.SemaphoreType.DMA,
            pltpu.SemaphoreType.DMA,
            pltpu.SemaphoreType.DMA,
            pltpu.SemaphoreType.DMA,
            pltpu.SemaphoreType.DMA,
        ],
    )
    def k(tab_hbm, wid_hbm, seg_hbm, out_hbm, zbuf, idx0, idx1, idx2,
          sg0, sg1, sg2, rows0, rows1, acc, isem0, isem1, isem2,
          ssem0, ssem1, ssem2, gsem0, gsem1, csem0, csem1):
        c = lax.axis_index("c")
        s = lax.axis_index("s")
        w = c * _NS + s

        @pl.loop(0, _ZROWS)
        def _(r):
            for ch in range(_D // 16):
                zbuf[r, pl.ds(ch * 16, 16)] = jnp.zeros((16,), jnp.float32)

        row0 = s * _ROWS_PER_SUB
        for kk in range(_ROWS_PER_SUB // _ZROWS):
            pltpu.sync_copy(zbuf, acc.at[pl.ds(row0 + kk * _ZROWS, _ZROWS)])
        plsc.subcore_barrier()

        idxs = (idx0, idx1, idx2)
        sgs = (sg0, sg1, sg2)
        rows = (rows0, rows1)
        isems = (isem0, isem1, isem2)
        ssems = (ssem0, ssem1, ssem2)
        gsems = (gsem0, gsem1)
        csems = (csem0, csem1)

        def valid(t):
            return w + 32 * t < _NBLK

        def fetch_start(t, i):
            @pl.when(valid(t))
            def _():
                base = (w + 32 * t) * _KW
                pltpu.async_copy(wid_hbm.at[pl.ds(base, _KW)], idxs[i],
                                 isems[i])
                pltpu.async_copy(seg_hbm.at[pl.ds(base, _KW)], sgs[i],
                                 ssems[i])

        def fetch_wait(t, i):
            @pl.when(valid(t))
            def _():
                base = (w + 32 * t) * _KW
                pltpu.make_async_copy(wid_hbm.at[pl.ds(base, _KW)], idxs[i],
                                      isems[i]).wait()
                pltpu.make_async_copy(seg_hbm.at[pl.ds(base, _KW)], sgs[i],
                                      ssems[i]).wait()

        def gather_start(t, r, i):
            @pl.when(valid(t))
            def _():
                pltpu.async_copy(tab_hbm.at[idxs[i]], rows[r], gsems[r])

        def gather_wait(t, r, i):
            @pl.when(valid(t))
            def _():
                pltpu.make_async_copy(tab_hbm.at[idxs[i]], rows[r],
                                      gsems[r]).wait()

        def scatter_start(t, r, i):
            @pl.when(valid(t))
            def _():
                pltpu.async_copy(rows[r], acc.at[sgs[i]], csems[r],
                                 add=True)

        def scatter_wait(t, r, i):
            @pl.when((t >= 0) & valid(t))
            def _():
                pltpu.make_async_copy(rows[r], acc.at[sgs[i]],
                                      csems[r]).wait()

        fetch_start(0, 0)
        fetch_wait(0, 0)
        gather_start(0, 0, 0)
        fetch_start(1, 1)

        @pl.loop(0, _BLK_PER_W // 6)
        def _(kk):
            for h in range(6):
                t = 6 * kk + h
                r = h % 2
                i = h % 3
                gather_wait(t, r, i)
                scatter_start(t, r, i)
                scatter_wait(t - 1, 1 - r, (h + 2) % 3)
                fetch_wait(t + 1, (h + 1) % 3)
                gather_start(t + 1, 1 - r, (h + 1) % 3)
                fetch_start(t + 2, (h + 2) % 3)

        plsc.subcore_barrier()

        pltpu.sync_copy(
            acc.at[pl.ds(row0, _ROWS_PER_SUB)],
            out_hbm.at[pl.ds(c * _ITEM_PAD + row0, _ROWS_PER_SUB)])

    return k(t_feat_table, word_ids, word_item_ids)


def _tc_mlp(partials, v_feat, W1, b1, W2, b2):

    def body(p_ref, v_ref, w1_ref, b1_ref, w2_ref, b2_ref, out_ref):
        summed = (p_ref[: _NUM_ITEM, :]
                  + p_ref[_ITEM_PAD:_ITEM_PAD + _NUM_ITEM, :])
        tn = jnp.sqrt(jnp.sum(summed * summed, axis=1, keepdims=True))
        t_agg = summed / jnp.maximum(tn, 1e-12)
        v = v_ref[...]
        vn = jnp.sqrt(jnp.sum(v * v, axis=1, keepdims=True))
        v = v / jnp.maximum(vn, 1e-12)
        feat = jnp.concatenate([v, t_agg], axis=1)
        h = lax.dot_general(
            feat, w1_ref[...], (((1,), (1,)), ((), ())),
            preferred_element_type=jnp.float32,
            precision=lax.Precision.HIGHEST) + b1_ref[...]
        h = jnp.where(h > 0, h, 0.01 * h)
        f = lax.dot_general(
            h, w2_ref[...], (((1,), (1,)), ((), ())),
            preferred_element_type=jnp.float32,
            precision=lax.Precision.HIGHEST) + b2_ref[...]
        out_ref[...] = jnp.concatenate(
            [f, jnp.zeros((_NUM_ITEM, _D - _DIM_E), jnp.float32)], axis=1)

    return pl.pallas_call(
        body,
        out_shape=jax.ShapeDtypeStruct((_NUM_ITEM, _D), jnp.float32),
    )(partials, v_feat, W1, b1.reshape(1, -1), W2, b2.reshape(1, -1))


def _sc_gather3(id_embedding, feature, user_tensor, item_idx, item_tensor):
    mesh = plsc.VectorSubcoreMesh(core_axis_name="c", subcore_axis_name="s")

    @functools.partial(
        pl.kernel,
        out_type=(jax.ShapeDtypeStruct((_B, _D), jnp.float32),
                  jax.ShapeDtypeStruct((_NIDX, _D), jnp.float32),
                  jax.ShapeDtypeStruct((_NIDX, _D), jnp.float32)),
        mesh=mesh,
        scratch_types=[
            pltpu.VMEM((_GBLK,), jnp.int32),
            pltpu.VMEM((_GBLK, _D), jnp.float32),
            pltpu.SemaphoreType.DMA,
        ],
    )
    def k(emb_hbm, feat_hbm, ui_hbm, ii_hbm, fi_hbm, ue_hbm, ie_hbm, fe_hbm,
          idx_v, rows_v, sem):
        c = lax.axis_index("c")
        s = lax.axis_index("s")
        w = c * _NS + s

        ubase = w * (_B // (_NC * _NS))
        pltpu.sync_copy(ui_hbm.at[pl.ds(ubase, _GBLK)], idx_v)
        pltpu.async_copy(emb_hbm.at[idx_v], rows_v, sem).wait()
        pltpu.sync_copy(rows_v, ue_hbm.at[pl.ds(ubase, _GBLK)])

        base0 = w * _IDX_PER_W
        for tab, idxs, out in ((emb_hbm, ii_hbm, ie_hbm),
                               (feat_hbm, fi_hbm, fe_hbm)):
            @pl.loop(0, _IDX_PER_W // _GBLK)
            def _(b):
                base = base0 + b * _GBLK
                pltpu.sync_copy(idxs.at[pl.ds(base, _GBLK)], idx_v)
                pltpu.async_copy(tab.at[idx_v], rows_v, sem).wait()
                pltpu.sync_copy(rows_v, out.at[pl.ds(base, _GBLK)])

    return k(id_embedding, feature, user_tensor, item_idx, item_tensor)


def _tc_loss(user_e, item_e5, feat_e5, id_embedding):

    def body(ue_ref, ie_ref, fe_ref, emb_ref, out_ref):
        ue = ue_ref[...]
        ie = ie_ref[...]
        fe = fe_ref[...]

        def contrast(anchor_cols, all_cols):
            es = []
            for j in range(_G):
                a = anchor_cols(j)
                v = all_cols(j)
                sj = jnp.sum(a * v, axis=1, keepdims=True) * (1.0 / _TEMP)
                es.append(jnp.exp(sj))
            tot = es[0] + es[1] + es[2] + es[3] + es[4]
            frac = es[0] / (tot + 1e-8)
            return jnp.mean(-jnp.log(frac + 1e-8))

        loss1 = contrast(lambda j: ue,
                         lambda j: ie[:, j * _D:(j + 1) * _D])
        loss2 = contrast(lambda j: ie[:, j * _D:(j + 1) * _D],
                         lambda j: fe[:, j * _D:(j + 1) * _D])
        emb = emb_ref[...]
        reg = _REG_WEIGHT * jnp.mean(emb * emb)
        out_ref[...] = jnp.broadcast_to(loss1 + _LR_LAMBDA * loss2 + reg,
                                        (1, 1))

    return pl.pallas_call(
        body,
        out_shape=jax.ShapeDtypeStruct((1, 1), jnp.float32),
    )(user_e, item_e5, feat_e5, id_embedding)


def kernel(v_feat, t_feat_table, W1, b1, W2, b2, id_embedding,
           word_item_ids, word_ids, user_tensor, item_tensor):
    partials = _sc_gather_segsum(t_feat_table, word_ids, word_item_ids)
    feature = _tc_mlp(partials, v_feat, W1, b1, W2, b2)
    item_idx = item_tensor + _NUM_USER
    emb_pad = jnp.pad(id_embedding, ((0, 0), (0, _D - _DIM_E)))
    user_e, item_e, feat_items = _sc_gather3(
        emb_pad, feature, user_tensor, item_idx, item_tensor)
    loss = _tc_loss(user_e,
                    item_e.reshape(_B, _G * _D),
                    feat_items.reshape(_B, _G * _D),
                    id_embedding)
    return loss.reshape(())

# --- scband reference (transcript-rebuilt; emitter-appended) ---
"""Pipeline reference for scband-clcrec-21251498181534 (READ-ONLY COPY).

The authoritative reference and input builder live on the scoring server;
editing this copy changes nothing except your own understanding.
"""

import jax, jax.numpy as jnp
import numpy as np

NUM_USER = 10000
NUM_ITEM = 10000
VOCAB = 50000
NW = 320000
DIM_E = 64
NUM_NEG = 4
B = 4096
TEMP = 0.1
LR_LAMBDA = 0.5
REG_WEIGHT = 1e-3


def _normalize(x, axis=1, eps=1e-12):
    n = jnp.linalg.norm(x, axis=axis, keepdims=True)
    return x / jnp.maximum(n, eps)


def _loss_contrastive(anchor, allv):
    score = jnp.exp(jnp.sum(anchor * allv, axis=1) / TEMP).reshape(-1, 1 + NUM_NEG)
    pos = score[:, 0]
    tot = jnp.sum(score, axis=1)
    return jnp.mean(-jnp.log(pos / (tot + 1e-8) + 1e-8))


def setup_inputs(seed: int = 0) -> dict:
    key = jax.random.key(seed)
    ks = jax.random.split(key, 12)
    word_item_ids = jnp.sort(jax.random.randint(ks[0], (NW,), 0, NUM_ITEM)).astype(jnp.int64) if jax.config.read('jax_enable_x64') else jnp.sort(jax.random.randint(ks[0], (NW,), 0, NUM_ITEM))
    word_ids = jax.random.randint(ks[1], (NW,), 0, VOCAB)
    v_feat = jax.random.normal(ks[2], (NUM_ITEM, 128), jnp.float32)
    t_feat_table = jax.random.normal(ks[3], (VOCAB, 128), jnp.float32) * 0.01
    W1 = jax.random.normal(ks[4], (256, 256), jnp.float32) * 0.05
    b1 = jnp.zeros((256,), jnp.float32)
    W2 = jax.random.normal(ks[5], (DIM_E, 256), jnp.float32) * 0.05
    b2 = jnp.zeros((DIM_E,), jnp.float32)
    id_embedding = jax.random.normal(ks[6], (NUM_USER + NUM_ITEM, DIM_E), jnp.float32) * 0.01
    user_tensor = jax.random.randint(ks[7], (B,), 0, NUM_USER)
    item_tensor = jax.random.randint(ks[8], (B * (1 + NUM_NEG),), 0, NUM_ITEM)
    return {
        'v_feat': v_feat, 't_feat_table': t_feat_table,
        'W1': W1, 'b1': b1, 'W2': W2, 'b2': b2,
        'id_embedding': id_embedding,
        'word_item_ids': word_item_ids, 'word_ids': word_ids,
        'user_tensor': user_tensor, 'item_tensor': item_tensor,
    }


def reference(v_feat, t_feat_table, W1, b1, W2, b2, id_embedding,
              word_item_ids, word_ids, user_tensor, item_tensor):
    # encoder(): word-embedding gather + scatter-mean over items (scatter_mean_manual)
    gathered = jnp.take(t_feat_table, word_ids, axis=0)               # [NW, 128]
    summed = jax.ops.segment_sum(gathered, word_item_ids, num_segments=NUM_ITEM)
    counts = jax.ops.segment_sum(jnp.ones((NW, 1), jnp.float32), word_item_ids, num_segments=NUM_ITEM)
    counts = jnp.maximum(counts, 1.0)
    t_agg = _normalize(summed / counts)                                # F.normalize(scatter_mean(...))
    feat = jnp.concatenate([_normalize(v_feat), t_agg], axis=1)       # [NUM_ITEM, 256]
    h = jax.nn.leaky_relu(feat @ W1.T + b1, negative_slope=0.01)
    feature = h @ W2.T + b2                                            # [NUM_ITEM, DIM_E]
    # contrastive losses (CLCRec forward)
    user_e = jnp.take(id_embedding, user_tensor, axis=0)               # [B, DIM_E]
    anchor = jnp.repeat(user_e, 1 + NUM_NEG, axis=0)                   # [B*5, DIM_E]
    item_e = jnp.take(id_embedding, NUM_USER + item_tensor, axis=0)    # [B*5, DIM_E]
    loss1 = _loss_contrastive(anchor, item_e)
    feat_items = jnp.take(feature, item_tensor, axis=0)
    loss2 = _loss_contrastive(item_e, feat_items)
    reg = REG_WEIGHT * jnp.mean(id_embedding ** 2)
    return loss1 + LR_LAMBDA * loss2 + reg


if False:  # reference __main__ guard neutralized (emitter)
    out = reference(**setup_inputs())
    print(out)

if __name__ == "__main__":
    import jax
    _d = setup_inputs()
    print(jax.jit(kernel)(*tuple(_d.values())))

</pallas_src>

<mosaic_0001>
#map = affine_map<(d0, d1) -> (0, 0)>
#map1 = affine_map<(d0, d1) -> (0)>
module attributes {stable_mosaic.version = 14 : i64} {
  func.func @k(%arg0: i32, %arg1: i32, %arg2: memref<50000x128xf32, #tpu.memory_space<hbm>>, %arg3: memref<320000xi32, #tpu.memory_space<hbm>>, %arg4: memref<320000xi32, #tpu.memory_space<hbm>>, %arg5: memref<20480x128xf32, #tpu.memory_space<hbm>>, %arg6: memref<64x128xf32, #tpu.memory_space<vmem>>, %arg7: memref<128xi32, #tpu.memory_space<vmem>>, %arg8: memref<128xi32, #tpu.memory_space<vmem>>, %arg9: memref<128xi32, #tpu.memory_space<vmem>>, %arg10: memref<128xi32, #tpu.memory_space<vmem>>, %arg11: memref<128xi32, #tpu.memory_space<vmem>>, %arg12: memref<128xi32, #tpu.memory_space<vmem>>, %arg13: memref<128x128xf32, #tpu.memory_space<vmem>>, %arg14: memref<128x128xf32, #tpu.memory_space<vmem>>, %arg15: memref<10240x128xf32, #tpu.memory_space<vmem_shared>>, %arg16: memref<!tpu.dma_semaphore, #tpu.memory_space<semaphore_mem>>, %arg17: memref<!tpu.dma_semaphore, #tpu.memory_space<semaphore_mem>>, %arg18: memref<!tpu.dma_semaphore, #tpu.memory_space<semaphore_mem>>, %arg19: memref<!tpu.dma_semaphore, #tpu.memory_space<semaphore_mem>>, %arg20: memref<!tpu.dma_semaphore, #tpu.memory_space<semaphore_mem>>, %arg21: memref<!tpu.dma_semaphore, #tpu.memory_space<semaphore_mem>>, %arg22: memref<!tpu.dma_semaphore, #tpu.memory_space<semaphore_mem>>, %arg23: memref<!tpu.dma_semaphore, #tpu.memory_space<semaphore_mem>>, %arg24: memref<!tpu.dma_semaphore, #tpu.memory_space<semaphore_mem>>, %arg25: memref<!tpu.dma_semaphore, #tpu.memory_space<semaphore_mem>>) attributes {dimension_semantics = [#tpu.dimension_semantics<core_parallel>, #tpu.dimension_semantics<subcore_parallel>], iteration_bounds = array<i64: 2, 16>, scalar_prefetch = 0 : i64, scratch_operands = 20 : i64, tpu.core_type = #tpu.core_type<sc_vector_subcore>, window_params = [{transform_indices = #map}, {transform_indices = #map1}, {transform_indices = #map1}, {transform_indices = #map}]} {
    %mul3A = arith.constant 16 : i32
    %mul3A_0 = arith.muli %arg0, %mul3A : i32
    %add3A = arith.addi %mul3A_0, %arg1 : i32
    %scan3A = arith.constant 0 : i32
    %scan3A_1 = arith.constant 64 : i32
    %scan3A_2 = arith.addi %scan3A, %scan3A_1 : i32
    %scan3A_3 = arith.constant 1 : i32
    scf.for %scan3A_61 = %scan3A to %scan3A_2 step %scan3A_3  : i32 {
      %mul3A_62 = arith.constant 1 : i32
      %mul3A_63 = arith.muli %scan3A_61, %mul3A_62 : i32
      %add3A_64 = arith.constant 0 : i32
      %add3A_65 = arith.addi %add3A_64, %mul3A_63 : i32
      %broadcast_in_dim3A = arith.constant 0.000000e+00 : f32
      %broadcast_in_dim3A_66 = vector.broadcast %broadcast_in_dim3A : f32 to vector<16xf32>
      %swap3A = arith.index_cast %add3A_65 : i32 to index
      %swap3A_67 = arith.constant 0 : index
      %swap3A_68 = tpu.vector_load %arg6[%swap3A, %swap3A_67] {strides = array<i32>} : memref<64x128xf32, #tpu.memory_space<vmem>>, vector<1x16xf32>,
      %swap3A_69 = vector.shape_cast %swap3A_68 : vector<1x16xf32> to vector<16xf32>
      %swap3A_70 = vector.shape_cast %broadcast_in_dim3A_66 : vector<16xf32> to vector<1x16xf32>
      tpu.vector_store %arg6[%swap3A, %swap3A_67], %swap3A_70 {strides = array<i32>} : memref<64x128xf32, #tpu.memory_space<vmem>>, vector<1x16xf32>,
      %broadcast_in_dim3A_71 = arith.constant 0.000000e+00 : f32
      %broadcast_in_dim3A_72 = vector.broadcast %broadcast_in_dim3A_71 : f32 to vector<16xf32>
      %swap3A_73 = arith.index_cast %add3A_65 : i32 to index
      %swap3A_74 = arith.constant 16 : index
      %swap3A_75 = tpu.vector_load %arg6[%swap3A_73, %swap3A_74] {strides = array<i32>} : memref<64x128xf32, #tpu.memory_space<vmem>>, vector<1x16xf32>,
      %swap3A_76 = vector.shape_cast %swap3A_75 : vector<1x16xf32> to vector<16xf32>
      %swap3A_77 = vector.shape_cast %broadcast_in_dim3A_72 : vector<16xf32> to vector<1x16xf32>
      tpu.vector_store %arg6[%swap3A_73, %swap3A_74], %swap3A_77 {strides = array<i32>} : memref<64x128xf32, #tpu.memory_space<vmem>>, vector<1x16xf32>,
      %broadcast_in_dim3A_78 = arith.constant 0.000000e+00 : f32
      %broadcast_in_dim3A_79 = vector.broadcast %broadcast_in_dim3A_78 : f32 to vector<16xf32>
      %swap3A_80 = arith.index_cast %add3A_65 : i32 to index
      %swap3A_81 = arith.constant 32 : index
      %swap3A_82 = tpu.vector_load %arg6[%swap3A_80, %swap3A_81] {strides = array<i32>} : memref<64x128xf32, #tpu.memory_space<vmem>>, vector<1x16xf32>,
      %swap3A_83 = vector.shape_cast %swap3A_82 : vector<1x16xf32> to vector<16xf32>
      %swap3A_84 = vector.shape_cast %broadcast_in_dim3A_79 : vector<16xf32> to vector<1x16xf32>
      tpu.vector_store %arg6[%swap3A_80, %swap3A_81], %swap3A_84 {strides = array<i32>} : memref<64x128xf32, #tpu.memory_space<vmem>>, vector<1x16xf32>,
      %broadcast_in_dim3A_85 = arith.constant 0.000000e+00 : f32
      %broadcast_in_dim3A_86 = vector.broadcast %broadcast_in_dim3A_85 : f32 to vector<16xf32>
      %swap3A_87 = arith.index_cast %add3A_65 : i32 to index
      %swap3A_88 = arith.constant 48 : index
      %swap3A_89 = tpu.vector_load %arg6[%swap3A_87, %swap3A_88] {strides = array<i32>} : memref<64x128xf32, #tpu.memory_space<vmem>>, vector<1x16xf32>,
      %swap3A_90 = vector.shape_cast %swap3A_89 : vector<1x16xf32> to vector<16xf32>
      %swap3A_91 = vector.shape_cast %broadcast_in_dim3A_86 : vector<16xf32> to vector<1x16xf32>
      tpu.vector_store %arg6[%swap3A_87, %swap3A_88], %swap3A_91 {strides = array<i32>} : memref<64x128xf32, #tpu.memory_space<vmem>>, vector<1x16xf32>,
      %broadcast_in_dim3A_92 = arith.constant 0.000000e+00 : f32
      %broadcast_in_dim3A_93 = vector.broadcast %broadcast_in_dim3A_92 : f32 to vector<16xf32>
      %swap3A_94 = arith.index_cast %add3A_65 : i32 to index
      %swap3A_95 = arith.constant 64 : index
      %swap3A_96 = tpu.vector_load %arg6[%swap3A_94, %swap3A_95] {strides = array<i32>} : memref<64x128xf32, #tpu.memory_space<vmem>>, vector<1x16xf32>,
      %swap3A_97 = vector.shape_cast %swap3A_96 : vector<1x16xf32> to vector<16xf32>
      %swap3A_98 = vector.shape_cast %broadcast_in_dim3A_93 : vector<16xf32> to vector<1x16xf32>
      tpu.vector_store %arg6[%swap3A_94, %swap3A_95], %swap3A_98 {strides = array<i32>} : memref<64x128xf32, #tpu.memory_space<vmem>>, vector<1x16xf32>,
      %broadcast_in_dim3A_99 = arith.constant 0.000000e+00 : f32
      %broadcast_in_dim3A_100 = vector.broadcast %broadcast_in_dim3A_99 : f32 to vector<16xf32>
      %swap3A_101 = arith.index_cast %add3A_65 : i32 to index
      %swap3A_102 = arith.constant 80 : index
      %swap3A_103 = tpu.vector_load %arg6[%swap3A_101, %swap3A_102] {strides = array<i32>} : memref<64x128xf32, #tpu.memory_space<vmem>>, vector<1x16xf32>,
      %swap3A_104 = vector.shape_cast %swap3A_103 : vector<1x16xf32> to vector<16xf32>
      %swap3A_105 = vector.shape_cast %broadcast_in_dim3A_100 : vector<16xf32> to vector<1x16xf32>
      tpu.vector_store %arg6[%swap3A_101, %swap3A_102], %swap3A_105 {strides = array<i32>} : memref<64x128xf32, #tpu.memory_space<vmem>>, vector<1x16xf32>,
      %broadcast_in_dim3A_106 = arith.constant 0.000000e+00 : f32
      %broadcast_in_dim3A_107 = vector.broadcast %broadcast_in_dim3A_106 : f32 to vector<16xf32>
      %swap3A_108 = arith.index_cast %add3A_65 : i32 to index
      %swap3A_109 = arith.constant 96 : index
      %swap3A_110 = tpu.vector_load %arg6[%swap3A_108, %swap3A_109] {strides = array<i32>} : memref<64x128xf32, #tpu.memory_space<vmem>>, vector<1x16xf32>,
      %swap3A_111 = vector.shape_cast %swap3A_110 : vector<1x16xf32> to vector<16xf32>
      %swap3A_112 = vector.shape_cast %broadcast_in_dim3A_107 : vector<16xf32> to vector<1x16xf32>
      tpu.vector_store %arg6[%swap3A_108, %swap3A_109], %swap3A_112 {strides = array<i32>} : memref<64x128xf32, #tpu.memory_space<vmem>>, vector<1x16xf32>,
      %broadcast_in_dim3A_113 = arith.constant 0.000000e+00 : f32
      %broadcast_in_dim3A_114 = vector.broadcast %broadcast_in_dim3A_113 : f32 to vector<16xf32>
      %swap3A_115 = arith.index_cast %add3A_65 : i32 to index
      %swap3A_116 = arith.constant 112 : index
      %swap3A_117 = tpu.vector_load %arg6[%swap3A_115, %swap3A_116] {strides = array<i32>} : memref<64x128xf32, #tpu.memory_space<vmem>>, vector<1x16xf32>,
      %swap3A_118 = vector.shape_cast %swap3A_117 : vector<1x16xf32> to vector<16xf32>
      %swap3A_119 = vector.shape_cast %broadcast_in_dim3A_114 : vector<16xf32> to vector<1x16xf32>
      tpu.vector_store %arg6[%swap3A_115, %swap3A_116], %swap3A_119 {strides = array<i32>} : memref<64x128xf32, #tpu.memory_space<vmem>>, vector<1x16xf32>,
    }
    %scan3A_4 = arith.constant 64 : i32
    %mul3A_5 = arith.constant 640 : i32
    %mul3A_6 = arith.muli %arg1, %mul3A_5 : i32
    %add3A_7 = arith.constant 0 : i32
    %add3A_8 = arith.addi %mul3A_6, %add3A_7 : i32
    "tpu.region"() ({
      %run_scoped3A = tpu.sem_alloc : memref<!tpu.dma_semaphore, #tpu.memory_space<semaphore_mem>>
      %dma_start3A = arith.constant 0 : i32
      %dma_start3A_61 = tpu.memref_slice %arg15[%add3A_8, %dma_start3A] : memref<10240x128xf32, #tpu.memory_space<vmem_shared>> -> memref<64x128xf32, #tpu.memory_space<vmem_shared>>
      %dma_start3A_62 = arith.constant 0 : i32
      %dma_start3A_63 = tpu.memref_slice %arg15[%add3A_8, %dma_start3A_62] : memref<10240x128xf32, #tpu.memory_space<vmem_shared>> -> memref<64x128xf32, #tpu.memory_space<vmem_shared>>
      tpu.enqueue_dma source(%arg6 : memref<64x128xf32, #tpu.memory_space<vmem>>) target(%dma_start3A_63 : memref<64x128xf32, #tpu.memory_space<vmem_shared>>) target_semaphore(%run_scoped3A : memref<!tpu.dma_semaphore, #tpu.memory_space<semaphore_mem>>)
      %dma_wait3A = arith.constant 0 : i32
      %dma_wait3A_64 = tpu.memref_slice %arg15[%add3A_8, %dma_wait3A] : memref<10240x128xf32, #tpu.memory_space<vmem_shared>> -> memref<64x128xf32, #tpu.memory_space<vmem_shared>>
      %dma_wait3A_65 = arith.constant 0 : i32
      %dma_wait3A_66 = tpu.memref_slice %arg15[%add3A_8, %dma_wait3A_65] : memref<10240x128xf32, #tpu.memory_space<vmem_shared>> -> memref<64x128xf32, #tpu.memory_space<vmem_shared>>
      tpu.wait_dma2 semaphore(%run_scoped3A : memref<!tpu.dma_semaphore, #tpu.memory_space<semaphore_mem>>) src(%arg6 : memref<64x128xf32, #tpu.memory_space<vmem>>) dst(%dma_wait3A_66 : memref<64x128xf32, #tpu.memory_space<vmem_shared>>)
      tpu.yield
    }) : () -> ()
    %add3A_9 = arith.constant 64 : i32
    %add3A_10 = arith.addi %mul3A_6, %add3A_9 : i32
    "tpu.region"() ({
      %run_scoped3A = tpu.sem_alloc : memref<!tpu.dma_semaphore, #tpu.memory_space<semaphore_mem>>
      %dma_start3A = arith.constant 0 : i32
      %dma_start3A_61 = tpu.memref_slice %arg15[%add3A_10, %dma_start3A] : memref<10240x128xf32, #tpu.memory_space<vmem_shared>> -> memref<64x128xf32, #tpu.memory_space<vmem_shared>>
      %dma_start3A_62 = arith.constant 0 : i32
      %dma_start3A_63 = tpu.memref_slice %arg15[%add3A_10, %dma_start3A_62] : memref<10240x128xf32, #tpu.memory_space<vmem_shared>> -> memref<64x128xf32, #tpu.memory_space<vmem_shared>>
      tpu.enqueue_dma source(%arg6 : memref<64x128xf32, #tpu.memory_space<vmem>>) target(%dma_start3A_63 : memref<64x128xf32, #tpu.memory_space<vmem_shared>>) target_semaphore(%run_scoped3A : memref<!tpu.dma_semaphore, #tpu.memory_space<semaphore_mem>>)
      %dma_wait3A = arith.constant 0 : i32
      %dma_wait3A_64 = tpu.memref_slice %arg15[%add3A_10, %dma_wait3A] : memref<10240x128xf32, #tpu.memory_space<vmem_shared>> -> memref<64x128xf32, #tpu.memory_space<vmem_shared>>
      %dma_wait3A_65 = arith.constant 0 : i32
      %dma_wait3A_66 = tpu.memref_slice %arg15[%add3A_10, %dma_wait3A_65] : memref<10240x128xf32, #tpu.memory_space<vmem_shared>> -> memref<64x128xf32, #tpu.memory_space<vmem_shared>>
      tpu.wait_dma2 semaphore(%run_scoped3A : memref<!tpu.dma_semaphore, #tpu.memory_space<semaphore_mem>>) src(%arg6 : memref<64x128xf32, #tpu.memory_space<vmem>>) dst(%dma_wait3A_66 : memref<64x128xf32, #tpu.memory_space<vmem_shared>>)
      tpu.yield
    }) : () -> ()
    %add3A_11 = arith.constant 128 : i32
    %add3A_12 = arith.addi %mul3A_6, %add3A_11 : i32
    "tpu.region"() ({
      %run_scoped3A = tpu.sem_alloc : memref<!tpu.dma_semaphore, #tpu.memory_space<semaphore_mem>>
      %dma_start3A = arith.constant 0 : i32
      %dma_start3A_61 = tpu.memref_slice %arg15[%add3A_12, %dma_start3A] : memref<10240x128xf32, #tpu.memory_space<vmem_shared>> -> memref<64x128xf32, #tpu.memory_space<vmem_shared>>
      %dma_start3A_62 = arith.constant 0 : i32
      %dma_start3A_63 = tpu.memref_slice %arg15[%add3A_12, %dma_start3A_62] : memref<10240x128xf32, #tpu.memory_space<vmem_shared>> -> memref<64x128xf32, #tpu.memory_space<vmem_shared>>
      tpu.enqueue_dma source(%arg6 : memref<64x128xf32, #tpu.memory_space<vmem>>) target(%dma_start3A_63 : memref<64x128xf32, #tpu.memory_space<vmem_shared>>) target_semaphore(%run_scoped3A : memref<!tpu.dma_semaphore, #tpu.memory_space<semaphore_mem>>)
      %dma_wait3A = arith.constant 0 : i32
      %dma_wait3A_64 = tpu.memref_slice %arg15[%add3A_12, %dma_wait3A] : memref<10240x128xf32, #tpu.memory_space<vmem_shared>> -> memref<64x128xf32, #tpu.memory_space<vmem_shared>>
      %dma_wait3A_65 = arith.constant 0 : i32
      %dma_wait3A_66 = tpu.memref_slice %arg15[%add3A_12, %dma_wait3A_65] : memref<10240x128xf32, #tpu.memory_space<vmem_shared>> -> memref<64x128xf32, #tpu.memory_space<vmem_shared>>
      tpu.wait_dma2 semaphore(%run_scoped3A : memref<!tpu.dma_semaphore, #tpu.memory_space<semaphore_mem>>) src(%arg6 : memref<64x128xf32, #tpu.memory_space<vmem>>) dst(%dma_wait3A_66 : memref<64x128xf32, #tpu.memory_space<vmem_shared>>)
      tpu.yield
    }) : () -> ()
    %add3A_13 = arith.constant 192 : i32
    %add3A_14 = arith.addi %mul3A_6, %add3A_13 : i32
    "tpu.region"() ({
      %run_scoped3A = tpu.sem_alloc : memref<!tpu.dma_semaphore, #tpu.memory_space<semaphore_mem>>
      %dma_start3A = arith.constant 0 : i32
      %dma_start3A_61 = tpu.memref_slice %arg15[%add3A_14, %dma_start3A] : memref<10240x128xf32, #tpu.memory_space<vmem_shared>> -> memref<64x128xf32, #tpu.memory_space<vmem_shared>>
      %dma_start3A_62 = arith.constant 0 : i32
      %dma_start3A_63 = tpu.memref_slice %arg15[%add3A_14, %dma_start3A_62] : memref<10240x128xf32, #tpu.memory_space<vmem_shared>> -> memref<64x128xf32, #tpu.memory_space<vmem_shared>>
      tpu.enqueue_dma source(%arg6 : memref<64x128xf32, #tpu.memory_space<vmem>>) target(%dma_start3A_63 : memref<64x128xf32, #tpu.memory_space<vmem_shared>>) target_semaphore(%run_scoped3A : memref<!tpu.dma_semaphore, #tpu.memory_space<semaphore_mem>>)
      %dma_wait3A = arith.constant 0 : i32
      %dma_wait3A_64 = tpu.memref_slice %arg15[%add3A_14, %dma_wait3A] : memref<10240x128xf32, #tpu.memory_space<vmem_shared>> -> memref<64x128xf32, #tpu.memory_space<vmem_shared>>
      %dma_wait3A_65 = arith.constant 0 : i32
      %dma_wait3A_66 = tpu.memref_slice %arg15[%add3A_14, %dma_wait3A_65] : memref<10240x128xf32, #tpu.memory_space<vmem_shared>> -> memref<64x128xf32, #tpu.memory_space<vmem_shared>>
      tpu.wait_dma2 semaphore(%run_scoped3A : memref<!tpu.dma_semaphore, #tpu.memory_space<semaphore_mem>>) src(%arg6 : memref<64x128xf32, #tpu.memory_space<vmem>>) dst(%dma_wait3A_66 : memref<64x128xf32, #tpu.memory_space<vmem_shared>>)
      tpu.yield
    }) : () -> ()
    %add3A_15 = arith.constant 256 : i32
    %add3A_16 = arith.addi %mul3A_6, %add3A_15 : i32
    "tpu.region"() ({
      %run_scoped3A = tpu.sem_alloc : memref<!tpu.dma_semaphore, #tpu.memory_space<semaphore_mem>>
      %dma_start3A = arith.constant 0 : i32
      %dma_start3A_61 = tpu.memref_slice %arg15[%add3A_16, %dma_start3A] : memref<10240x128xf32, #tpu.memory_space<vmem_shared>> -> memref<64x128xf32, #tpu.memory_space<vmem_shared>>
      %dma_start3A_62 = arith.constant 0 : i32
      %dma_start3A_63 = tpu.memref_slice %arg15[%add3A_16, %dma_start3A_62] : memref<10240x128xf32, #tpu.memory_space<vmem_shared>> -> memref<64x128xf32, #tpu.memory_space<vmem_shared>>
      tpu.enqueue_dma source(%arg6 : memref<64x128xf32, #tpu.memory_space<vmem>>) target(%dma_start3A_63 : memref<64x128xf32, #tpu.memory_space<vmem_shared>>) target_semaphore(%run_scoped3A : memref<!tpu.dma_semaphore, #tpu.memory_space<semaphore_mem>>)
      %dma_wait3A = arith.constant 0 : i32
      %dma_wait3A_64 = tpu.memref_slice %arg15[%add3A_16, %dma_wait3A] : memref<10240x128xf32, #tpu.memory_space<vmem_shared>> -> memref<64x128xf32, #tpu.memory_space<vmem_shared>>
      %dma_wait3A_65 = arith.constant 0 : i32
      %dma_wait3A_66 = tpu.memref_slice %arg15[%add3A_16, %dma_wait3A_65] : memref<10240x128xf32, #tpu.memory_space<vmem_shared>> -> memref<64x128xf32, #tpu.memory_space<vmem_shared>>
      tpu.wait_dma2 semaphore(%run_scoped3A : memref<!tpu.dma_semaphore, #tpu.memory_space<semaphore_mem>>) src(%arg6 : memref<64x128xf32, #tpu.memory_space<vmem>>) dst(%dma_wait3A_66 : memref<64x128xf32, #tpu.memory_space<vmem_shared>>)
      tpu.yield
    }) : () -> ()
    %add3A_17 = arith.constant 320 : i32
    %add3A_18 = arith.addi %mul3A_6, %add3A_17 : i32
    "tpu.region"() ({
      %run_scoped3A = tpu.sem_alloc : memref<!tpu.dma_semaphore, #tpu.memory_space<semaphore_mem>>
      %dma_start3A = arith.constant 0 : i32
      %dma_start3A_61 = tpu.memref_slice %arg15[%add3A_18, %dma_start3A] : memref<10240x128xf32, #tpu.memory_space<vmem_shared>> -> memref<64x128xf32, #tpu.memory_space<vmem_shared>>
      %dma_start3A_62 = arith.constant 0 : i32
      %dma_start3A_63 = tpu.memref_slice %arg15[%add3A_18, %dma_start3A_62] : memref<10240x128xf32, #tpu.memory_space<vmem_shared>> -> memref<64x128xf32, #tpu.memory_space<vmem_shared>>
      tpu.enqueue_dma source(%arg6 : memref<64x128xf32, #tpu.memory_space<vmem>>) target(%dma_start3A_63 : memref<64x128xf32, #tpu.memory_space<vmem_shared>>) target_semaphore(%run_scoped3A : memref<!tpu.dma_semaphore, #tpu.memory_space<semaphore_mem>>)
      %dma_wait3A = arith.constant 0 : i32
      %dma_wait3A_64 = tpu.memref_slice %arg15[%add3A_18, %dma_wait3A] : memref<10240x128xf32, #tpu.memory_space<vmem_shared>> -> memref<64x128xf32, #tpu.memory_space<vmem_shared>>
      %dma_wait3A_65 = arith.constant 0 : i32
      %dma_wait3A_66 = tpu.memref_slice %arg15[%add3A_18, %dma_wait3A_65] : memref<10240x128xf32, #tpu.memory_space<vmem_shared>> -> memref<64x128xf32, #tpu.memory_space<vmem_shared>>
      tpu.wait_dma2 semaphore(%run_scoped3A : memref<!tpu.dma_semaphore, #tpu.memory_space<semaphore_mem>>) src(%arg6 : memref<64x128xf32, #tpu.memory_space<vmem>>) dst(%dma_wait3A_66 : memref<64x128xf32, #tpu.memory_space<vmem_shared>>)
      tpu.yield
    }) : () -> ()
    %add3A_19 = arith.constant 384 : i32
    %add3A_20 = arith.addi %mul3A_6, %add3A_19 : i32
    "tpu.region"() ({
      %run_scoped3A = tpu.sem_alloc : memref<!tpu.dma_semaphore, #tpu.memory_space<semaphore_mem>>
      %dma_start3A = arith.constant 0 : i32
      %dma_start3A_61 = tpu.memref_slice %arg15[%add3A_20, %dma_start3A] : memref<10240x128xf32, #tpu.memory_space<vmem_shared>> -> memref<64x128xf32, #tpu.memory_space<vmem_shared>>
      %dma_start3A_62 = arith.constant 0 : i32
      %dma_start3A_63 = tpu.memref_slice %arg15[%add3A_20, %dma_start3A_62] : memref<10240x128xf32, #tpu.memory_space<vmem_shared>> -> memref<64x128xf32, #tpu.memory_space<vmem_shared>>
      tpu.enqueue_dma source(%arg6 : memref<64x128xf32, #tpu.memory_space<vmem>>) target(%dma_start3A_63 : memref<64x128xf32, #tpu.memory_space<vmem_shared>>) target_semaphore(%run_scoped3A : memref<!tpu.dma_semaphore, #tpu.memory_space<semaphore_mem>>)
      %dma_wait3A = arith.constant 0 : i32
      %dma_wait3A_64 = tpu.memref_slice %arg15[%add3A_20, %dma_wait3A] : memref<10240x128xf32, #tpu.memory_space<vmem_shared>> -> memref<64x128xf32, #tpu.memory_space<vmem_shared>>
      %dma_wait3A_65 = arith.constant 0 : i32
      %dma_wait3A_66 = tpu.memref_slice %arg15[%add3A_20, %dma_wait3A_65] : memref<10240x128xf32, #tpu.memory_space<vmem_shared>> -> memref<64x128xf32, #tpu.memory_space<vmem_shared>>
      tpu.wait_dma2 semaphore(%run_scoped3A : memref<!tpu.dma_semaphore, #tpu.memory_space<semaphore_mem>>) src(%arg6 : memref<64x128xf32, #tpu.memory_space<vmem>>) dst(%dma_wait3A_66 : memref<64x128xf32, #tpu.memory_space<vmem_shared>>)
      tpu.yield
    }) : () -> ()
    %add3A_21 = arith.constant 448 : i32
    %add3A_22 = arith.addi %mul3A_6, %add3A_21 : i32
    "tpu.region"() ({
      %run_scoped3A = tpu.sem_alloc : memref<!tpu.dma_semaphore, #tpu.memory_space<semaphore_mem>>
      %dma_start3A = arith.constant 0 : i32
      %dma_start3A_61 = tpu.memref_slice %arg15[%add3A_22, %dma_start3A] : memref<10240x128xf32, #tpu.memory_space<vmem_shared>> -> memref<64x128xf32, #tpu.memory_space<vmem_shared>>
      %dma_start3A_62 = arith.constant 0 : i32
      %dma_start3A_63 = tpu.memref_slice %arg15[%add3A_22, %dma_start3A_62] : memref<10240x128xf32, #tpu.memory_space<vmem_shared>> -> memref<64x128xf32, #tpu.memory_space<vmem_shared>>
      tpu.enqueue_dma source(%arg6 : memref<64x128xf32, #tpu.memory_space<vmem>>) target(%dma_start3A_63 : memref<64x128xf32, #tpu.memory_space<vmem_shared>>) target_semaphore(%run_scoped3A : memref<!tpu.dma_semaphore, #tpu.memory_space<semaphore_mem>>)
      %dma_wait3A = arith.constant 0 : i32
      %dma_wait3A_64 = tpu.memref_slice %arg15[%add3A_22, %dma_wait3A] : memref<10240x128xf32, #tpu.memory_space<vmem_shared>> -> memref<64x128xf32, #tpu.memory_space<vmem_shared>>
      %dma_wait3A_65 = arith.constant 0 : i32
      %dma_wait3A_66 = tpu.memref_slice %arg15[%add3A_22, %dma_wait3A_65] : memref<10240x128xf32, #tpu.memory_space<vmem_shared>> -> memref<64x128xf32, #tpu.memory_space<vmem_shared>>
      tpu.wait_dma2 semaphore(%run_scoped3A : memref<!tpu.dma_semaphore, #tpu.memory_space<semaphore_mem>>) src(%arg6 : memref<64x128xf32, #tpu.memory_space<vmem>>) dst(%dma_wait3A_66 : memref<64x128xf32, #tpu.memory_space<vmem_shared>>)
      tpu.yield
    }) : () -> ()
    %add3A_23 = arith.constant 512 : i32
    %add3A_24 = arith.addi %mul3A_6, %add3A_23 : i32
    "tpu.region"() ({
      %run_scoped3A = tpu.sem_alloc : memref<!tpu.dma_semaphore, #tpu.memory_space<semaphore_mem>>
      %dma_start3A = arith.constant 0 : i32
      %dma_start3A_61 = tpu.memref_slice %arg15[%add3A_24, %dma_start3A] : memref<10240x128xf32, #tpu.memory_space<vmem_shared>> -> memref<64x128xf32, #tpu.memory_space<vmem_shared>>
      %dma_start3A_62 = arith.constant 0 : i32
      %dma_start3A_63 = tpu.memref_slice %arg15[%add3A_24, %dma_start3A_62] : memref<10240x128xf32, #tpu.memory_space<vmem_shared>> -> memref<64x128xf32, #tpu.memory_space<vmem_shared>>
      tpu.enqueue_dma source(%arg6 : memref<64x128xf32, #tpu.memory_space<vmem>>) target(%dma_start3A_63 : memref<64x128xf32, #tpu.memory_space<vmem_shared>>) target_semaphore(%run_scoped3A : memref<!tpu.dma_semaphore, #tpu.memory_space<semaphore_mem>>)
      %dma_wait3A = arith.constant 0 : i32
      %dma_wait3A_64 = tpu.memref_slice %arg15[%add3A_24, %dma_wait3A] : memref<10240x128xf32, #tpu.memory_space<vmem_shared>> -> memref<64x128xf32, #tpu.memory_space<vmem_shared>>
      %dma_wait3A_65 = arith.constant 0 : i32
      %dma_wait3A_66 = tpu.memref_slice %arg15[%add3A_24, %dma_wait3A_65] : memref<10240x128xf32, #tpu.memory_space<vmem_shared>> -> memref<64x128xf32, #tpu.memory_space<vmem_shared>>
      tpu.wait_dma2 semaphore(%run_scoped3A : memref<!tpu.dma_semaphore, #tpu.memory_space<semaphore_mem>>) src(%arg6 : memref<64x128xf32, #tpu.memory_space<vmem>>) dst(%dma_wait3A_66 : memref<64x128xf32, #tpu.memory_space<vmem_shared>>)
      tpu.yield
    }) : () -> ()
    %add3A_25 = arith.constant 576 : i32
    %add3A_26 = arith.addi %mul3A_6, %add3A_25 : i32
    "tpu.region"() ({
      %run_scoped3A = tpu.sem_alloc : memref<!tpu.dma_semaphore, #tpu.memory_space<semaphore_mem>>
      %dma_start3A = arith.constant 0 : i32
      %dma_start3A_61 = tpu.memref_slice %arg15[%add3A_26, %dma_start3A] : memref<10240x128xf32, #tpu.memory_space<vmem_shared>> -> memref<64x128xf32, #tpu.memory_space<vmem_shared>>
      %dma_start3A_62 = arith.constant 0 : i32
      %dma_start3A_63 = tpu.memref_slice %arg15[%add3A_26, %dma_start3A_62] : memref<10240x128xf32, #tpu.memory_space<vmem_shared>> -> memref<64x128xf32, #tpu.memory_space<vmem_shared>>
      tpu.enqueue_dma source(%arg6 : memref<64x128xf32, #tpu.memory_space<vmem>>) target(%dma_start3A_63 : memref<64x128xf32, #tpu.memory_space<vmem_shared>>) target_semaphore(%run_scoped3A : memref<!tpu.dma_semaphore, #tpu.memory_space<semaphore_mem>>)
      %dma_wait3A = arith.constant 0 : i32
      %dma_wait3A_64 = tpu.memref_slice %arg15[%add3A_26, %dma_wait3A] : memref<10240x128xf32, #tpu.memory_space<vmem_shared>> -> memref<64x128xf32, #tpu.memory_space<vmem_shared>>
      %dma_wait3A_65 = arith.constant 0 : i32
      %dma_wait3A_66 = tpu.memref_slice %arg15[%add3A_26, %dma_wait3A_65] : memref<10240x128xf32, #tpu.memory_space<vmem_shared>> -> memref<64x128xf32, #tpu.memory_space<vmem_shared>>
      tpu.wait_dma2 semaphore(%run_scoped3A : memref<!tpu.dma_semaphore, #tpu.memory_space<semaphore_mem>>) src(%arg6 : memref<64x128xf32, #tpu.memory_space<vmem>>) dst(%dma_wait3A_66 : memref<64x128xf32, #tpu.memory_space<vmem_shared>>)
      tpu.yield
    }) : () -> ()
    %barrier3A = arith.constant 0 : index
    tpu.barrier barrier_id(%barrier3A)
    %add3A_27 = arith.constant 0 : i32
    %add3A_28 = arith.addi %add3A, %add3A_27 : i32
    %lt3A = arith.constant 2500 : i32
    %lt3A_29 = arith.cmpi slt, %add3A_28, %lt3A : i32
    %convert_element_type3A = arith.extui %lt3A_29 : i1 to i32
    %cond3A = arith.constant 0 : i32
    %cond3A_30 = arith.cmpi ne, %convert_element_type3A, %cond3A : i32
    scf.if %cond3A_30 {
      %add3A_61 = arith.constant 0 : i32
      %add3A_62 = arith.addi %add3A, %add3A_61 : i32
      %mul3A_63 = arith.constant 128 : i32
      %mul3A_64 = arith.muli %add3A_62, %mul3A_63 : i32
      %dma_start3A = tpu.memref_slice %arg3[%mul3A_64] : memref<320000xi32, #tpu.memory_space<hbm>> -> memref<128xi32, #tpu.memory_space<hbm>>
      %dma_start3A_65 = tpu.memref_slice %arg3[%mul3A_64] : memref<320000xi32, #tpu.memory_space<hbm>> -> memref<128xi32, #tpu.memory_space<hbm>>
      tpu.enqueue_dma source(%dma_start3A_65 : memref<128xi32, #tpu.memory_space<hbm>>) target(%arg7 : memref<128xi32, #tpu.memory_space<vmem>>) target_semaphore(%arg16 : memref<!tpu.dma_semaphore, #tpu.memory_space<semaphore_mem>>)
      %dma_start3A_66 = tpu.memref_slice %arg4[%mul3A_64] : memref<320000xi32, #tpu.memory_space<hbm>> -> memref<128xi32, #tpu.memory_space<hbm>>
      %dma_start3A_67 = tpu.memref_slice %arg4[%mul3A_64] : memref<320000xi32, #tpu.memory_space<hbm>> -> memref<128xi32, #tpu.memory_space<hbm>>
      tpu.enqueue_dma source(%dma_start3A_67 : memref<128xi32, #tpu.memory_space<hbm>>) target(%arg10 : memref<128xi32, #tpu.memory_space<vmem>>) target_semaphore(%arg19 : memref<!tpu.dma_semaphore, #tpu.memory_space<semaphore_mem>>)
    } else {
    }
    %add3A_31 = arith.constant 0 : i32
    %add3A_32 = arith.addi %add3A, %add3A_31 : i32
    %lt3A_33 = arith.constant 2500 : i32
    %lt3A_34 = arith.cmpi slt, %add3A_32, %lt3A_33 : i32
    %convert_element_type3A_35 = arith.extui %lt3A_34 : i1 to i32
    %cond3A_36 = arith.constant 0 : i32
    %cond3A_37 = arith.cmpi ne, %convert_element_type3A_35, %cond3A_36 : i32
    scf.if %cond3A_37 {
      %add3A_61 = arith.constant 0 : i32
      %add3A_62 = arith.addi %add3A, %add3A_61 : i32
      %mul3A_63 = arith.constant 128 : i32
      %mul3A_64 = arith.muli %add3A_62, %mul3A_63 : i32
      %dma_wait3A = tpu.memref_slice %arg3[%mul3A_64] : memref<320000xi32, #tpu.memory_space<hbm>> -> memref<128xi32, #tpu.memory_space<hbm>>
      %dma_wait3A_65 = tpu.memref_slice %arg3[%mul3A_64] : memref<320000xi32, #tpu.memory_space<hbm>> -> memref<128xi32, #tpu.memory_space<hbm>>
      tpu.wait_dma2 semaphore(%arg16 : memref<!tpu.dma_semaphore, #tpu.memory_space<semaphore_mem>>) src(%dma_wait3A_65 : memref<128xi32, #tpu.memory_space<hbm>>) dst(%arg7 : memref<128xi32, #tpu.memory_space<vmem>>)
      %dma_wait3A_66 = tpu.memref_slice %arg4[%mul3A_64] : memref<320000xi32, #tpu.memory_space<hbm>> -> memref<128xi32, #tpu.memory_space<hbm>>
      %dma_wait3A_67 = tpu.memref_slice %arg4[%mul3A_64] : memref<320000xi32, #tpu.memory_space<hbm>> -> memref<128xi32, #tpu.memory_space<hbm>>
      tpu.wait_dma2 semaphore(%arg19 : memref<!tpu.dma_semaphore, #tpu.memory_space<semaphore_mem>>) src(%dma_wait3A_67 : memref<128xi32, #tpu.memory_space<hbm>>) dst(%arg10 : memref<128xi32, #tpu.memory_space<vmem>>)
    } else {
    }
    %add3A_38 = arith.constant 0 : i32
    %add3A_39 = arith.addi %add3A, %add3A_38 : i32
    %lt3A_40 = arith.constant 2500 : i32
    %lt3A_41 = arith.cmpi slt, %add3A_39, %lt3A_40 : i32
    %convert_element_type3A_42 = arith.extui %lt3A_41 : i1 to i32
    %cond3A_43 = arith.constant 0 : i32
    %cond3A_44 = arith.cmpi ne, %convert_element_type3A_42, %cond3A_43 : i32
    scf.if %cond3A_44 {
      %dma_start3A = arith.constant 0 : i32
      %dma_start3A_61 = arith.constant 0 : i32
      %dma_start3A_62 = tpu.memref_slice %arg2[%dma_start3A, %dma_start3A_61] : memref<50000x128xf32, #tpu.memory_space<hbm>> -> memref<50000x128xf32, #tpu.memory_space<hbm>>
      tpu.enqueue_indirect_dma source(%dma_start3A_62 : memref<50000x128xf32, #tpu.memory_space<hbm>>) target(%arg13 : memref<128x128xf32, #tpu.memory_space<vmem>>) offsets(%arg7 : memref<128xi32, #tpu.memory_space<vmem>>) semaphore(%arg22 : memref<!tpu.dma_semaphore, #tpu.memory_space<semaphore_mem>>)
    } else {
    }
    %add3A_45 = arith.constant 32 : i32
    %add3A_46 = arith.addi %add3A, %add3A_45 : i32
    %lt3A_47 = arith.constant 2500 : i32
    %lt3A_48 = arith.cmpi slt, %add3A_46, %lt3A_47 : i32
    %convert_element_type3A_49 = arith.extui %lt3A_48 : i1 to i32
    %cond3A_50 = arith.constant 0 : i32
    %cond3A_51 = arith.cmpi ne, %convert_element_type3A_49, %cond3A_50 : i32
    scf.if %cond3A_51 {
      %add3A_61 = arith.constant 32 : i32
      %add3A_62 = arith.addi %add3A, %add3A_61 : i32
      %mul3A_63 = arith.constant 128 : i32
      %mul3A_64 = arith.muli %add3A_62, %mul3A_63 : i32
      %dma_start3A = tpu.memref_slice %arg3[%mul3A_64] : memref<320000xi32, #tpu.memory_space<hbm>> -> memref<128xi32, #tpu.memory_space<hbm>>
      %dma_start3A_65 = tpu.memref_slice %arg3[%mul3A_64] : memref<320000xi32, #tpu.memory_space<hbm>> -> memref<128xi32, #tpu.memory_space<hbm>>
      tpu.enqueue_dma source(%dma_start3A_65 : memref<128xi32, #tpu.memory_space<hbm>>) target(%arg8 : memref<128xi32, #tpu.memory_space<vmem>>) target_semaphore(%arg17 : memref<!tpu.dma_semaphore, #tpu.memory_space<semaphore_mem>>)
      %dma_start3A_66 = tpu.memref_slice %arg4[%mul3A_64] : memref<320000xi32, #tpu.memory_space<hbm>> -> memref<128xi32, #tpu.memory_space<hbm>>
      %dma_start3A_67 = tpu.memref_slice %arg4[%mul3A_64] : memref<320000xi32, #tpu.memory_space<hbm>> -> memref<128xi32, #tpu.memory_space<hbm>>
      tpu.enqueue_dma source(%dma_start3A_67 : memref<128xi32, #tpu.memory_space<hbm>>) target(%arg11 : memref<128xi32, #tpu.memory_space<vmem>>) target_semaphore(%arg20 : memref<!tpu.dma_semaphore, #tpu.memory_space<semaphore_mem>>)
    } else {
    }
    %scan3A_52 = arith.constant 0 : i32
    %scan3A_53 = arith.constant 14 : i32
    %scan3A_54 = arith.addi %scan3A_52, %scan3A_53 : i32
    %scan3A_55 = arith.constant 1 : i32
    scf.for %scan3A_61 = %scan3A_52 to %scan3A_54 step %scan3A_55  : i32 {
      %mul3A_62 = arith.constant 1 : i32
      %mul3A_63 = arith.muli %scan3A_61, %mul3A_62 : i32
      %add3A_64 = arith.constant 0 : i32
      %add3A_65 = arith.addi %add3A_64, %mul3A_63 : i32
      %mul3A_66 = arith.constant 6 : i32
      %mul3A_67 = arith.muli %mul3A_66, %add3A_65 : i32
      %add3A_68 = arith.constant 0 : i32
      %add3A_69 = arith.addi %mul3A_67, %add3A_68 : i32
      %mul3A_70 = arith.constant 32 : i32
      %mul3A_71 = arith.muli %mul3A_70, %add3A_69 : i32
      %add3A_72 = arith.addi %add3A, %mul3A_71 : i32
      %lt3A_73 = arith.constant 2500 : i32
      %lt3A_74 = arith.cmpi slt, %add3A_72, %lt3A_73 : i32
      %convert_element_type3A_75 = arith.extui %lt3A_74 : i1 to i32
      %cond3A_76 = arith.constant 0 : i32
      %cond3A_77 = arith.cmpi ne, %convert_element_type3A_75, %cond3A_76 : i32
      scf.if %cond3A_77 {
        %dma_wait3A = arith.constant 0 : i32
        %dma_wait3A_441 = arith.constant 0 : i32
        %dma_wait3A_442 = tpu.memref_slice %arg2[%dma_wait3A, %dma_wait3A_441] : memref<50000x128xf32, #tpu.memory_space<hbm>> -> memref<50000x128xf32, #tpu.memory_space<hbm>>
        tpu.wait_indirect_dma semaphore(%arg22 : memref<!tpu.dma_semaphore, #tpu.memory_space<semaphore_mem>>) src(%dma_wait3A_442 : memref<50000x128xf32, #tpu.memory_space<hbm>>) dst(%arg13 : memref<128x128xf32, #tpu.memory_space<vmem>>)
      } else {
      }
      %mul3A_78 = arith.constant 32 : i32
      %mul3A_79 = arith.muli %mul3A_78, %add3A_69 : i32
      %add3A_80 = arith.addi %add3A, %mul3A_79 : i32
      %lt3A_81 = arith.constant 2500 : i32
      %lt3A_82 = arith.cmpi slt, %add3A_80, %lt3A_81 : i32
      %convert_element_type3A_83 = arith.extui %lt3A_82 : i1 to i32
      %cond3A_84 = arith.constant 0 : i32
      %cond3A_85 = arith.cmpi ne, %convert_element_type3A_83, %cond3A_84 : i32
      scf.if %cond3A_85 {
        %dma_start3A = arith.constant 0 : i32
        %dma_start3A_441 = arith.constant 0 : i32
        %dma_start3A_442 = tpu.memref_slice %arg15[%dma_start3A, %dma_start3A_441] : memref<10240x128xf32, #tpu.memory_space<vmem_shared>> -> memref<10240x128xf32, #tpu.memory_space<vmem_shared>>
        tpu.enqueue_indirect_dma source(%arg13 : memref<128x128xf32, #tpu.memory_space<vmem>>) target(%dma_start3A_442 : memref<10240x128xf32, #tpu.memory_space<vmem_shared>>) offsets(%arg10 : memref<128xi32, #tpu.memory_space<vmem>>) semaphore(%arg24 : memref<!tpu.dma_semaphore, #tpu.memory_space<semaphore_mem>>) {add = true}
      } else {
      }
      %sub3A = arith.constant 1 : i32
      %sub3A_86 = arith.subi %add3A_69, %sub3A : i32
      %ge3A = arith.constant 0 : i32
      %ge3A_87 = arith.cmpi sge, %sub3A_86, %ge3A : i32
      %mul3A_88 = arith.constant 32 : i32
      %mul3A_89 = arith.muli %mul3A_88, %sub3A_86 : i32
      %add3A_90 = arith.addi %add3A, %mul3A_89 : i32
      %lt3A_91 = arith.constant 2500 : i32
      %lt3A_92 = arith.cmpi slt, %add3A_90, %lt3A_91 : i32
      %and3A = arith.andi %ge3A_87, %lt3A_92 : i1
      %convert_element_type3A_93 = arith.extui %and3A : i1 to i32
      %cond3A_94 = arith.constant 0 : i32
      %cond3A_95 = arith.cmpi ne, %convert_element_type3A_93, %cond3A_94 : i32
      scf.if %cond3A_95 {
        %dma_wait3A = arith.constant 0 : i32
        %dma_wait3A_441 = arith.constant 0 : i32
        %dma_wait3A_442 = tpu.memref_slice %arg15[%dma_wait3A, %dma_wait3A_441] : memref<10240x128xf32, #tpu.memory_space<vmem_shared>> -> memref<10240x128xf32, #tpu.memory_space<vmem_shared>>
        tpu.wait_indirect_dma semaphore(%arg25 : memref<!tpu.dma_semaphore, #tpu.memory_space<semaphore_mem>>) src(%arg14 : memref<128x128xf32, #tpu.memory_space<vmem>>) dst(%dma_wait3A_442 : memref<10240x128xf32, #tpu.memory_space<vmem_shared>>)
      } else {
      }
      %add3A_96 = arith.constant 1 : i32
      %add3A_97 = arith.addi %add3A_69, %add3A_96 : i32
      %mul3A_98 = arith.constant 32 : i32
      %mul3A_99 = arith.muli %mul3A_98, %add3A_97 : i32
      %add3A_100 = arith.addi %add3A, %mul3A_99 : i32
      %lt3A_101 = arith.constant 2500 : i32
      %lt3A_102 = arith.cmpi slt, %add3A_100, %lt3A_101 : i32
      %convert_element_type3A_103 = arith.extui %lt3A_102 : i1 to i32
      %cond3A_104 = arith.constant 0 : i32
      %cond3A_105 = arith.cmpi ne, %convert_element_type3A_103, %cond3A_104 : i32
      scf.if %cond3A_105 {
        %mul3A_441 = arith.constant 32 : i32
        %mul3A_442 = arith.muli %mul3A_441, %add3A_97 : i32
        %add3A_443 = arith.addi %add3A, %mul3A_442 : i32
        %mul3A_444 = arith.constant 128 : i32
        %mul3A_445 = arith.muli %add3A_443, %mul3A_444 : i32
        %dma_wait3A = tpu.memref_slice %arg3[%mul3A_445] : memref<320000xi32, #tpu.memory_space<hbm>> -> memref<128xi32, #tpu.memory_space<hbm>>
        %dma_wait3A_446 = tpu.memref_slice %arg3[%mul3A_445] : memref<320000xi32, #tpu.memory_space<hbm>> -> memref<128xi32, #tpu.memory_space<hbm>>
        tpu.wait_dma2 semaphore(%arg17 : memref<!tpu.dma_semaphore, #tpu.memory_space<semaphore_mem>>) src(%dma_wait3A_446 : memref<128xi32, #tpu.memory_space<hbm>>) dst(%arg8 : memref<128xi32, #tpu.memory_space<vmem>>)
        %dma_wait3A_447 = tpu.memref_slice %arg4[%mul3A_445] : memref<320000xi32, #tpu.memory_space<hbm>> -> memref<128xi32, #tpu.memory_space<hbm>>
        %dma_wait3A_448 = tpu.memref_slice %arg4[%mul3A_445] : memref<320000xi32, #tpu.memory_space<hbm>> -> memref<128xi32, #tpu.memory_space<hbm>>
        tpu.wait_dma2 semaphore(%arg20 : memref<!tpu.dma_semaphore, #tpu.memory_space<semaphore_mem>>) src(%dma_wait3A_448 : memref<128xi32, #tpu.memory_space<hbm>>) dst(%arg11 : memref<128xi32, #tpu.memory_space<vmem>>)
      } else {
      }
      %add3A_106 = arith.constant 1 : i32
      %add3A_107 = arith.addi %add3A_69, %add3A_106 : i32
      %mul3A_108 = arith.constant 32 : i32
      %mul3A_109 = arith.muli %mul3A_108, %add3A_107 : i32
      %add3A_110 = arith.addi %add3A, %mul3A_109 : i32
      %lt3A_111 = arith.constant 2500 : i32
      %lt3A_112 = arith.cmpi slt, %add3A_110, %lt3A_111 : i32
      %convert_element_type3A_113 = arith.extui %lt3A_112 : i1 to i32
      %cond3A_114 = arith.constant 0 : i32
      %cond3A_115 = arith.cmpi ne, %convert_element_type3A_113, %cond3A_114 : i32
      scf.if %cond3A_115 {
        %dma_start3A = arith.constant 0 : i32
        %dma_start3A_441 = arith.constant 0 : i32
        %dma_start3A_442 = tpu.memref_slice %arg2[%dma_start3A, %dma_start3A_441] : memref<50000x128xf32, #tpu.memory_space<hbm>> -> memref<50000x128xf32, #tpu.memory_space<hbm>>
        tpu.enqueue_indirect_dma source(%dma_start3A_442 : memref<50000x128xf32, #tpu.memory_space<hbm>>) target(%arg14 : memref<128x128xf32, #tpu.memory_space<vmem>>) offsets(%arg8 : memref<128xi32, #tpu.memory_space<vmem>>) semaphore(%arg23 : memref<!tpu.dma_semaphore, #tpu.memory_space<semaphore_mem>>)
      } else {
      }
      %add3A_116 = arith.constant 2 : i32
      %add3A_117 = arith.addi %add3A_69, %add3A_116 : i32
      %mul3A_118 = arith.constant 32 : i32
      %mul3A_119 = arith.muli %mul3A_118, %add3A_117 : i32
      %add3A_120 = arith.addi %add3A, %mul3A_119 : i32
      %lt3A_121 = arith.constant 2500 : i32
      %lt3A_122 = arith.cmpi slt, %add3A_120, %lt3A_121 : i32
      %convert_element_type3A_123 = arith.extui %lt3A_122 : i1 to i32
      %cond3A_124 = arith.constant 0 : i32
      %cond3A_125 = arith.cmpi ne, %convert_element_type3A_123, %cond3A_124 : i32
      scf.if %cond3A_125 {
        %mul3A_441 = arith.constant 32 : i32
        %mul3A_442 = arith.muli %mul3A_441, %add3A_117 : i32
        %add3A_443 = arith.addi %add3A, %mul3A_442 : i32
        %mul3A_444 = arith.constant 128 : i32
        %mul3A_445 = arith.muli %add3A_443, %mul3A_444 : i32
        %dma_start3A = tpu.memref_slice %arg3[%mul3A_445] : memref<320000xi32, #tpu.memory_space<hbm>> -> memref<128xi32, #tpu.memory_space<hbm>>
        %dma_start3A_446 = tpu.memref_slice %arg3[%mul3A_445] : memref<320000xi32, #tpu.memory_space<hbm>> -> memref<128xi32, #tpu.memory_space<hbm>>
        tpu.enqueue_dma source(%dma_start3A_446 : memref<128xi32, #tpu.memory_space<hbm>>) target(%arg9 : memref<128xi32, #tpu.memory_space<vmem>>) target_semaphore(%arg18 : memref<!tpu.dma_semaphore, #tpu.memory_space<semaphore_mem>>)
        %dma_start3A_447 = tpu.memref_slice %arg4[%mul3A_445] : memref<320000xi32, #tpu.memory_space<hbm>> -> memref<128xi32, #tpu.memory_space<hbm>>
        %dma_start3A_448 = tpu.memref_slice %arg4[%mul3A_445] : memref<320000xi32, #tpu.memory_space<hbm>> -> memref<128xi32, #tpu.memory_space<hbm>>
        tpu.enqueue_dma source(%dma_start3A_448 : memref<128xi32, #tpu.memory_space<hbm>>) target(%arg12 : memref<128xi32, #tpu.memory_space<vmem>>) target_semaphore(%arg21 : memref<!tpu.dma_semaphore, #tpu.memory_space<semaphore_mem>>)
      } else {
      }
      %mul3A_126 = arith.constant 6 : i32
      %mul3A_127 = arith.muli %mul3A_126, %add3A_65 : i32
      %add3A_128 = arith.constant 1 : i32
      %add3A_129 = arith.addi %mul3A_127, %add3A_128 : i32
      %mul3A_130 = arith.constant 32 : i32
      %mul3A_131 = arith.muli %mul3A_130, %add3A_129 : i32
      %add3A_132 = arith.addi %add3A, %mul3A_131 : i32
      %lt3A_133 = arith.constant 2500 : i32
      %lt3A_134 = arith.cmpi slt, %add3A_132, %lt3A_133 : i32
      %convert_element_type3A_135 = arith.extui %lt3A_134 : i1 to i32
      %cond3A_136 = arith.constant 0 : i32
      %cond3A_137 = arith.cmpi ne, %convert_element_type3A_135, %cond3A_136 : i32
      scf.if %cond3A_137 {
        %dma_wait3A = arith.constant 0 : i32
        %dma_wait3A_441 = arith.constant 0 : i32
        %dma_wait3A_442 = tpu.memref_slice %arg2[%dma_wait3A, %dma_wait3A_441] : memref<50000x128xf32, #tpu.memory_space<hbm>> -> memref<50000x128xf32, #tpu.memory_space<hbm>>
        tpu.wait_indirect_dma semaphore(%arg23 : memref<!tpu.dma_semaphore, #tpu.memory_space<semaphore_mem>>) src(%dma_wait3A_442 : memref<50000x128xf32, #tpu.memory_space<hbm>>) dst(%arg14 : memref<128x128xf32, #tpu.memory_space<vmem>>)
      } else {
      }
      %mul3A_138 = arith.constant 32 : i32
      %mul3A_139 = arith.muli %mul3A_138, %add3A_129 : i32
      %add3A_140 = arith.addi %add3A, %mul3A_139 : i32
      %lt3A_141 = arith.constant 2500 : i32
      %lt3A_142 = arith.cmpi slt, %add3A_140, %lt3A_141 : i32
      %convert_element_type3A_143 = arith.extui %lt3A_142 : i1 to i32
      %cond3A_144 = arith.constant 0 : i32
      %cond3A_145 = arith.cmpi ne, %convert_element_type3A_143, %cond3A_144 : i32
      scf.if %cond3A_145 {
        %dma_start3A = arith.constant 0 : i32
        %dma_start3A_441 = arith.constant 0 : i32
        %dma_start3A_442 = tpu.memref_slice %arg15[%dma_start3A, %dma_start3A_441] : memref<10240x128xf32, #tpu.memory_space<vmem_shared>> -> memref<10240x128xf32, #tpu.memory_space<vmem_shared>>
        tpu.enqueue_indirect_dma source(%arg14 : memref<128x128xf32, #tpu.memory_space<vmem>>) target(%dma_start3A_442 : memref<10240x128xf32, #tpu.memory_space<vmem_shared>>) offsets(%arg11 : memref<128xi32, #tpu.memory_space<vmem>>) semaphore(%arg25 : memref<!tpu.dma_semaphore, #tpu.memory_space<semaphore_mem>>) {add = true}
      } else {
      }
      %sub3A_146 = arith.constant 1 : i32
      %sub3A_147 = arith.subi %add3A_129, %sub3A_146 : i32
      %ge3A_148 = arith.constant 0 : i32
      %ge3A_149 = arith.cmpi sge, %sub3A_147, %ge3A_148 : i32
      %mul3A_150 = arith.constant 32 : i32
      %mul3A_151 = arith.muli %mul3A_150, %sub3A_147 : i32
      %add3A_152 = arith.addi %add3A, %mul3A_151 : i32
      %lt3A_153 = arith.constant 2500 : i32
      %lt3A_154 = arith.cmpi slt, %add3A_152, %lt3A_153 : i32
      %and3A_155 = arith.andi %ge3A_149, %lt3A_154 : i1
      %convert_element_type3A_156 = arith.extui %and3A_155 : i1 to i32
      %cond3A_157 = arith.constant 0 : i32
      %cond3A_158 = arith.cmpi ne, %convert_element_type3A_156, %cond3A_157 : i32
      scf.if %cond3A_158 {
        %dma_wait3A = arith.constant 0 : i32
        %dma_wait3A_441 = arith.constant 0 : i32
        %dma_wait3A_442 = tpu.memref_slice %arg15[%dma_wait3A, %dma_wait3A_441] : memref<10240x128xf32, #tpu.memory_space<vmem_shared>> -> memref<10240x128xf32, #tpu.memory_space<vmem_shared>>
        tpu.wait_indirect_dma semaphore(%arg24 : memref<!tpu.dma_semaphore, #tpu.memory_space<semaphore_mem>>) src(%arg13 : memref<128x128xf32, #tpu.memory_space<vmem>>) dst(%dma_wait3A_442 : memref<10240x128xf32, #tpu.memory_space<vmem_shared>>)
      } else {
      }
      %add3A_159 = arith.constant 1 : i32
      %add3A_160 = arith.addi %add3A_129, %add3A_159 : i32
      %mul3A_161 = arith.constant 32 : i32
      %mul3A_162 = arith.muli %mul3A_161, %add3A_160 : i32
      %add3A_163 = arith.addi %add3A, %mul3A_162 : i32
      %lt3A_164 = arith.constant 2500 : i32
      %lt3A_165 = arith.cmpi slt, %add3A_163, %lt3A_164 : i32
      %convert_element_type3A_166 = arith.extui %lt3A_165 : i1 to i32
      %cond3A_167 = arith.constant 0 : i32
      %cond3A_168 = arith.cmpi ne, %convert_element_type3A_166, %cond3A_167 : i32
      scf.if %cond3A_168 {
        %mul3A_441 = arith.constant 32 : i32
        %mul3A_442 = arith.muli %mul3A_441, %add3A_160 : i32
        %add3A_443 = arith.addi %add3A, %mul3A_442 : i32
        %mul3A_444 = arith.constant 128 : i32
        %mul3A_445 = arith.muli %add3A_443, %mul3A_444 : i32
        %dma_wait3A = tpu.memref_slice %arg3[%mul3A_445] : memref<320000xi32, #tpu.memory_space<hbm>> -> memref<128xi32, #tpu.memory_space<hbm>>
        %dma_wait3A_446 = tpu.memref_slice %arg3[%mul3A_445] : memref<320000xi32, #tpu.memory_space<hbm>> -> memref<128xi32, #tpu.memory_space<hbm>>
        tpu.wait_dma2 semaphore(%arg18 : memref<!tpu.dma_semaphore, #tpu.memory_space<semaphore_mem>>) src(%dma_wait3A_446 : memref<128xi32, #tpu.memory_space<hbm>>) dst(%arg9 : memref<128xi32, #tpu.memory_space<vmem>>)
        %dma_wait3A_447 = tpu.memref_slice %arg4[%mul3A_445] : memref<320000xi32, #tpu.memory_space<hbm>> -> memref<128xi32, #tpu.memory_space<hbm>>
        %dma_wait3A_448 = tpu.memref_slice %arg4[%mul3A_445] : memref<320000xi32, #tpu.memory_space<hbm>> -> memref<128xi32, #tpu.memory_space<hbm>>
        tpu.wait_dma2 semaphore(%arg21 : memref<!tpu.dma_semaphore, #tpu.memory_space<semaphore_mem>>) src(%dma_wait3A_448 : memref<128xi32, #tpu.memory_space<hbm>>) dst(%arg12 : memref<128xi32, #tpu.memory_space<vmem>>)
      } else {
      }
      %add3A_169 = arith.constant 1 : i32
      %add3A_170 = arith.addi %add3A_129, %add3A_169 : i32
      %mul3A_171 = arith.constant 32 : i32
      %mul3A_172 = arith.muli %mul3A_171, %add3A_170 : i32
      %add3A_173 = arith.addi %add3A, %mul3A_172 : i32
      %lt3A_174 = arith.constant 2500 : i32
      %lt3A_175 = arith.cmpi slt, %add3A_173, %lt3A_174 : i32
      %convert_element_type3A_176 = arith.extui %lt3A_175 : i1 to i32
      %cond3A_177 = arith.constant 0 : i32
      %cond3A_178 = arith.cmpi ne, %convert_element_type3A_176, %cond3A_177 : i32
      scf.if %cond3A_178 {
        %dma_start3A = arith.constant 0 : i32
        %dma_start3A_441 = arith.constant 0 : i32
        %dma_start3A_442 = tpu.memref_slice %arg2[%dma_start3A, %dma_start3A_441] : memref<50000x128xf32, #tpu.memory_space<hbm>> -> memref<50000x128xf32, #tpu.memory_space<hbm>>
        tpu.enqueue_indirect_dma source(%dma_start3A_442 : memref<50000x128xf32, #tpu.memory_space<hbm>>) target(%arg13 : memref<128x128xf32, #tpu.memory_space<vmem>>) offsets(%arg9 : memref<128xi32, #tpu.memory_space<vmem>>) semaphore(%arg22 : memref<!tpu.dma_semaphore, #tpu.memory_space<semaphore_mem>>)
      } else {
      }
      %add3A_179 = arith.constant 2 : i32
      %add3A_180 = arith.addi %add3A_129, %add3A_179 : i32
      %mul3A_181 = arith.constant 32 : i32
      %mul3A_182 = arith.muli %mul3A_181, %add3A_180 : i32
      %add3A_183 = arith.addi %add3A, %mul3A_182 : i32
      %lt3A_184 = arith.constant 2500 : i32
      %lt3A_185 = arith.cmpi slt, %add3A_183, %lt3A_184 : i32
      %convert_element_type3A_186 = arith.extui %lt3A_185 : i1 to i32
      %cond3A_187 = arith.constant 0 : i32
      %cond3A_188 = arith.cmpi ne, %convert_element_type3A_186, %cond3A_187 : i32
      scf.if %cond3A_188 {
        %mul3A_441 = arith.constant 32 : i32
        %mul3A_442 = arith.muli %mul3A_441, %add3A_180 : i32
        %add3A_443 = arith.addi %add3A, %mul3A_442 : i32
        %mul3A_444 = arith.constant 128 : i32
        %mul3A_445 = arith.muli %add3A_443, %mul3A_444 : i32
        %dma_start3A = tpu.memref_slice %arg3[%mul3A_445] : memref<320000xi32, #tpu.memory_space<hbm>> -> memref<128xi32, #tpu.memory_space<hbm>>
        %dma_start3A_446 = tpu.memref_slice %arg3[%mul3A_445] : memref<320000xi32, #tpu.memory_space<hbm>> -> memref<128xi32, #tpu.memory_space<hbm>>
        tpu.enqueue_dma source(%dma_start3A_446 : memref<128xi32, #tpu.memory_space<hbm>>) target(%arg7 : memref<128xi32, #tpu.memory_space<vmem>>) target_semaphore(%arg16 : memref<!tpu.dma_semaphore, #tpu.memory_space<semaphore_mem>>)
        %dma_start3A_447 = tpu.memref_slice %arg4[%mul3A_445] : memref<320000xi32, #tpu.memory_space<hbm>> -> memref<128xi32, #tpu.memory_space<hbm>>
        %dma_start3A_448 = tpu.memref_slice %arg4[%mul3A_445] : memref<320000xi32, #tpu.memory_space<hbm>> -> memref<128xi32, #tpu.memory_space<hbm>>
        tpu.enqueue_dma source(%dma_start3A_448 : memref<128xi32, #tpu.memory_space<hbm>>) target(%arg10 : memref<128xi32, #tpu.memory_space<vmem>>) target_semaphore(%arg19 : memref<!tpu.dma_semaphore, #tpu.memory_space<semaphore_mem>>)
      } else {
      }
      %mul3A_189 = arith.constant 6 : i32
      %mul3A_190 = arith.muli %mul3A_189, %add3A_65 : i32
      %add3A_191 = arith.constant 2 : i32
      %add3A_192 = arith.addi %mul3A_190, %add3A_191 : i32
      %mul3A_193 = arith.constant 32 : i32
      %mul3A_194 = arith.muli %mul3A_193, %add3A_192 : i32
      %add3A_195 = arith.addi %add3A, %mul3A_194 : i32
      %lt3A_196 = arith.constant 2500 : i32
      %lt3A_197 = arith.cmpi slt, %add3A_195, %lt3A_196 : i32
      %convert_element_type3A_198 = arith.extui %lt3A_197 : i1 to i32
      %cond3A_199 = arith.constant 0 : i32
      %cond3A_200 = arith.cmpi ne, %convert_element_type3A_198, %cond3A_199 : i32
      scf.if %cond3A_200 {
        %dma_wait3A = arith.constant 0 : i32
        %dma_wait3A_441 = arith.constant 0 : i32
        %dma_wait3A_442 = tpu.memref_slice %arg2[%dma_wait3A, %dma_wait3A_441] : memref<50000x128xf32, #tpu.memory_space<hbm>> -> memref<50000x128xf32, #tpu.memory_space<hbm>>
        tpu.wait_indirect_dma semaphore(%arg22 : memref<!tpu.dma_semaphore, #tpu.memory_space<semaphore_mem>>) src(%dma_wait3A_442 : memref<50000x128xf32, #tpu.memory_space<hbm>>) dst(%arg13 : memref<128x128xf32, #tpu.memory_space<vmem>>)
      } else {
      }
      %mul3A_201 = arith.constant 32 : i32
      %mul3A_202 = arith.muli %mul3A_201, %add3A_192 : i32
      %add3A_203 = arith.addi %add3A, %mul3A_202 : i32
      %lt3A_204 = arith.constant 2500 : i32
      %lt3A_205 = arith.cmpi slt, %add3A_203, %lt3A_204 : i32
      %convert_element_type3A_206 = arith.extui %lt3A_205 : i1 to i32
      %cond3A_207 = arith.constant 0 : i32
      %cond3A_208 = arith.cmpi ne, %convert_element_type3A_206, %cond3A_207 : i32
      scf.if %cond3A_208 {
        %dma_start3A = arith.constant 0 : i32
        %dma_start3A_441 = arith.constant 0 : i32
        %dma_start3A_442 = tpu.memref_slice %arg15[%dma_start3A, %dma_start3A_441] : memref<10240x128xf32, #tpu.memory_space<vmem_shared>> -> memref<10240x128xf32, #tpu.memory_space<vmem_shared>>
        tpu.enqueue_indirect_dma source(%arg13 : memref<128x128xf32, #tpu.memory_space<vmem>>) target(%dma_start3A_442 : memref<10240x128xf32, #tpu.memory_space<vmem_shared>>) offsets(%arg12 : memref<128xi32, #tpu.memory_space<vmem>>) semaphore(%arg24 : memref<!tpu.dma_semaphore, #tpu.memory_space<semaphore_mem>>) {add = true}
      } else {
      }
      %sub3A_209 = arith.constant 1 : i32
      %sub3A_210 = arith.subi %add3A_192, %sub3A_209 : i32
      %ge3A_211 = arith.constant 0 : i32
      %ge3A_212 = arith.cmpi sge, %sub3A_210, %ge3A_211 : i32
      %mul3A_213 = arith.constant 32 : i32
      %mul3A_214 = arith.muli %mul3A_213, %sub3A_210 : i32
      %add3A_215 = arith.addi %add3A, %mul3A_214 : i32
      %lt3A_216 = arith.constant 2500 : i32
      %lt3A_217 = arith.cmpi slt, %add3A_215, %lt3A_216 : i32
      %and3A_218 = arith.andi %ge3A_212, %lt3A_217 : i1
      %convert_element_type3A_219 = arith.extui %and3A_218 : i1 to i32
      %cond3A_220 = arith.constant 0 : i32
      %cond3A_221 = arith.cmpi ne, %convert_element_type3A_219, %cond3A_220 : i32
      scf.if %cond3A_221 {
        %dma_wait3A = arith.constant 0 : i32
        %dma_wait3A_441 = arith.constant 0 : i32
        %dma_wait3A_442 = tpu.memref_slice %arg15[%dma_wait3A, %dma_wait3A_441] : memref<10240x128xf32, #tpu.memory_space<vmem_shared>> -> memref<10240x128xf32, #tpu.memory_space<vmem_shared>>
        tpu.wait_indirect_dma semaphore(%arg25 : memref<!tpu.dma_semaphore, #tpu.memory_space<semaphore_mem>>) src(%arg14 : memref<128x128xf32, #tpu.memory_space<vmem>>) dst(%dma_wait3A_442 : memref<10240x128xf32, #tpu.memory_space<vmem_shared>>)
      } else {
      }
      %add3A_222 = arith.constant 1 : i32
      %add3A_223 = arith.addi %add3A_192, %add3A_222 : i32
      %mul3A_224 = arith.constant 32 : i32
      %mul3A_225 = arith.muli %mul3A_224, %add3A_223 : i32
      %add3A_226 = arith.addi %add3A, %mul3A_225 : i32
      %lt3A_227 = arith.constant 2500 : i32
      %lt3A_228 = arith.cmpi slt, %add3A_226, %lt3A_227 : i32
      %convert_element_type3A_229 = arith.extui %lt3A_228 : i1 to i32
      %cond3A_230 = arith.constant 0 : i32
      %cond3A_231 = arith.cmpi ne, %convert_element_type3A_229, %cond3A_230 : i32
      scf.if %cond3A_231 {
        %mul3A_441 = arith.constant 32 : i32
        %mul3A_442 = arith.muli %mul3A_441, %add3A_223 : i32
        %add3A_443 = arith.addi %add3A, %mul3A_442 : i32
        %mul3A_444 = arith.constant 128 : i32
        %mul3A_445 = arith.muli %add3A_443, %mul3A_444 : i32
        %dma_wait3A = tpu.memref_slice %arg3[%mul3A_445] : memref<320000xi32, #tpu.memory_space<hbm>> -> memref<128xi32, #tpu.memory_space<hbm>>
        %dma_wait3A_446 = tpu.memref_slice %arg3[%mul3A_445] : memref<320000xi32, #tpu.memory_space<hbm>> -> memref<128xi32, #tpu.memory_space<hbm>>
        tpu.wait_dma2 semaphore(%arg16 : memref<!tpu.dma_semaphore, #tpu.memory_space<semaphore_mem>>) src(%dma_wait3A_446 : memref<128xi32, #tpu.memory_space<hbm>>) dst(%arg7 : memref<128xi32, #tpu.memory_space<vmem>>)
        %dma_wait3A_447 = tpu.memref_slice %arg4[%mul3A_445] : memref<320000xi32, #tpu.memory_space<hbm>> -> memref<128xi32, #tpu.memory_space<hbm>>
        %dma_wait3A_448 = tpu.memref_slice %arg4[%mul3A_445] : memref<320000xi32, #tpu.memory_space<hbm>> -> memref<128xi32, #tpu.memory_space<hbm>>
        tpu.wait_dma2 semaphore(%arg19 : memref<!tpu.dma_semaphore, #tpu.memory_space<semaphore_mem>>) src(%dma_wait3A_448 : memref<128xi32, #tpu.memory_space<hbm>>) dst(%arg10 : memref<128xi32, #tpu.memory_space<vmem>>)
      } else {
      }
      %add3A_232 = arith.constant 1 : i32
      %add3A_233 = arith.addi %add3A_192, %add3A_232 : i32
      %mul3A_234 = arith.constant 32 : i32
      %mul3A_235 = arith.muli %mul3A_234, %add3A_233 : i32
      %add3A_236 = arith.addi %add3A, %mul3A_235 : i32
      %lt3A_237 = arith.constant 2500 : i32
      %lt3A_238 = arith.cmpi slt, %add3A_236, %lt3A_237 : i32
      %convert_element_type3A_239 = arith.extui %lt3A_238 : i1 to i32
      %cond3A_240 = arith.constant 0 : i32
      %cond3A_241 = arith.cmpi ne, %convert_element_type3A_239, %cond3A_240 : i32
      scf.if %cond3A_241 {
        %dma_start3A = arith.constant 0 : i32
        %dma_start3A_441 = arith.constant 0 : i32
        %dma_start3A_442 = tpu.memref_slice %arg2[%dma_start3A, %dma_start3A_441] : memref<50000x128xf32, #tpu.memory_space<hbm>> -> memref<50000x128xf32, #tpu.memory_space<hbm>>
        tpu.enqueue_indirect_dma source(%dma_start3A_442 : memref<50000x128xf32, #tpu.memory_space<hbm>>) target(%arg14 : memref<128x128xf32, #tpu.memory_space<vmem>>) offsets(%arg7 : memref<128xi32, #tpu.memory_space<vmem>>) semaphore(%arg23 : memref<!tpu.dma_semaphore, #tpu.memory_space<semaphore_mem>>)
      } else {
      }
      %add3A_242 = arith.constant 2 : i32
      %add3A_243 = arith.addi %add3A_192, %add3A_242 : i32
      %mul3A_244 = arith.constant 32 : i32
      %mul3A_245 = arith.muli %mul3A_244, %add3A_243 : i32
      %add3A_246 = arith.addi %add3A, %mul3A_245 : i32
      %lt3A_247 = arith.constant 2500 : i32
      %lt3A_248 = arith.cmpi slt, %add3A_246, %lt3A_247 : i32
      %convert_element_type3A_249 = arith.extui %lt3A_248 : i1 to i32
      %cond3A_250 = arith.constant 0 : i32
      %cond3A_251 = arith.cmpi ne, %convert_element_type3A_249, %cond3A_250 : i32
      scf.if %cond3A_251 {
        %mul3A_441 = arith.constant 32 : i32
        %mul3A_442 = arith.muli %mul3A_441, %add3A_243 : i32
        %add3A_443 = arith.addi %add3A, %mul3A_442 : i32
        %mul3A_444 = arith.constant 128 : i32
        %mul3A_445 = arith.muli %add3A_443, %mul3A_444 : i32
        %dma_start3A = tpu.memref_slice %arg3[%mul3A_445] : memref<320000xi32, #tpu.memory_space<hbm>> -> memref<128xi32, #tpu.memory_space<hbm>>
        %dma_start3A_446 = tpu.memref_slice %arg3[%mul3A_445] : memref<320000xi32, #tpu.memory_space<hbm>> -> memref<128xi32, #tpu.memory_space<hbm>>
        tpu.enqueue_dma source(%dma_start3A_446 : memref<128xi32, #tpu.memory_space<hbm>>) target(%arg8 : memref<128xi32, #tpu.memory_space<vmem>>) target_semaphore(%arg17 : memref<!tpu.dma_semaphore, #tpu.memory_space<semaphore_mem>>)
        %dma_start3A_447 = tpu.memref_slice %arg4[%mul3A_445] : memref<320000xi32, #tpu.memory_space<hbm>> -> memref<128xi32, #tpu.memory_space<hbm>>
        %dma_start3A_448 = tpu.memref_slice %arg4[%mul3A_445] : memref<320000xi32, #tpu.memory_space<hbm>> -> memref<128xi32, #tpu.memory_space<hbm>>
        tpu.enqueue_dma source(%dma_start3A_448 : memref<128xi32, #tpu.memory_space<hbm>>) target(%arg11 : memref<128xi32, #tpu.memory_space<vmem>>) target_semaphore(%arg20 : memref<!tpu.dma_semaphore, #tpu.memory_space<semaphore_mem>>)
      } else {
      }
      %mul3A_252 = arith.constant 6 : i32
      %mul3A_253 = arith.muli %mul3A_252, %add3A_65 : i32
      %add3A_254 = arith.constant 3 : i32
      %add3A_255 = arith.addi %mul3A_253, %add3A_254 : i32
      %mul3A_256 = arith.constant 32 : i32
      %mul3A_257 = arith.muli %mul3A_256, %add3A_255 : i32
      %add3A_258 = arith.addi %add3A, %mul3A_257 : i32
      %lt3A_259 = arith.constant 2500 : i32
      %lt3A_260 = arith.cmpi slt, %add3A_258, %lt3A_259 : i32
      %convert_element_type3A_261 = arith.extui %lt3A_260 : i1 to i32
      %cond3A_262 = arith.constant 0 : i32
      %cond3A_263 = arith.cmpi ne, %convert_element_type3A_261, %cond3A_262 : i32
      scf.if %cond3A_263 {
        %dma_wait3A = arith.constant 0 : i32
        %dma_wait3A_441 = arith.constant 0 : i32
        %dma_wait3A_442 = tpu.memref_slice %arg2[%dma_wait3A, %dma_wait3A_441] : memref<50000x128xf32, #tpu.memory_space<hbm>> -> memref<50000x128xf32, #tpu.memory_space<hbm>>
        tpu.wait_indirect_dma semaphore(%arg23 : memref<!tpu.dma_semaphore, #tpu.memory_space<semaphore_mem>>) src(%dma_wait3A_442 : memref<50000x128xf32, #tpu.memory_space<hbm>>) dst(%arg14 : memref<128x128xf32, #tpu.memory_space<vmem>>)
      } else {
      }
      %mul3A_264 = arith.constant 32 : i32
      %mul3A_265 = arith.muli %mul3A_264, %add3A_255 : i32
      %add3A_266 = arith.addi %add3A, %mul3A_265 : i32
      %lt3A_267 = arith.constant 2500 : i32
      %lt3A_268 = arith.cmpi slt, %add3A_266, %lt3A_267 : i32
      %convert_element_type3A_269 = arith.extui %lt3A_268 : i1 to i32
      %cond3A_270 = arith.constant 0 : i32
      %cond3A_271 = arith.cmpi ne, %convert_element_type3A_269, %cond3A_270 : i32
      scf.if %cond3A_271 {
        %dma_start3A = arith.constant 0 : i32
        %dma_start3A_441 = arith.constant 0 : i32
        %dma_start3A_442 = tpu.memref_slice %arg15[%dma_start3A, %dma_start3A_441] : memref<10240x128xf32, #tpu.memory_space<vmem_shared>> -> memref<10240x128xf32, #tpu.memory_space<vmem_shared>>
        tpu.enqueue_indirect_dma source(%arg14 : memref<128x128xf32, #tpu.memory_space<vmem>>) target(%dma_start3A_442 : memref<10240x128xf32, #tpu.memory_space<vmem_shared>>) offsets(%arg10 : memref<128xi32, #tpu.memory_space<vmem>>) semaphore(%arg25 : memref<!tpu.dma_semaphore, #tpu.memory_space<semaphore_mem>>) {add = true}
      } else {
      }
      %sub3A_272 = arith.constant 1 : i32
      %sub3A_273 = arith.subi %add3A_255, %sub3A_272 : i32
      %ge3A_274 = arith.constant 0 : i32
      %ge3A_275 = arith.cmpi sge, %sub3A_273, %ge3A_274 : i32
      %mul3A_276 = arith.constant 32 : i32
      %mul3A_277 = arith.muli %mul3A_276, %sub3A_273 : i32
      %add3A_278 = arith.addi %add3A, %mul3A_277 : i32
      %lt3A_279 = arith.constant 2500 : i32
      %lt3A_280 = arith.cmpi slt, %add3A_278, %lt3A_279 : i32
      %and3A_281 = arith.andi %ge3A_275, %lt3A_280 : i1
      %convert_element_type3A_282 = arith.extui %and3A_281 : i1 to i32
      %cond3A_283 = arith.constant 0 : i32
      %cond3A_284 = arith.cmpi ne, %convert_element_type3A_282, %cond3A_283 : i32
      scf.if %cond3A_284 {
        %dma_wait3A = arith.constant 0 : i32
        %dma_wait3A_441 = arith.constant 0 : i32
        %dma_wait3A_442 = tpu.memref_slice %arg15[%dma_wait3A, %dma_wait3A_441] : memref<10240x128xf32, #tpu.memory_space<vmem_shared>> -> memref<10240x128xf32, #tpu.memory_space<vmem_shared>>
        tpu.wait_indirect_dma semaphore(%arg24 : memref<!tpu.dma_semaphore, #tpu.memory_space<semaphore_mem>>) src(%arg13 : memref<128x128xf32, #tpu.memory_space<vmem>>) dst(%dma_wait3A_442 : memref<10240x128xf32, #tpu.memory_space<vmem_shared>>)
      } else {
      }
      %add3A_285 = arith.constant 1 : i32
      %add3A_286 = arith.addi %add3A_255, %add3A_285 : i32
      %mul3A_287 = arith.constant 32 : i32
      %mul3A_288 = arith.muli %mul3A_287, %add3A_286 : i32
      %add3A_289 = arith.addi %add3A, %mul3A_288 : i32
      %lt3A_290 = arith.constant 2500 : i32
      %lt3A_291 = arith.cmpi slt, %add3A_289, %lt3A_290 : i32
      %convert_element_type3A_292 = arith.extui %lt3A_291 : i1 to i32
      %cond3A_293 = arith.constant 0 : i32
      %cond3A_294 = arith.cmpi ne, %convert_element_type3A_292, %cond3A_293 : i32
      scf.if %cond3A_294 {
        %mul3A_441 = arith.constant 32 : i32
        %mul3A_442 = arith.muli %mul3A_441, %add3A_286 : i32
        %add3A_443 = arith.addi %add3A, %mul3A_442 : i32
        %mul3A_444 = arith.constant 128 : i32
        %mul3A_445 = arith.muli %add3A_443, %mul3A_444 : i32
        %dma_wait3A = tpu.memref_slice %arg3[%mul3A_445] : memref<320000xi32, #tpu.memory_space<hbm>> -> memref<128xi32, #tpu.memory_space<hbm>>
        %dma_wait3A_446 = tpu.memref_slice %arg3[%mul3A_445] : memref<320000xi32, #tpu.memory_space<hbm>> -> memref<128xi32, #tpu.memory_space<hbm>>
        tpu.wait_dma2 semaphore(%arg17 : memref<!tpu.dma_semaphore, #tpu.memory_space<semaphore_mem>>) src(%dma_wait3A_446 : memref<128xi32, #tpu.memory_space<hbm>>) dst(%arg8 : memref<128xi32, #tpu.memory_space<vmem>>)
        %dma_wait3A_447 = tpu.memref_slice %arg4[%mul3A_445] : memref<320000xi32, #tpu.memory_space<hbm>> -> memref<128xi32, #tpu.memory_space<hbm>>
        %dma_wait3A_448 = tpu.memref_slice %arg4[%mul3A_445] : memref<320000xi32, #tpu.memory_space<hbm>> -> memref<128xi32, #tpu.memory_space<hbm>>
        tpu.wait_dma2 semaphore(%arg20 : memref<!tpu.dma_semaphore, #tpu.memory_space<semaphore_mem>>) src(%dma_wait3A_448 : memref<128xi32, #tpu.memory_space<hbm>>) dst(%arg11 : memref<128xi32, #tpu.memory_space<vmem>>)
      } else {
      }
      %add3A_295 = arith.constant 1 : i32
      %add3A_296 = arith.addi %add3A_255, %add3A_295 : i32
      %mul3A_297 = arith.constant 32 : i32
      %mul3A_298 = arith.muli %mul3A_297, %add3A_296 : i32
      %add3A_299 = arith.addi %add3A, %mul3A_298 : i32
      %lt3A_300 = arith.constant 2500 : i32
      %lt3A_301 = arith.cmpi slt, %add3A_299, %lt3A_300 : i32
      %convert_element_type3A_302 = arith.extui %lt3A_301 : i1 to i32
      %cond3A_303 = arith.constant 0 : i32
      %cond3A_304 = arith.cmpi ne, %convert_element_type3A_302, %cond3A_303 : i32
      scf.if %cond3A_304 {
        %dma_start3A = arith.constant 0 : i32
        %dma_start3A_441 = arith.constant 0 : i32
        %dma_start3A_442 = tpu.memref_slice %arg2[%dma_start3A, %dma_start3A_441] : memref<50000x128xf32, #tpu.memory_space<hbm>> -> memref<50000x128xf32, #tpu.memory_space<hbm>>
        tpu.enqueue_indirect_dma source(%dma_start3A_442 : memref<50000x128xf32, #tpu.memory_space<hbm>>) target(%arg13 : memref<128x128xf32, #tpu.memory_space<vmem>>) offsets(%arg8 : memref<128xi32, #tpu.memory_space<vmem>>) semaphore(%arg22 : memref<!tpu.dma_semaphore, #tpu.memory_space<semaphore_mem>>)
      } else {
      }
      %add3A_305 = arith.constant 2 : i32
      %add3A_306 = arith.addi %add3A_255, %add3A_305 : i32
      %mul3A_307 = arith.constant 32 : i32
      %mul3A_308 = arith.muli %mul3A_307, %add3A_306 : i32
      %add3A_309 = arith.addi %add3A, %mul3A_308 : i32
      %lt3A_310 = arith.constant 2500 : i32
      %lt3A_311 = arith.cmpi slt, %add3A_309, %lt3A_310 : i32
      %convert_element_type3A_312 = arith.extui %lt3A_311 : i1 to i32
      %cond3A_313 = arith.constant 0 : i32
      %cond3A_314 = arith.cmpi ne, %convert_element_type3A_312, %cond3A_313 : i32
      scf.if %cond3A_314 {
        %mul3A_441 = arith.constant 32 : i32
        %mul3A_442 = arith.muli %mul3A_441, %add3A_306 : i32
        %add3A_443 = arith.addi %add3A, %mul3A_442 : i32
        %mul3A_444 = arith.constant 128 : i32
        %mul3A_445 = arith.muli %add3A_443, %mul3A_444 : i32
        %dma_start3A = tpu.memref_slice %arg3[%mul3A_445] : memref<320000xi32, #tpu.memory_space<hbm>> -> memref<128xi32, #tpu.memory_space<hbm>>
        %dma_start3A_446 = tpu.memref_slice %arg3[%mul3A_445] : memref<320000xi32, #tpu.memory_space<hbm>> -> memref<128xi32, #tpu.memory_space<hbm>>
        tpu.enqueue_dma source(%dma_start3A_446 : memref<128xi32, #tpu.memory_space<hbm>>) target(%arg9 : memref<128xi32, #tpu.memory_space<vmem>>) target_semaphore(%arg18 : memref<!tpu.dma_semaphore, #tpu.memory_space<semaphore_mem>>)
        %dma_start3A_447 = tpu.memref_slice %arg4[%mul3A_445] : memref<320000xi32, #tpu.memory_space<hbm>> -> memref<128xi32, #tpu.memory_space<hbm>>
        %dma_start3A_448 = tpu.memref_slice %arg4[%mul3A_445] : memref<320000xi32, #tpu.memory_space<hbm>> -> memref<128xi32, #tpu.memory_space<hbm>>
        tpu.enqueue_dma source(%dma_start3A_448 : memref<128xi32, #tpu.memory_space<hbm>>) target(%arg12 : memref<128xi32, #tpu.memory_space<vmem>>) target_semaphore(%arg21 : memref<!tpu.dma_semaphore, #tpu.memory_space<semaphore_mem>>)
      } else {
      }
      %mul3A_315 = arith.constant 6 : i32
      %mul3A_316 = arith.muli %mul3A_315, %add3A_65 : i32
      %add3A_317 = arith.constant 4 : i32
      %add3A_318 = arith.addi %mul3A_316, %add3A_317 : i32
      %mul3A_319 = arith.constant 32 : i32
      %mul3A_320 = arith.muli %mul3A_319, %add3A_318 : i32
      %add3A_321 = arith.addi %add3A, %mul3A_320 : i32
      %lt3A_322 = arith.constant 2500 : i32
      %lt3A_323 = arith.cmpi slt, %add3A_321, %lt3A_322 : i32
      %convert_element_type3A_324 = arith.extui %lt3A_323 : i1 to i32
      %cond3A_325 = arith.constant 0 : i32
      %cond3A_326 = arith.cmpi ne, %convert_element_type3A_324, %cond3A_325 : i32
      scf.if %cond3A_326 {
        %dma_wait3A = arith.constant 0 : i32
        %dma_wait3A_441 = arith.constant 0 : i32
        %dma_wait3A_442 = tpu.memref_slice %arg2[%dma_wait3A, %dma_wait3A_441] : memref<50000x128xf32, #tpu.memory_space<hbm>> -> memref<50000x128xf32, #tpu.memory_space<hbm>>
        tpu.wait_indirect_dma semaphore(%arg22 : memref<!tpu.dma_semaphore, #tpu.memory_space<semaphore_mem>>) src(%dma_wait3A_442 : memref<50000x128xf32, #tpu.memory_space<hbm>>) dst(%arg13 : memref<128x128xf32, #tpu.memory_space<vmem>>)
      } else {
      }
      %mul3A_327 = arith.constant 32 : i32
      %mul3A_328 = arith.muli %mul3A_327, %add3A_318 : i32
      %add3A_329 = arith.addi %add3A, %mul3A_328 : i32
      %lt3A_330 = arith.constant 2500 : i32
      %lt3A_331 = arith.cmpi slt, %add3A_329, %lt3A_330 : i32
      %convert_element_type3A_332 = arith.extui %lt3A_331 : i1 to i32
      %cond3A_333 = arith.constant 0 : i32
      %cond3A_334 = arith.cmpi ne, %convert_element_type3A_332, %cond3A_333 : i32
      scf.if %cond3A_334 {
        %dma_start3A = arith.constant 0 : i32
        %dma_start3A_441 = arith.constant 0 : i32
        %dma_start3A_442 = tpu.memref_slice %arg15[%dma_start3A, %dma_start3A_441] : memref<10240x128xf32, #tpu.memory_space<vmem_shared>> -> memref<10240x128xf32, #tpu.memory_space<vmem_shared>>
        tpu.enqueue_indirect_dma source(%arg13 : memref<128x128xf32, #tpu.memory_space<vmem>>) target(%dma_start3A_442 : memref<10240x128xf32, #tpu.memory_space<vmem_shared>>) offsets(%arg11 : memref<128xi32, #tpu.memory_space<vmem>>) semaphore(%arg24 : memref<!tpu.dma_semaphore, #tpu.memory_space<semaphore_mem>>) {add = true}
      } else {
      }
      %sub3A_335 = arith.constant 1 : i32
      %sub3A_336 = arith.subi %add3A_318, %sub3A_335 : i32
      %ge3A_337 = arith.constant 0 : i32
      %ge3A_338 = arith.cmpi sge, %sub3A_336, %ge3A_337 : i32
      %mul3A_339 = arith.constant 32 : i32
      %mul3A_340 = arith.muli %mul3A_339, %sub3A_336 : i32
      %add3A_341 = arith.addi %add3A, %mul3A_340 : i32
      %lt3A_342 = arith.constant 2500 : i32
      %lt3A_343 = arith.cmpi slt, %add3A_341, %lt3A_342 : i32
      %and3A_344 = arith.andi %ge3A_338, %lt3A_343 : i1
      %convert_element_type3A_345 = arith.extui %and3A_344 : i1 to i32
      %cond3A_346 = arith.constant 0 : i32
      %cond3A_347 = arith.cmpi ne, %convert_element_type3A_345, %cond3A_346 : i32
      scf.if %cond3A_347 {
        %dma_wait3A = arith.constant 0 : i32
        %dma_wait3A_441 = arith.constant 0 : i32
        %dma_wait3A_442 = tpu.memref_slice %arg15[%dma_wait3A, %dma_wait3A_441] : memref<10240x128xf32, #tpu.memory_space<vmem_shared>> -> memref<10240x128xf32, #tpu.memory_space<vmem_shared>>
        tpu.wait_indirect_dma semaphore(%arg25 : memref<!tpu.dma_semaphore, #tpu.memory_space<semaphore_mem>>) src(%arg14 : memref<128x128xf32, #tpu.memory_space<vmem>>) dst(%dma_wait3A_442 : memref<10240x128xf32, #tpu.memory_space<vmem_shared>>)
      } else {
      }
      %add3A_348 = arith.constant 1 : i32
      %add3A_349 = arith.addi %add3A_318, %add3A_348 : i32
      %mul3A_350 = arith.constant 32 : i32
      %mul3A_351 = arith.muli %mul3A_350, %add3A_349 : i32
      %add3A_352 = arith.addi %add3A, %mul3A_351 : i32
      %lt3A_353 = arith.constant 2500 : i32
      %lt3A_354 = arith.cmpi slt, %add3A_352, %lt3A_353 : i32
      %convert_element_type3A_355 = arith.extui %lt3A_354 : i1 to i32
      %cond3A_356 = arith.constant 0 : i32
      %cond3A_357 = arith.cmpi ne, %convert_element_type3A_355, %cond3A_356 : i32
      scf.if %cond3A_357 {
        %mul3A_441 = arith.constant 32 : i32
        %mul3A_442 = arith.muli %mul3A_441, %add3A_349 : i32
        %add3A_443 = arith.addi %add3A, %mul3A_442 : i32
        %mul3A_444 = arith.constant 128 : i32
        %mul3A_445 = arith.muli %add3A_443, %mul3A_444 : i32
        %dma_wait3A = tpu.memref_slice %arg3[%mul3A_445] : memref<320000xi32, #tpu.memory_space<hbm>> -> memref<128xi32, #tpu.memory_space<hbm>>
        %dma_wait3A_446 = tpu.memref_slice %arg3[%mul3A_445] : memref<320000xi32, #tpu.memory_space<hbm>> -> memref<128xi32, #tpu.memory_space<hbm>>
        tpu.wait_dma2 semaphore(%arg18 : memref<!tpu.dma_semaphore, #tpu.memory_space<semaphore_mem>>) src(%dma_wait3A_446 : memref<128xi32, #tpu.memory_space<hbm>>) dst(%arg9 : memref<128xi32, #tpu.memory_space<vmem>>)
        %dma_wait3A_447 = tpu.memref_slice %arg4[%mul3A_445] : memref<320000xi32, #tpu.memory_space<hbm>> -> memref<128xi32, #tpu.memory_space<hbm>>
        %dma_wait3A_448 = tpu.memref_slice %arg4[%mul3A_445] : memref<320000xi32, #tpu.memory_space<hbm>> -> memref<128xi32, #tpu.memory_space<hbm>>
        tpu.wait_dma2 semaphore(%arg21 : memref<!tpu.dma_semaphore, #tpu.memory_space<semaphore_mem>>) src(%dma_wait3A_448 : memref<128xi32, #tpu.memory_space<hbm>>) dst(%arg12 : memref<128xi32, #tpu.memory_space<vmem>>)
      } else {
      }
      %add3A_358 = arith.constant 1 : i32
      %add3A_359 = arith.addi %add3A_318, %add3A_358 : i32
      %mul3A_360 = arith.constant 32 : i32
      %mul3A_361 = arith.muli %mul3A_360, %add3A_359 : i32
      %add3A_362 = arith.addi %add3A, %mul3A_361 : i32
      %lt3A_363 = arith.constant 2500 : i32
      %lt3A_364 = arith.cmpi slt, %add3A_362, %lt3A_363 : i32
      %convert_element_type3A_365 = arith.extui %lt3A_364 : i1 to i32
      %cond3A_366 = arith.constant 0 : i32
      %cond3A_367 = arith.cmpi ne, %convert_element_type3A_365, %cond3A_366 : i32
      scf.if %cond3A_367 {
        %dma_start3A = arith.constant 0 : i32
        %dma_start3A_441 = arith.constant 0 : i32
        %dma_start3A_442 = tpu.memref_slice %arg2[%dma_start3A, %dma_start3A_441] : memref<50000x128xf32, #tpu.memory_space<hbm>> -> memref<50000x128xf32, #tpu.memory_space<hbm>>
        tpu.enqueue_indirect_dma source(%dma_start3A_442 : memref<50000x128xf32, #tpu.memory_space<hbm>>) target(%arg14 : memref<128x128xf32, #tpu.memory_space<vmem>>) offsets(%arg9 : memref<128xi32, #tpu.memory_space<vmem>>) semaphore(%arg23 : memref<!tpu.dma_semaphore, #tpu.memory_space<semaphore_mem>>)
      } else {
      }
      %add3A_368 = arith.constant 2 : i32
      %add3A_369 = arith.addi %add3A_318, %add3A_368 : i32
      %mul3A_370 = arith.constant 32 : i32
      %mul3A_371 = arith.muli %mul3A_370, %add3A_369 : i32
      %add3A_372 = arith.addi %add3A, %mul3A_371 : i32
      %lt3A_373 = arith.constant 2500 : i32
      %lt3A_374 = arith.cmpi slt, %add3A_372, %lt3A_373 : i32
      %convert_element_type3A_375 = arith.extui %lt3A_374 : i1 to i32
      %cond3A_376 = arith.constant 0 : i32
      %cond3A_377 = arith.cmpi ne, %convert_element_type3A_375, %cond3A_376 : i32
      scf.if %cond3A_377 {
        %mul3A_441 = arith.constant 32 : i32
        %mul3A_442 = arith.muli %mul3A_441, %add3A_369 : i32
        %add3A_443 = arith.addi %add3A, %mul3A_442 : i32
        %mul3A_444 = arith.constant 128 : i32
        %mul3A_445 = arith.muli %add3A_443, %mul3A_444 : i32
        %dma_start3A = tpu.memref_slice %arg3[%mul3A_445] : memref<320000xi32, #tpu.memory_space<hbm>> -> memref<128xi32, #tpu.memory_space<hbm>>
        %dma_start3A_446 = tpu.memref_slice %arg3[%mul3A_445] : memref<320000xi32, #tpu.memory_space<hbm>> -> memref<128xi32, #tpu.memory_space<hbm>>
        tpu.enqueue_dma source(%dma_start3A_446 : memref<128xi32, #tpu.memory_space<hbm>>) target(%arg7 : memref<128xi32, #tpu.memory_space<vmem>>) target_semaphore(%arg16 : memref<!tpu.dma_semaphore, #tpu.memory_space<semaphore_mem>>)
        %dma_start3A_447 = tpu.memref_slice %arg4[%mul3A_445] : memref<320000xi32, #tpu.memory_space<hbm>> -> memref<128xi32, #tpu.memory_space<hbm>>
        %dma_start3A_448 = tpu.memref_slice %arg4[%mul3A_445] : memref<320000xi32, #tpu.memory_space<hbm>> -> memref<128xi32, #tpu.memory_space<hbm>>
        tpu.enqueue_dma source(%dma_start3A_448 : memref<128xi32, #tpu.memory_space<hbm>>) target(%arg10 : memref<128xi32, #tpu.memory_space<vmem>>) target_semaphore(%arg19 : memref<!tpu.dma_semaphore, #tpu.memory_space<semaphore_mem>>)
      } else {
      }
      %mul3A_378 = arith.constant 6 : i32
      %mul3A_379 = arith.muli %mul3A_378, %add3A_65 : i32
      %add3A_380 = arith.constant 5 : i32
      %add3A_381 = arith.addi %mul3A_379, %add3A_380 : i32
      %mul3A_382 = arith.constant 32 : i32
      %mul3A_383 = arith.muli %mul3A_382, %add3A_381 : i32
      %add3A_384 = arith.addi %add3A, %mul3A_383 : i32
      %lt3A_385 = arith.constant 2500 : i32
      %lt3A_386 = arith.cmpi slt, %add3A_384, %lt3A_385 : i32
      %convert_element_type3A_387 = arith.extui %lt3A_386 : i1 to i32
      %cond3A_388 = arith.constant 0 : i32
      %cond3A_389 = arith.cmpi ne, %convert_element_type3A_387, %cond3A_388 : i32
      scf.if %cond3A_389 {
        %dma_wait3A = arith.constant 0 : i32
        %dma_wait3A_441 = arith.constant 0 : i32
        %dma_wait3A_442 = tpu.memref_slice %arg2[%dma_wait3A, %dma_wait3A_441] : memref<50000x128xf32, #tpu.memory_space<hbm>> -> memref<50000x128xf32, #tpu.memory_space<hbm>>
        tpu.wait_indirect_dma semaphore(%arg23 : memref<!tpu.dma_semaphore, #tpu.memory_space<semaphore_mem>>) src(%dma_wait3A_442 : memref<50000x128xf32, #tpu.memory_space<hbm>>) dst(%arg14 : memref<128x128xf32, #tpu.memory_space<vmem>>)
      } else {
      }
      %mul3A_390 = arith.constant 32 : i32
      %mul3A_391 = arith.muli %mul3A_390, %add3A_381 : i32
      %add3A_392 = arith.addi %add3A, %mul3A_391 : i32
      %lt3A_393 = arith.constant 2500 : i32
      %lt3A_394 = arith.cmpi slt, %add3A_392, %lt3A_393 : i32
      %convert_element_type3A_395 = arith.extui %lt3A_394 : i1 to i32
      %cond3A_396 = arith.constant 0 : i32
      %cond3A_397 = arith.cmpi ne, %convert_element_type3A_395, %cond3A_396 : i32
      scf.if %cond3A_397 {
        %dma_start3A = arith.constant 0 : i32
        %dma_start3A_441 = arith.constant 0 : i32
        %dma_start3A_442 = tpu.memref_slice %arg15[%dma_start3A, %dma_start3A_441] : memref<10240x128xf32, #tpu.memory_space<vmem_shared>> -> memref<10240x128xf32, #tpu.memory_space<vmem_shared>>
        tpu.enqueue_indirect_dma source(%arg14 : memref<128x128xf32, #tpu.memory_space<vmem>>) target(%dma_start3A_442 : memref<10240x128xf32, #tpu.memory_space<vmem_shared>>) offsets(%arg12 : memref<128xi32, #tpu.memory_space<vmem>>) semaphore(%arg25 : memref<!tpu.dma_semaphore, #tpu.memory_space<semaphore_mem>>) {add = true}
      } else {
      }
      %sub3A_398 = arith.constant 1 : i32
      %sub3A_399 = arith.subi %add3A_381, %sub3A_398 : i32
      %ge3A_400 = arith.constant 0 : i32
      %ge3A_401 = arith.cmpi sge, %sub3A_399, %ge3A_400 : i32
      %mul3A_402 = arith.constant 32 : i32
      %mul3A_403 = arith.muli %mul3A_402, %sub3A_399 : i32
      %add3A_404 = arith.addi %add3A, %mul3A_403 : i32
      %lt3A_405 = arith.constant 2500 : i32
      %lt3A_406 = arith.cmpi slt, %add3A_404, %lt3A_405 : i32
      %and3A_407 = arith.andi %ge3A_401, %lt3A_406 : i1
      %convert_element_type3A_408 = arith.extui %and3A_407 : i1 to i32
      %cond3A_409 = arith.constant 0 : i32
      %cond3A_410 = arith.cmpi ne, %convert_element_type3A_408, %cond3A_409 : i32
      scf.if %cond3A_410 {
        %dma_wait3A = arith.constant 0 : i32
        %dma_wait3A_441 = arith.constant 0 : i32
        %dma_wait3A_442 = tpu.memref_slice %arg15[%dma_wait3A, %dma_wait3A_441] : memref<10240x128xf32, #tpu.memory_space<vmem_shared>> -> memref<10240x128xf32, #tpu.memory_space<vmem_shared>>
        tpu.wait_indirect_dma semaphore(%arg24 : memref<!tpu.dma_semaphore, #tpu.memory_space<semaphore_mem>>) src(%arg13 : memref<128x128xf32, #tpu.memory_space<vmem>>) dst(%dma_wait3A_442 : memref<10240x128xf32, #tpu.memory_space<vmem_shared>>)
      } else {
      }
      %add3A_411 = arith.constant 1 : i32
      %add3A_412 = arith.addi %add3A_381, %add3A_411 : i32
      %mul3A_413 = arith.constant 32 : i32
      %mul3A_414 = arith.muli %mul3A_413, %add3A_412 : i32
      %add3A_415 = arith.addi %add3A, %mul3A_414 : i32
      %lt3A_416 = arith.constant 2500 : i32
      %lt3A_417 = arith.cmpi slt, %add3A_415, %lt3A_416 : i32
      %convert_element_type3A_418 = arith.extui %lt3A_417 : i1 to i32
      %cond3A_419 = arith.constant 0 : i32
      %cond3A_420 = arith.cmpi ne, %convert_element_type3A_418, %cond3A_419 : i32
      scf.if %cond3A_420 {
        %mul3A_441 = arith.constant 32 : i32
        %mul3A_442 = arith.muli %mul3A_441, %add3A_412 : i32
        %add3A_443 = arith.addi %add3A, %mul3A_442 : i32
        %mul3A_444 = arith.constant 128 : i32
        %mul3A_445 = arith.muli %add3A_443, %mul3A_444 : i32
        %dma_wait3A = tpu.memref_slice %arg3[%mul3A_445] : memref<320000xi32, #tpu.memory_space<hbm>> -> memref<128xi32, #tpu.memory_space<hbm>>
        %dma_wait3A_446 = tpu.memref_slice %arg3[%mul3A_445] : memref<320000xi32, #tpu.memory_space<hbm>> -> memref<128xi32, #tpu.memory_space<hbm>>
        tpu.wait_dma2 semaphore(%arg16 : memref<!tpu.dma_semaphore, #tpu.memory_space<semaphore_mem>>) src(%dma_wait3A_446 : memref<128xi32, #tpu.memory_space<hbm>>) dst(%arg7 : memref<128xi32, #tpu.memory_space<vmem>>)
        %dma_wait3A_447 = tpu.memref_slice %arg4[%mul3A_445] : memref<320000xi32, #tpu.memory_space<hbm>> -> memref<128xi32, #tpu.memory_space<hbm>>
        %dma_wait3A_448 = tpu.memref_slice %arg4[%mul3A_445] : memref<320000xi32, #tpu.memory_space<hbm>> -> memref<128xi32, #tpu.memory_space<hbm>>
        tpu.wait_dma2 semaphore(%arg19 : memref<!tpu.dma_semaphore, #tpu.memory_space<semaphore_mem>>) src(%dma_wait3A_448 : memref<128xi32, #tpu.memory_space<hbm>>) dst(%arg10 : memref<128xi32, #tpu.memory_space<vmem>>)
      } else {
      }
      %add3A_421 = arith.constant 1 : i32
      %add3A_422 = arith.addi %add3A_381, %add3A_421 : i32
      %mul3A_423 = arith.constant 32 : i32
      %mul3A_424 = arith.muli %mul3A_423, %add3A_422 : i32
      %add3A_425 = arith.addi %add3A, %mul3A_424 : i32
      %lt3A_426 = arith.constant 2500 : i32
      %lt3A_427 = arith.cmpi slt, %add3A_425, %lt3A_426 : i32
      %convert_element_type3A_428 = arith.extui %lt3A_427 : i1 to i32
      %cond3A_429 = arith.constant 0 : i32
      %cond3A_430 = arith.cmpi ne, %convert_element_type3A_428, %cond3A_429 : i32
      scf.if %cond3A_430 {
        %dma_start3A = arith.constant 0 : i32
        %dma_start3A_441 = arith.constant 0 : i32
        %dma_start3A_442 = tpu.memref_slice %arg2[%dma_start3A, %dma_start3A_441] : memref<50000x128xf32, #tpu.memory_space<hbm>> -> memref<50000x128xf32, #tpu.memory_space<hbm>>
        tpu.enqueue_indirect_dma source(%dma_start3A_442 : memref<50000x128xf32, #tpu.memory_space<hbm>>) target(%arg13 : memref<128x128xf32, #tpu.memory_space<vmem>>) offsets(%arg7 : memref<128xi32, #tpu.memory_space<vmem>>) semaphore(%arg22 : memref<!tpu.dma_semaphore, #tpu.memory_space<semaphore_mem>>)
      } else {
      }
      %add3A_431 = arith.constant 2 : i32
      %add3A_432 = arith.addi %add3A_381, %add3A_431 : i32
      %mul3A_433 = arith.constant 32 : i32
      %mul3A_434 = arith.muli %mul3A_433, %add3A_432 : i32
      %add3A_435 = arith.addi %add3A, %mul3A_434 : i32
      %lt3A_436 = arith.constant 2500 : i32
      %lt3A_437 = arith.cmpi slt, %add3A_435, %lt3A_436 : i32
      %convert_element_type3A_438 = arith.extui %lt3A_437 : i1 to i32
      %cond3A_439 = arith.constant 0 : i32
      %cond3A_440 = arith.cmpi ne, %convert_element_type3A_438, %cond3A_439 : i32
      scf.if %cond3A_440 {
        %mul3A_441 = arith.constant 32 : i32
        %mul3A_442 = arith.muli %mul3A_441, %add3A_432 : i32
        %add3A_443 = arith.addi %add3A, %mul3A_442 : i32
        %mul3A_444 = arith.constant 128 : i32
        %mul3A_445 = arith.muli %add3A_443, %mul3A_444 : i32
        %dma_start3A = tpu.memref_slice %arg3[%mul3A_445] : memref<320000xi32, #tpu.memory_space<hbm>> -> memref<128xi32, #tpu.memory_space<hbm>>
        %dma_start3A_446 = tpu.memref_slice %arg3[%mul3A_445] : memref<320000xi32, #tpu.memory_space<hbm>> -> memref<128xi32, #tpu.memory_space<hbm>>
        tpu.enqueue_dma source(%dma_start3A_446 : memref<128xi32, #tpu.memory_space<hbm>>) target(%arg8 : memref<128xi32, #tpu.memory_space<vmem>>) target_semaphore(%arg17 : memref<!tpu.dma_semaphore, #tpu.memory_space<semaphore_mem>>)
        %dma_start3A_447 = tpu.memref_slice %arg4[%mul3A_445] : memref<320000xi32, #tpu.memory_space<hbm>> -> memref<128xi32, #tpu.memory_space<hbm>>
        %dma_start3A_448 = tpu.memref_slice %arg4[%mul3A_445] : memref<320000xi32, #tpu.memory_space<hbm>> -> memref<128xi32, #tpu.memory_space<hbm>>
        tpu.enqueue_dma source(%dma_start3A_448 : memref<128xi32, #tpu.memory_space<hbm>>) target(%arg11 : memref<128xi32, #tpu.memory_space<vmem>>) target_semaphore(%arg20 : memref<!tpu.dma_semaphore, #tpu.memory_space<semaphore_mem>>)
      } else {
      }
    }
    %scan3A_56 = arith.constant 14 : i32
    %barrier3A_57 = arith.constant 0 : index
    tpu.barrier barrier_id(%barrier3A_57)
    %mul3A_58 = arith.constant 10240 : i32
    %mul3A_59 = arith.muli %arg0, %mul3A_58 : i32
    %add3A_60 = arith.addi %mul3A_59, %mul3A_6 : i32
    "tpu.region"() ({
      %run_scoped3A = tpu.sem_alloc : memref<!tpu.dma_semaphore, #tpu.memory_space<semaphore_mem>>
      %dma_start3A = arith.constant 0 : i32
      %dma_start3A_61 = tpu.memref_slice %arg5[%add3A_60, %dma_start3A] : memref<20480x128xf32, #tpu.memory_space<hbm>> -> memref<640x128xf32, #tpu.memory_space<hbm>>
      %dma_start3A_62 = arith.constant 0 : i32
      %dma_start3A_63 = tpu.memref_slice %arg15[%mul3A_6, %dma_start3A_62] : memref<10240x128xf32, #tpu.memory_space<vmem_shared>> -> memref<640x128xf32, #tpu.memory_space<vmem_shared>>
      tpu.enqueue_dma source(%dma_start3A_63 : memref<640x128xf32, #tpu.memory_space<vmem_shared>>) target(%dma_start3A_61 : memref<640x128xf32, #tpu.memory_space<hbm>>) target_semaphore(%run_scoped3A : memref<!tpu.dma_semaphore, #tpu.memory_space<semaphore_mem>>)
      %dma_wait3A = arith.constant 0 : i32
      %dma_wait3A_64 = tpu.memref_slice %arg5[%add3A_60, %dma_wait3A] : memref<20480x128xf32, #tpu.memory_space<hbm>> -> memref<640x128xf32, #tpu.memory_space<hbm>>
      %dma_wait3A_65 = arith.constant 0 : i32
      %dma_wait3A_66 = tpu.memref_slice %arg15[%mul3A_6, %dma_wait3A_65] : memref<10240x128xf32, #tpu.memory_space<vmem_shared>> -> memref<640x128xf32, #tpu.memory_space<vmem_shared>>
      tpu.wait_dma2 semaphore(%run_scoped3A : memref<!tpu.dma_semaphore, #tpu.memory_space<semaphore_mem>>) src(%dma_wait3A_66 : memref<640x128xf32, #tpu.memory_space<vmem_shared>>) dst(%dma_wait3A_64 : memref<640x128xf32, #tpu.memory_space<hbm>>)
      tpu.yield
    }) : () -> ()
    return
  }
}

#map = affine_map<(d0, d1) -> (0, 0)>
#map1 = affine_map<(d0, d1) -> (0)>
module attributes {stable_mosaic.version = 14 : i64} {
  func.func @k(%arg0: i32, %arg1: i32, %arg2: memref<20000x128xf32, #tpu.memory_space<hbm>>, %arg3: memref<10000x128xf32, #tpu.memory_space<hbm>>, %arg4: memref<4096xi32, #tpu.memory_space<hbm>>, %arg5: memref<20480xi32, #tpu.memory_space<hbm>>, %arg6: memref<20480xi32, #tpu.memory_space<hbm>>, %arg7: memref<4096x128xf32, #tpu.memory_space<hbm>>, %arg8: memref<20480x128xf32, #tpu.memory_space<hbm>>, %arg9: memref<20480x128xf32, #tpu.memory_space<hbm>>, %arg10: memref<128xi32, #tpu.memory_space<vmem>>, %arg11: memref<128x128xf32, #tpu.memory_space<vmem>>, %arg12: memref<!tpu.dma_semaphore, #tpu.memory_space<semaphore_mem>>) attributes {dimension_semantics = [#tpu.dimension_semantics<core_parallel>, #tpu.dimension_semantics<subcore_parallel>], iteration_bounds = array<i64: 2, 16>, scalar_prefetch = 0 : i64, scratch_operands = 3 : i64, tpu.core_type = #tpu.core_type<sc_vector_subcore>, window_params = [{transform_indices = #map}, {transform_indices = #map}, {transform_indices = #map1}, {transform_indices = #map1}, {transform_indices = #map1}, {transform_indices = #map}, {transform_indices = #map}, {transform_indices = #map}]} {
    %mul3A = arith.constant 16 : i32
    %mul3A_0 = arith.muli %arg0, %mul3A : i32
    %add3A = arith.addi %mul3A_0, %arg1 : i32
    %mul3A_1 = arith.constant 128 : i32
    %mul3A_2 = arith.muli %add3A, %mul3A_1 : i32
    "tpu.region"() ({
      %run_scoped3A = tpu.sem_alloc : memref<!tpu.dma_semaphore, #tpu.memory_space<semaphore_mem>>
      %dma_start3A_18 = tpu.memref_slice %arg4[%mul3A_2] : memref<4096xi32, #tpu.memory_space<hbm>> -> memref<128xi32, #tpu.memory_space<hbm>>
      %dma_start3A_19 = tpu.memref_slice %arg4[%mul3A_2] : memref<4096xi32, #tpu.memory_space<hbm>> -> memref<128xi32, #tpu.memory_space<hbm>>
      tpu.enqueue_dma source(%dma_start3A_19 : memref<128xi32, #tpu.memory_space<hbm>>) target(%arg10 : memref<128xi32, #tpu.memory_space<vmem>>) target_semaphore(%run_scoped3A : memref<!tpu.dma_semaphore, #tpu.memory_space<semaphore_mem>>)
      %dma_wait3A_20 = tpu.memref_slice %arg4[%mul3A_2] : memref<4096xi32, #tpu.memory_space<hbm>> -> memref<128xi32, #tpu.memory_space<hbm>>
      %dma_wait3A_21 = tpu.memref_slice %arg4[%mul3A_2] : memref<4096xi32, #tpu.memory_space<hbm>> -> memref<128xi32, #tpu.memory_space<hbm>>
      tpu.wait_dma2 semaphore(%run_scoped3A : memref<!tpu.dma_semaphore, #tpu.memory_space<semaphore_mem>>) src(%dma_wait3A_21 : memref<128xi32, #tpu.memory_space<hbm>>) dst(%arg10 : memref<128xi32, #tpu.memory_space<vmem>>)
      tpu.yield
    }) : () -> ()
    %dma_start3A = arith.constant 0 : i32
    %dma_start3A_3 = arith.constant 0 : i32
    %dma_start3A_4 = tpu.memref_slice %arg2[%dma_start3A, %dma_start3A_3] : memref<20000x128xf32, #tpu.memory_space<hbm>> -> memref<20000x128xf32, #tpu.memory_space<hbm>>
    tpu.enqueue_indirect_dma source(%dma_start3A_4 : memref<20000x128xf32, #tpu.memory_space<hbm>>) target(%arg11 : memref<128x128xf32, #tpu.memory_space<vmem>>) offsets(%arg10 : memref<128xi32, #tpu.memory_space<vmem>>) semaphore(%arg12 : memref<!tpu.dma_semaphore, #tpu.memory_space<semaphore_mem>>)
    %dma_wait3A = arith.constant 0 : i32
    %dma_wait3A_5 = arith.constant 0 : i32
    %dma_wait3A_6 = tpu.memref_slice %arg2[%dma_wait3A, %dma_wait3A_5] : memref<20000x128xf32, #tpu.memory_space<hbm>> -> memref<20000x128xf32, #tpu.memory_space<hbm>>
    tpu.wait_indirect_dma semaphore(%arg12 : memref<!tpu.dma_semaphore, #tpu.memory_space<semaphore_mem>>) src(%dma_wait3A_6 : memref<20000x128xf32, #tpu.memory_space<hbm>>) dst(%arg11 : memref<128x128xf32, #tpu.memory_space<vmem>>)
    "tpu.region"() ({
      %run_scoped3A = tpu.sem_alloc : memref<!tpu.dma_semaphore, #tpu.memory_space<semaphore_mem>>
      %dma_start3A_18 = arith.constant 0 : i32
      %dma_start3A_19 = tpu.memref_slice %arg7[%mul3A_2, %dma_start3A_18] : memref<4096x128xf32, #tpu.memory_space<hbm>> -> memref<128x128xf32, #tpu.memory_space<hbm>>
      %dma_start3A_20 = arith.constant 0 : i32
      %dma_start3A_21 = tpu.memref_slice %arg7[%mul3A_2, %dma_start3A_20] : memref<4096x128xf32, #tpu.memory_space<hbm>> -> memref<128x128xf32, #tpu.memory_space<hbm>>
      tpu.enqueue_dma source(%arg11 : memref<128x128xf32, #tpu.memory_space<vmem>>) target(%dma_start3A_21 : memref<128x128xf32, #tpu.memory_space<hbm>>) target_semaphore(%run_scoped3A : memref<!tpu.dma_semaphore, #tpu.memory_space<semaphore_mem>>)
      %dma_wait3A_22 = arith.constant 0 : i32
      %dma_wait3A_23 = tpu.memref_slice %arg7[%mul3A_2, %dma_wait3A_22] : memref<4096x128xf32, #tpu.memory_space<hbm>> -> memref<128x128xf32, #tpu.memory_space<hbm>>
      %dma_wait3A_24 = arith.constant 0 : i32
      %dma_wait3A_25 = tpu.memref_slice %arg7[%mul3A_2, %dma_wait3A_24] : memref<4096x128xf32, #tpu.memory_space<hbm>> -> memref<128x128xf32, #tpu.memory_space<hbm>>
      tpu.wait_dma2 semaphore(%run_scoped3A : memref<!tpu.dma_semaphore, #tpu.memory_space<semaphore_mem>>) src(%arg11 : memref<128x128xf32, #tpu.memory_space<vmem>>) dst(%dma_wait3A_25 : memref<128x128xf32, #tpu.memory_space<hbm>>)
      tpu.yield
    }) : () -> ()
    %mul3A_7 = arith.constant 640 : i32
    %mul3A_8 = arith.muli %add3A, %mul3A_7 : i32
    %scan3A = arith.constant 0 : i32
    %scan3A_9 = arith.constant 5 : i32
    %scan3A_10 = arith.addi %scan3A, %scan3A_9 : i32
    %scan3A_11 = arith.constant 1 : i32
    scf.for %scan3A_18 = %scan3A to %scan3A_10 step %scan3A_11  : i32 {
      %mul3A_19 = arith.constant 1 : i32
      %mul3A_20 = arith.muli %scan3A_18, %mul3A_19 : i32
      %add3A_21 = arith.constant 0 : i32
      %add3A_22 = arith.addi %add3A_21, %mul3A_20 : i32
      %mul3A_23 = arith.constant 128 : i32
      %mul3A_24 = arith.muli %add3A_22, %mul3A_23 : i32
      %add3A_25 = arith.addi %mul3A_8, %mul3A_24 : i32
      "tpu.region"() ({
        %run_scoped3A = tpu.sem_alloc : memref<!tpu.dma_semaphore, #tpu.memory_space<semaphore_mem>>
        %dma_start3A_32 = tpu.memref_slice %arg5[%add3A_25] : memref<20480xi32, #tpu.memory_space<hbm>> -> memref<128xi32, #tpu.memory_space<hbm>>
        %dma_start3A_33 = tpu.memref_slice %arg5[%add3A_25] : memref<20480xi32, #tpu.memory_space<hbm>> -> memref<128xi32, #tpu.memory_space<hbm>>
        tpu.enqueue_dma source(%dma_start3A_33 : memref<128xi32, #tpu.memory_space<hbm>>) target(%arg10 : memref<128xi32, #tpu.memory_space<vmem>>) target_semaphore(%run_scoped3A : memref<!tpu.dma_semaphore, #tpu.memory_space<semaphore_mem>>)
        %dma_wait3A_34 = tpu.memref_slice %arg5[%add3A_25] : memref<20480xi32, #tpu.memory_space<hbm>> -> memref<128xi32, #tpu.memory_space<hbm>>
        %dma_wait3A_35 = tpu.memref_slice %arg5[%add3A_25] : memref<20480xi32, #tpu.memory_space<hbm>> -> memref<128xi32, #tpu.memory_space<hbm>>
        tpu.wait_dma2 semaphore(%run_scoped3A : memref<!tpu.dma_semaphore, #tpu.memory_space<semaphore_mem>>) src(%dma_wait3A_35 : memref<128xi32, #tpu.memory_space<hbm>>) dst(%arg10 : memref<128xi32, #tpu.memory_space<vmem>>)
        tpu.yield
      }) : () -> ()
      %dma_start3A_26 = arith.constant 0 : i32
      %dma_start3A_27 = arith.constant 0 : i32
      %dma_start3A_28 = tpu.memref_slice %arg2[%dma_start3A_26, %dma_start3A_27] : memref<20000x128xf32, #tpu.memory_space<hbm>> -> memref<20000x128xf32, #tpu.memory_space<hbm>>
      tpu.enqueue_indirect_dma source(%dma_start3A_28 : memref<20000x128xf32, #tpu.memory_space<hbm>>) target(%arg11 : memref<128x128xf32, #tpu.memory_space<vmem>>) offsets(%arg10 : memref<128xi32, #tpu.memory_space<vmem>>) semaphore(%arg12 : memref<!tpu.dma_semaphore, #tpu.memory_space<semaphore_mem>>)
      %dma_wait3A_29 = arith.constant 0 : i32
      %dma_wait3A_30 = arith.constant 0 : i32
      %dma_wait3A_31 = tpu.memref_slice %arg2[%dma_wait3A_29, %dma_wait3A_30] : memref<20000x128xf32, #tpu.memory_space<hbm>> -> memref<20000x128xf32, #tpu.memory_space<hbm>>
      tpu.wait_indirect_dma semaphore(%arg12 : memref<!tpu.dma_semaphore, #tpu.memory_space<semaphore_mem>>) src(%dma_wait3A_31 : memref<20000x128xf32, #tpu.memory_space<hbm>>) dst(%arg11 : memref<128x128xf32, #tpu.memory_space<vmem>>)
      "tpu.region"() ({
        %run_scoped3A = tpu.sem_alloc : memref<!tpu.dma_semaphore, #tpu.memory_space<semaphore_mem>>
        %dma_start3A_32 = arith.constant 0 : i32
        %dma_start3A_33 = tpu.memref_slice %arg8[%add3A_25, %dma_start3A_32] : memref<20480x128xf32, #tpu.memory_space<hbm>> -> memref<128x128xf32, #tpu.memory_space<hbm>>
        %dma_start3A_34 = arith.constant 0 : i32
        %dma_start3A_35 = tpu.memref_slice %arg8[%add3A_25, %dma_start3A_34] : memref<20480x128xf32, #tpu.memory_space<hbm>> -> memref<128x128xf32, #tpu.memory_space<hbm>>
        tpu.enqueue_dma source(%arg11 : memref<128x128xf32, #tpu.memory_space<vmem>>) target(%dma_start3A_35 : memref<128x128xf32, #tpu.memory_space<hbm>>) target_semaphore(%run_scoped3A : memref<!tpu.dma_semaphore, #tpu.memory_space<semaphore_mem>>)
        %dma_wait3A_36 = arith.constant 0 : i32
        %dma_wait3A_37 = tpu.memref_slice %arg8[%add3A_25, %dma_wait3A_36] : memref<20480x128xf32, #tpu.memory_space<hbm>> -> memref<128x128xf32, #tpu.memory_space<hbm>>
        %dma_wait3A_38 = arith.constant 0 : i32
        %dma_wait3A_39 = tpu.memref_slice %arg8[%add3A_25, %dma_wait3A_38] : memref<20480x128xf32, #tpu.memory_space<hbm>> -> memref<128x128xf32, #tpu.memory_space<hbm>>
        tpu.wait_dma2 semaphore(%run_scoped3A : memref<!tpu.dma_semaphore, #tpu.memory_space<semaphore_mem>>) src(%arg11 : memref<128x128xf32, #tpu.memory_space<vmem>>) dst(%dma_wait3A_39 : memref<128x128xf32, #tpu.memory_space<hbm>>)
        tpu.yield
      }) : () -> ()
    }
    %scan3A_12 = arith.constant 5 : i32
    %scan3A_13 = arith.constant 0 : i32
    %scan3A_14 = arith.constant 5 : i32
    %scan3A_15 = arith.addi %scan3A_13, %scan3A_14 : i32
    %scan3A_16 = arith.constant 1 : i32
    scf.for %scan3A_18 = %scan3A_13 to %scan3A_15 step %scan3A_16  : i32 {
      %mul3A_19 = arith.constant 1 : i32
      %mul3A_20 = arith.muli %scan3A_18, %mul3A_19 : i32
      %add3A_21 = arith.constant 0 : i32
      %add3A_22 = arith.addi %add3A_21, %mul3A_20 : i32
      %mul3A_23 = arith.constant 128 : i32
      %mul3A_24 = arith.muli %add3A_22, %mul3A_23 : i32
      %add3A_25 = arith.addi %mul3A_8, %mul3A_24 : i32
      "tpu.region"() ({
        %run_scoped3A = tpu.sem_alloc : memref<!tpu.dma_semaphore, #tpu.memory_space<semaphore_mem>>
        %dma_start3A_32 = tpu.memref_slice %arg6[%add3A_25] : memref<20480xi32, #tpu.memory_space<hbm>> -> memref<128xi32, #tpu.memory_space<hbm>>
        %dma_start3A_33 = tpu.memref_slice %arg6[%add3A_25] : memref<20480xi32, #tpu.memory_space<hbm>> -> memref<128xi32, #tpu.memory_space<hbm>>
        tpu.enqueue_dma source(%dma_start3A_33 : memref<128xi32, #tpu.memory_space<hbm>>) target(%arg10 : memref<128xi32, #tpu.memory_space<vmem>>) target_semaphore(%run_scoped3A : memref<!tpu.dma_semaphore, #tpu.memory_space<semaphore_mem>>)
        %dma_wait3A_34 = tpu.memref_slice %arg6[%add3A_25] : memref<20480xi32, #tpu.memory_space<hbm>> -> memref<128xi32, #tpu.memory_space<hbm>>
        %dma_wait3A_35 = tpu.memref_slice %arg6[%add3A_25] : memref<20480xi32, #tpu.memory_space<hbm>> -> memref<128xi32, #tpu.memory_space<hbm>>
        tpu.wait_dma2 semaphore(%run_scoped3A : memref<!tpu.dma_semaphore, #tpu.memory_space<semaphore_mem>>) src(%dma_wait3A_35 : memref<128xi32, #tpu.memory_space<hbm>>) dst(%arg10 : memref<128xi32, #tpu.memory_space<vmem>>)
        tpu.yield
      }) : () -> ()
      %dma_start3A_26 = arith.constant 0 : i32
      %dma_start3A_27 = arith.constant 0 : i32
      %dma_start3A_28 = tpu.memref_slice %arg3[%dma_start3A_26, %dma_start3A_27] : memref<10000x128xf32, #tpu.memory_space<hbm>> -> memref<10000x128xf32, #tpu.memory_space<hbm>>
      tpu.enqueue_indirect_dma source(%dma_start3A_28 : memref<10000x128xf32, #tpu.memory_space<hbm>>) target(%arg11 : memref<128x128xf32, #tpu.memory_space<vmem>>) offsets(%arg10 : memref<128xi32, #tpu.memory_space<vmem>>) semaphore(%arg12 : memref<!tpu.dma_semaphore, #tpu.memory_space<semaphore_mem>>)
      %dma_wait3A_29 = arith.constant 0 : i32
      %dma_wait3A_30 = arith.constant 0 : i32
      %dma_wait3A_31 = tpu.memref_slice %arg3[%dma_wait3A_29, %dma_wait3A_30] : memref<10000x128xf32, #tpu.memory_space<hbm>> -> memref<10000x128xf32, #tpu.memory_space<hbm>>
      tpu.wait_indirect_dma semaphore(%arg12 : memref<!tpu.dma_semaphore, #tpu.memory_space<semaphore_mem>>) src(%dma_wait3A_31 : memref<10000x128xf32, #tpu.memory_space<hbm>>) dst(%arg11 : memref<128x128xf32, #tpu.memory_space<vmem>>)
      "tpu.region"() ({
        %run_scoped3A = tpu.sem_alloc : memref<!tpu.dma_semaphore, #tpu.memory_space<semaphore_mem>>
        %dma_start3A_32 = arith.constant 0 : i32
        %dma_start3A_33 = tpu.memref_slice %arg9[%add3A_25, %dma_start3A_32] : memref<20480x128xf32, #tpu.memory_space<hbm>> -> memref<128x128xf32, #tpu.memory_space<hbm>>
        %dma_start3A_34 = arith.constant 0 : i32
        %dma_start3A_35 = tpu.memref_slice %arg9[%add3A_25, %dma_start3A_34] : memref<20480x128xf32, #tpu.memory_space<hbm>> -> memref<128x128xf32, #tpu.memory_space<hbm>>
        tpu.enqueue_dma source(%arg11 : memref<128x128xf32, #tpu.memory_space<vmem>>) target(%dma_start3A_35 : memref<128x128xf32, #tpu.memory_space<hbm>>) target_semaphore(%run_scoped3A : memref<!tpu.dma_semaphore, #tpu.memory_space<semaphore_mem>>)
        %dma_wait3A_36 = arith.constant 0 : i32
        %dma_wait3A_37 = tpu.memref_slice %arg9[%add3A_25, %dma_wait3A_36] : memref<20480x128xf32, #tpu.memory_space<hbm>> -> memref<128x128xf32, #tpu.memory_space<hbm>>
        %dma_wait3A_38 = arith.constant 0 : i32
        %dma_wait3A_39 = tpu.memref_slice %arg9[%add3A_25, %dma_wait3A_38] : memref<20480x128xf32, #tpu.memory_space<hbm>> -> memref<128x128xf32, #tpu.memory_space<hbm>>
        tpu.wait_dma2 semaphore(%run_scoped3A : memref<!tpu.dma_semaphore, #tpu.memory_space<semaphore_mem>>) src(%arg11 : memref<128x128xf32, #tpu.memory_space<vmem>>) dst(%dma_wait3A_39 : memref<128x128xf32, #tpu.memory_space<hbm>>)
        tpu.yield
      }) : () -> ()
    }
    %scan3A_17 = arith.constant 5 : i32
    return
  }
}

module attributes {stable_mosaic.version = 14 : i64} {
  func.func @body(%arg0: memref<20480x128xf32, #tpu.memory_space<vmem>>, %arg1: memref<10000x128xf32, #tpu.memory_space<vmem>>, %arg2: memref<256x256xf32, #tpu.memory_space<vmem>>, %arg3: memref<1x256xf32, #tpu.memory_space<vmem>>, %arg4: memref<64x256xf32, #tpu.memory_space<vmem>>, %arg5: memref<1x64xf32, #tpu.memory_space<vmem>>, %arg6: memref<10000x128xf32, #tpu.memory_space<vmem>>) attributes {dimension_semantics = [], scalar_prefetch = 0 : i64, scratch_operands = 0 : i64, tpu.core_type = #tpu.core_type<tc>} {
    %get3A = arith.constant 0 : index
    %get3A_0 = arith.constant 0 : index
    %get3A_1 = vector.load %arg0[%get3A, %get3A_0] : memref<20480x128xf32, #tpu.memory_space<vmem>>, vector<10000x128xf32>
    %get3A_2 = arith.constant 10240 : index
    %get3A_3 = arith.constant 0 : index
    %get3A_4 = vector.load %arg0[%get3A_2, %get3A_3] : memref<20480x128xf32, #tpu.memory_space<vmem>>, vector<10000x128xf32>
    %add3A = arith.addf %get3A_1, %get3A_4 : vector<10000x128xf32>
    %mul3A = arith.mulf %add3A, %add3A : vector<10000x128xf32>
    %reduce_sum3A = arith.constant dense<0.000000e+00> : vector<10000xf32>
    %reduce_sum3A_5 = vector.multi_reduction <add>, %mul3A, %reduce_sum3A [1] : vector<10000x128xf32> to vector<10000xf32>
    %broadcast_in_dim3A = vector.shape_cast %reduce_sum3A_5 : vector<10000xf32> to vector<10000x1xf32>
    %sqrt3A = math.sqrt %broadcast_in_dim3A : vector<10000x1xf32>
    %max3A = arith.constant 9.99999996E-13 : f32
    %max3A_6 = vector.broadcast %max3A : f32 to vector<10000x1xf32>
    %max3A_7 = arith.maximumf %sqrt3A, %max3A_6 : vector<10000x1xf32>
    %div3A = vector.broadcast %max3A_7 : vector<10000x1xf32> to vector<10000x128xf32>
    %div3A_8 = arith.divf %add3A, %div3A : vector<10000x128xf32>
    %get3A_9 = arith.constant 0 : index
    %get3A_10 = arith.constant 0 : index
    %get3A_11 = vector.load %arg1[%get3A_9, %get3A_10] : memref<10000x128xf32, #tpu.memory_space<vmem>>, vector<10000x128xf32>
    %mul3A_12 = arith.mulf %get3A_11, %get3A_11 : vector<10000x128xf32>
    %reduce_sum3A_13 = arith.constant dense<0.000000e+00> : vector<10000xf32>
    %reduce_sum3A_14 = vector.multi_reduction <add>, %mul3A_12, %reduce_sum3A_13 [1] : vector<10000x128xf32> to vector<10000xf32>
    %broadcast_in_dim3A_15 = vector.shape_cast %reduce_sum3A_14 : vector<10000xf32> to vector<10000x1xf32>
    %sqrt3A_16 = math.sqrt %broadcast_in_dim3A_15 : vector<10000x1xf32>
    %max3A_17 = arith.constant 9.99999996E-13 : f32
    %max3A_18 = vector.broadcast %max3A_17 : f32 to vector<10000x1xf32>
    %max3A_19 = arith.maximumf %sqrt3A_16, %max3A_18 : vector<10000x1xf32>
    %div3A_20 = vector.broadcast %max3A_19 : vector<10000x1xf32> to vector<10000x128xf32>
    %div3A_21 = arith.divf %get3A_11, %div3A_20 : vector<10000x128xf32>
    %concatenate3A = tpu.concatenate %div3A_21, %div3A_8 in 1 : vector<10000x128xf32>, vector<10000x128xf32> -> vector<10000x256xf32>
    %get3A_22 = arith.constant 0 : index
    %get3A_23 = arith.constant 0 : index
    %get3A_24 = vector.load %arg2[%get3A_22, %get3A_23] : memref<256x256xf32, #tpu.memory_space<vmem>>, vector<256x256xf32>
    %dot_general3A = arith.constant dense<0.000000e+00> : vector<10000x256xf32>
    %dot_general3A_25 = tpu.matmul %concatenate3A, %get3A_24, %dot_general3A {dimension_numbers = #tpu.dot_dimension_numbers<[1], [1], [0], [0], [0, 0, 1, 0], [], []>, precision = #tpu.contract_precision<fp32>, transpose_lhs_hint = false} : vector<10000x256xf32>, vector<256x256xf32>, vector<10000x256xf32> -> vector<10000x256xf32>
    %get3A_26 = arith.constant 0 : index
    %get3A_27 = arith.constant 0 : index
    %get3A_28 = vector.load %arg3[%get3A_26, %get3A_27] : memref<1x256xf32, #tpu.memory_space<vmem>>, vector<1x256xf32>
    %add3A_29 = vector.broadcast %get3A_28 : vector<1x256xf32> to vector<10000x256xf32>
    %add3A_30 = arith.addf %dot_general3A_25, %add3A_29 : vector<10000x256xf32>
    %gt3A = arith.constant 0.000000e+00 : f32
    %gt3A_31 = vector.broadcast %gt3A : f32 to vector<10000x256xf32>
    %gt3A_32 = arith.cmpf ogt, %add3A_30, %gt3A_31 : vector<10000x256xf32>
    %mul3A_33 = arith.constant 0.00999999977 : f32
    %mul3A_34 = vector.broadcast %mul3A_33 : f32 to vector<10000x256xf32>
    %mul3A_35 = arith.mulf %mul3A_34, %add3A_30 : vector<10000x256xf32>
    %select_n3A = arith.select %gt3A_32, %add3A_30, %mul3A_35 : vector<10000x256xi1>, vector<10000x256xf32>
    %get3A_36 = arith.constant 0 : index
    %get3A_37 = arith.constant 0 : index
    %get3A_38 = vector.load %arg4[%get3A_36, %get3A_37] : memref<64x256xf32, #tpu.memory_space<vmem>>, vector<64x256xf32>
    %dot_general3A_39 = arith.constant dense<0.000000e+00> : vector<10000x64xf32>
    %dot_general3A_40 = tpu.matmul %select_n3A, %get3A_38, %dot_general3A_39 {dimension_numbers = #tpu.dot_dimension_numbers<[1], [1], [0], [0], [0, 0, 1, 0], [], []>, precision = #tpu.contract_precision<fp32>, transpose_lhs_hint = false} : vector<10000x256xf32>, vector<64x256xf32>, vector<10000x64xf32> -> vector<10000x64xf32>
    %get3A_41 = arith.constant 0 : index
    %get3A_42 = arith.constant 0 : index
    %get3A_43 = vector.load %arg5[%get3A_41, %get3A_42] : memref<1x64xf32, #tpu.memory_space<vmem>>, vector<1x64xf32>
    %add3A_44 = vector.broadcast %get3A_43 : vector<1x64xf32> to vector<10000x64xf32>
    %add3A_45 = arith.addf %dot_general3A_40, %add3A_44 : vector<10000x64xf32>
    %broadcast_in_dim3A_46 = arith.constant 0.000000e+00 : f32
    %broadcast_in_dim3A_47 = vector.broadcast %broadcast_in_dim3A_46 : f32 to vector<10000x64xf32>
    %concatenate3A_48 = tpu.concatenate %add3A_45, %broadcast_in_dim3A_47 in 1 : vector<10000x64xf32>, vector<10000x64xf32> -> vector<10000x128xf32>
    %swap3A = arith.constant 0 : index
    %swap3A_49 = arith.constant 0 : index
    %swap3A_50 = vector.load %arg6[%swap3A, %swap3A_49] : memref<10000x128xf32, #tpu.memory_space<vmem>>, vector<10000x128xf32>
    tpu.vector_store %arg6[%swap3A, %swap3A_49], %concatenate3A_48 {strides = array<i32>} : memref<10000x128xf32, #tpu.memory_space<vmem>>, vector<10000x128xf32>,
    return
  }
}

module attributes {stable_mosaic.version = 14 : i64} {
  func.func @body(%arg0: memref<4096x128xf32, #tpu.memory_space<vmem>>, %arg1: memref<4096x640xf32, #tpu.memory_space<vmem>>, %arg2: memref<4096x640xf32, #tpu.memory_space<vmem>>, %arg3: memref<20000x64xf32, #tpu.memory_space<vmem>>, %arg4: memref<1x1xf32, #tpu.memory_space<vmem>>) attributes {dimension_semantics = [], scalar_prefetch = 0 : i64, scratch_operands = 0 : i64, tpu.core_type = #tpu.core_type<tc>} {
    %get3A = arith.constant 0 : index
    %get3A_0 = arith.constant 0 : index
    %get3A_1 = vector.load %arg0[%get3A, %get3A_0] : memref<4096x128xf32, #tpu.memory_space<vmem>>, vector<4096x128xf32>
    %get3A_2 = arith.constant 0 : index
    %get3A_3 = arith.constant 0 : index
    %get3A_4 = vector.load %arg1[%get3A_2, %get3A_3] : memref<4096x640xf32, #tpu.memory_space<vmem>>, vector<4096x640xf32>
    %get3A_5 = arith.constant 0 : index
    %get3A_6 = arith.constant 0 : index
    %get3A_7 = vector.load %arg2[%get3A_5, %get3A_6] : memref<4096x640xf32, #tpu.memory_space<vmem>>, vector<4096x640xf32>
    %slice3A = vector.extract_strided_slice %get3A_4 {offsets = [0, 0], sizes = [4096, 128], strides = [1, 1]} : vector<4096x640xf32> to vector<4096x128xf32>
    %mul3A = arith.mulf %get3A_1, %slice3A : vector<4096x128xf32>
    %reduce_sum3A = arith.constant dense<0.000000e+00> : vector<4096xf32>
    %reduce_sum3A_8 = vector.multi_reduction <add>, %mul3A, %reduce_sum3A [1] : vector<4096x128xf32> to vector<4096xf32>
    %broadcast_in_dim3A = vector.shape_cast %reduce_sum3A_8 : vector<4096xf32> to vector<4096x1xf32>
    %mul3A_9 = arith.constant 1.000000e+01 : f32
    %mul3A_10 = vector.broadcast %mul3A_9 : f32 to vector<4096x1xf32>
    %mul3A_11 = arith.mulf %broadcast_in_dim3A, %mul3A_10 : vector<4096x1xf32>
    %exp3A = math.exp %mul3A_11 : vector<4096x1xf32>
    %slice3A_12 = vector.extract_strided_slice %get3A_4 {offsets = [0, 128], sizes = [4096, 128], strides = [1, 1]} : vector<4096x640xf32> to vector<4096x128xf32>
    %mul3A_13 = arith.mulf %get3A_1, %slice3A_12 : vector<4096x128xf32>
    %reduce_sum3A_14 = arith.constant dense<0.000000e+00> : vector<4096xf32>
    %reduce_sum3A_15 = vector.multi_reduction <add>, %mul3A_13, %reduce_sum3A_14 [1] : vector<4096x128xf32> to vector<4096xf32>
    %broadcast_in_dim3A_16 = vector.shape_cast %reduce_sum3A_15 : vector<4096xf32> to vector<4096x1xf32>
    %mul3A_17 = arith.constant 1.000000e+01 : f32
    %mul3A_18 = vector.broadcast %mul3A_17 : f32 to vector<4096x1xf32>
    %mul3A_19 = arith.mulf %broadcast_in_dim3A_16, %mul3A_18 : vector<4096x1xf32>
    %exp3A_20 = math.exp %mul3A_19 : vector<4096x1xf32>
    %slice3A_21 = vector.extract_strided_slice %get3A_4 {offsets = [0, 256], sizes = [4096, 128], strides = [1, 1]} : vector<4096x640xf32> to vector<4096x128xf32>
    %mul3A_22 = arith.mulf %get3A_1, %slice3A_21 : vector<4096x128xf32>
    %reduce_sum3A_23 = arith.constant dense<0.000000e+00> : vector<4096xf32>
    %reduce_sum3A_24 = vector.multi_reduction <add>, %mul3A_22, %reduce_sum3A_23 [1] : vector<4096x128xf32> to vector<4096xf32>
    %broadcast_in_dim3A_25 = vector.shape_cast %reduce_sum3A_24 : vector<4096xf32> to vector<4096x1xf32>
    %mul3A_26 = arith.constant 1.000000e+01 : f32
    %mul3A_27 = vector.broadcast %mul3A_26 : f32 to vector<4096x1xf32>
    %mul3A_28 = arith.mulf %broadcast_in_dim3A_25, %mul3A_27 : vector<4096x1xf32>
    %exp3A_29 = math.exp %mul3A_28 : vector<4096x1xf32>
    %slice3A_30 = vector.extract_strided_slice %get3A_4 {offsets = [0, 384], sizes = [4096, 128], strides = [1, 1]} : vector<4096x640xf32> to vector<4096x128xf32>
    %mul3A_31 = arith.mulf %get3A_1, %slice3A_30 : vector<4096x128xf32>
    %reduce_sum3A_32 = arith.constant dense<0.000000e+00> : vector<4096xf32>
    %reduce_sum3A_33 = vector.multi_reduction <add>, %mul3A_31, %reduce_sum3A_32 [1] : vector<4096x128xf32> to vector<4096xf32>
    %broadcast_in_dim3A_34 = vector.shape_cast %reduce_sum3A_33 : vector<4096xf32> to vector<4096x1xf32>
    %mul3A_35 = arith.constant 1.000000e+01 : f32
    %mul3A_36 = vector.broadcast %mul3A_35 : f32 to vector<4096x1xf32>
    %mul3A_37 = arith.mulf %broadcast_in_dim3A_34, %mul3A_36 : vector<4096x1xf32>
    %exp3A_38 = math.exp %mul3A_37 : vector<4096x1xf32>
    %slice3A_39 = vector.extract_strided_slice %get3A_4 {offsets = [0, 512], sizes = [4096, 128], strides = [1, 1]} : vector<4096x640xf32> to vector<4096x128xf32>
    %mul3A_40 = arith.mulf %get3A_1, %slice3A_39 : vector<4096x128xf32>
    %reduce_sum3A_41 = arith.constant dense<0.000000e+00> : vector<4096xf32>
    %reduce_sum3A_42 = vector.multi_reduction <add>, %mul3A_40, %reduce_sum3A_41 [1] : vector<4096x128xf32> to vector<4096xf32>
    %broadcast_in_dim3A_43 = vector.shape_cast %reduce_sum3A_42 : vector<4096xf32> to vector<4096x1xf32>
    %mul3A_44 = arith.constant 1.000000e+01 : f32
    %mul3A_45 = vector.broadcast %mul3A_44 : f32 to vector<4096x1xf32>
    %mul3A_46 = arith.mulf %broadcast_in_dim3A_43, %mul3A_45 : vector<4096x1xf32>
    %exp3A_47 = math.exp %mul3A_46 : vector<4096x1xf32>
    %add3A = arith.addf %exp3A, %exp3A_20 : vector<4096x1xf32>
    %add3A_48 = arith.addf %add3A, %exp3A_29 : vector<4096x1xf32>
    %add3A_49 = arith.addf %add3A_48, %exp3A_38 : vector<4096x1xf32>
    %add3A_50 = arith.addf %add3A_49, %exp3A_47 : vector<4096x1xf32>
    %add3A_51 = arith.constant 9.99999993E-9 : f32
    %add3A_52 = vector.broadcast %add3A_51 : f32 to vector<4096x1xf32>
    %add3A_53 = arith.addf %add3A_50, %add3A_52 : vector<4096x1xf32>
    %div3A = arith.divf %exp3A, %add3A_53 : vector<4096x1xf32>
    %add3A_54 = arith.constant 9.99999993E-9 : f32
    %add3A_55 = vector.broadcast %add3A_54 : f32 to vector<4096x1xf32>
    %add3A_56 = arith.addf %div3A, %add3A_55 : vector<4096x1xf32>
    %log3A = math.log %add3A_56 : vector<4096x1xf32>
    %neg3A = arith.constant 0.000000e+00 : f32
    %neg3A_57 = vector.broadcast %neg3A : f32 to vector<4096x1xf32>
    %neg3A_58 = arith.subf %neg3A_57, %log3A : vector<4096x1xf32>
    %reduce_sum3A_59 = vector.shape_cast %neg3A_58 : vector<4096x1xf32> to vector<1x4096x1xf32>
    %reduce_sum3A_60 = arith.constant dense<0.000000e+00> : vector<1xf32>
    %reduce_sum3A_61 = vector.multi_reduction <add>, %reduce_sum3A_59, %reduce_sum3A_60 [1, 2] : vector<1x4096x1xf32> to vector<1xf32>
    %reduce_sum3A_62 = vector.shape_cast %reduce_sum3A_61 : vector<1xf32> to vector<1x1x1xf32>
    %reduce_sum3A_63 = vector.extract %reduce_sum3A_62[0, 0, 0] : f32 from vector<1x1x1xf32>
    %div3A_64 = arith.constant 4.096000e+03 : f32
    %div3A_65 = arith.divf %reduce_sum3A_63, %div3A_64 : f32
    %slice3A_66 = vector.extract_strided_slice %get3A_4 {offsets = [0, 0], sizes = [4096, 128], strides = [1, 1]} : vector<4096x640xf32> to vector<4096x128xf32>
    %slice3A_67 = vector.extract_strided_slice %get3A_7 {offsets = [0, 0], sizes = [4096, 128], strides = [1, 1]} : vector<4096x640xf32> to vector<4096x128xf32>
    %mul3A_68 = arith.mulf %slice3A_66, %slice3A_67 : vector<4096x128xf32>
    %reduce_sum3A_69 = arith.constant dense<0.000000e+00> : vector<4096xf32>
    %reduce_sum3A_70 = vector.multi_reduction <add>, %mul3A_68, %reduce_sum3A_69 [1] : vector<4096x128xf32> to vector<4096xf32>
    %broadcast_in_dim3A_71 = vector.shape_cast %reduce_sum3A_70 : vector<4096xf32> to vector<4096x1xf32>
    %mul3A_72 = arith.constant 1.000000e+01 : f32
    %mul3A_73 = vector.broadcast %mul3A_72 : f32 to vector<4096x1xf32>
    %mul3A_74 = arith.mulf %broadcast_in_dim3A_71, %mul3A_73 : vector<4096x1xf32>
    %exp3A_75 = math.exp %mul3A_74 : vector<4096x1xf32>
    %slice3A_76 = vector.extract_strided_slice %get3A_4 {offsets = [0, 128], sizes = [4096, 128], strides = [1, 1]} : vector<4096x640xf32> to vector<4096x128xf32>
    %slice3A_77 = vector.extract_strided_slice %get3A_7 {offsets = [0, 128], sizes = [4096, 128], strides = [1, 1]} : vector<4096x640xf32> to vector<4096x128xf32>
    %mul3A_78 = arith.mulf %slice3A_76, %slice3A_77 : vector<4096x128xf32>
    %reduce_sum3A_79 = arith.constant dense<0.000000e+00> : vector<4096xf32>
    %reduce_sum3A_80 = vector.multi_reduction <add>, %mul3A_78, %reduce_sum3A_79 [1] : vector<4096x128xf32> to vector<4096xf32>
    %broadcast_in_dim3A_81 = vector.shape_cast %reduce_sum3A_80 : vector<4096xf32> to vector<4096x1xf32>
    %mul3A_82 = arith.constant 1.000000e+01 : f32
    %mul3A_83 = vector.broadcast %mul3A_82 : f32 to vector<4096x1xf32>
    %mul3A_84 = arith.mulf %broadcast_in_dim3A_81, %mul3A_83 : vector<4096x1xf32>
    %exp3A_85 = math.exp %mul3A_84 : vector<4096x1xf32>
    %slice3A_86 = vector.extract_strided_slice %get3A_4 {offsets = [0, 256], sizes = [4096, 128], strides = [1, 1]} : vector<4096x640xf32> to vector<4096x128xf32>
    %slice3A_87 = vector.extract_strided_slice %get3A_7 {offsets = [0, 256], sizes = [4096, 128], strides = [1, 1]} : vector<4096x640xf32> to vector<4096x128xf32>
    %mul3A_88 = arith.mulf %slice3A_86, %slice3A_87 : vector<4096x128xf32>
    %reduce_sum3A_89 = arith.constant dense<0.000000e+00> : vector<4096xf32>
    %reduce_sum3A_90 = vector.multi_reduction <add>, %mul3A_88, %reduce_sum3A_89 [1] : vector<4096x128xf32> to vector<4096xf32>
    %broadcast_in_dim3A_91 = vector.shape_cast %reduce_sum3A_90 : vector<4096xf32> to vector<4096x1xf32>
    %mul3A_92 = arith.constant 1.000000e+01 : f32
    %mul3A_93 = vector.broadcast %mul3A_92 : f32 to vector<4096x1xf32>
    %mul3A_94 = arith.mulf %broadcast_in_dim3A_91, %mul3A_93 : vector<4096x1xf32>
    %exp3A_95 = math.exp %mul3A_94 : vector<4096x1xf32>
    %slice3A_96 = vector.extract_strided_slice %get3A_4 {offsets = [0, 384], sizes = [4096, 128], strides = [1, 1]} : vector<4096x640xf32> to vector<4096x128xf32>
    %slice3A_97 = vector.extract_strided_slice %get3A_7 {offsets = [0, 384], sizes = [4096, 128], strides = [1, 1]} : vector<4096x640xf32> to vector<4096x128xf32>
    %mul3A_98 = arith.mulf %slice3A_96, %slice3A_97 : vector<4096x128xf32>
    %reduce_sum3A_99 = arith.constant dense<0.000000e+00> : vector<4096xf32>
    %reduce_sum3A_100 = vector.multi_reduction <add>, %mul3A_98, %reduce_sum3A_99 [1] : vector<4096x128xf32> to vector<4096xf32>
    %broadcast_in_dim3A_101 = vector.shape_cast %reduce_sum3A_100 : vector<4096xf32> to vector<4096x1xf32>
    %mul3A_102 = arith.constant 1.000000e+01 : f32
    %mul3A_103 = vector.broadcast %mul3A_102 : f32 to vector<4096x1xf32>
    %mul3A_104 = arith.mulf %broadcast_in_dim3A_101, %mul3A_103 : vector<4096x1xf32>
    %exp3A_105 = math.exp %mul3A_104 : vector<4096x1xf32>
    %slice3A_106 = vector.extract_strided_slice %get3A_4 {offsets = [0, 512], sizes = [4096, 128], strides = [1, 1]} : vector<4096x640xf32> to vector<4096x128xf32>
    %slice3A_107 = vector.extract_strided_slice %get3A_7 {offsets = [0, 512], sizes = [4096, 128], strides = [1, 1]} : vector<4096x640xf32> to vector<4096x128xf32>
    %mul3A_108 = arith.mulf %slice3A_106, %slice3A_107 : vector<4096x128xf32>
    %reduce_sum3A_109 = arith.constant dense<0.000000e+00> : vector<4096xf32>
    %reduce_sum3A_110 = vector.multi_reduction <add>, %mul3A_108, %reduce_sum3A_109 [1] : vector<4096x128xf32> to vector<4096xf32>
    %broadcast_in_dim3A_111 = vector.shape_cast %reduce_sum3A_110 : vector<4096xf32> to vector<4096x1xf32>
    %mul3A_112 = arith.constant 1.000000e+01 : f32
    %mul3A_113 = vector.broadcast %mul3A_112 : f32 to vector<4096x1xf32>
    %mul3A_114 = arith.mulf %broadcast_in_dim3A_111, %mul3A_113 : vector<4096x1xf32>
    %exp3A_115 = math.exp %mul3A_114 : vector<4096x1xf32>
    %add3A_116 = arith.addf %exp3A_75, %exp3A_85 : vector<4096x1xf32>
    %add3A_117 = arith.addf %add3A_116, %exp3A_95 : vector<4096x1xf32>
    %add3A_118 = arith.addf %add3A_117, %exp3A_105 : vector<4096x1xf32>
    %add3A_119 = arith.addf %add3A_118, %exp3A_115 : vector<4096x1xf32>
    %add3A_120 = arith.constant 9.99999993E-9 : f32
    %add3A_121 = vector.broadcast %add3A_120 : f32 to vector<4096x1xf32>
    %add3A_122 = arith.addf %add3A_119, %add3A_121 : vector<4096x1xf32>
    %div3A_123 = arith.divf %exp3A_75, %add3A_122 : vector<4096x1xf32>
    %add3A_124 = arith.constant 9.99999993E-9 : f32
    %add3A_125 = vector.broadcast %add3A_124 : f32 to vector<4096x1xf32>
    %add3A_126 = arith.addf %div3A_123, %add3A_125 : vector<4096x1xf32>
    %log3A_127 = math.log %add3A_126 : vector<4096x1xf32>
    %neg3A_128 = arith.constant 0.000000e+00 : f32
    %neg3A_129 = vector.broadcast %neg3A_128 : f32 to vector<4096x1xf32>
    %neg3A_130 = arith.subf %neg3A_129, %log3A_127 : vector<4096x1xf32>
    %reduce_sum3A_131 = vector.shape_cast %neg3A_130 : vector<4096x1xf32> to vector<1x4096x1xf32>
    %reduce_sum3A_132 = arith.constant dense<0.000000e+00> : vector<1xf32>
    %reduce_sum3A_133 = vector.multi_reduction <add>, %reduce_sum3A_131, %reduce_sum3A_132 [1, 2] : vector<1x4096x1xf32> to vector<1xf32>
    %reduce_sum3A_134 = vector.shape_cast %reduce_sum3A_133 : vector<1xf32> to vector<1x1x1xf32>
    %reduce_sum3A_135 = vector.extract %reduce_sum3A_134[0, 0, 0] : f32 from vector<1x1x1xf32>
    %div3A_136 = arith.constant 4.096000e+03 : f32
    %div3A_137 = arith.divf %reduce_sum3A_135, %div3A_136 : f32
    %get3A_138 = arith.constant 0 : index
    %get3A_139 = arith.constant 0 : index
    %get3A_140 = vector.load %arg3[%get3A_138, %get3A_139] : memref<20000x64xf32, #tpu.memory_space<vmem>>, vector<20000x64xf32>
    %mul3A_141 = arith.mulf %get3A_140, %get3A_140 : vector<20000x64xf32>
    %reduce_sum3A_142 = vector.shape_cast %mul3A_141 : vector<20000x64xf32> to vector<1x20000x64xf32>
    %reduce_sum3A_143 = arith.constant dense<0.000000e+00> : vector<1xf32>
    %reduce_sum3A_144 = vector.multi_reduction <add>, %reduce_sum3A_142, %reduce_sum3A_143 [1, 2] : vector<1x20000x64xf32> to vector<1xf32>
    %reduce_sum3A_145 = vector.shape_cast %reduce_sum3A_144 : vector<1xf32> to vector<1x1x1xf32>
    %reduce_sum3A_146 = vector.extract %reduce_sum3A_145[0, 0, 0] : f32 from vector<1x1x1xf32>
    %div3A_147 = arith.constant 1.280000e+06 : f32
    %div3A_148 = arith.divf %reduce_sum3A_146, %div3A_147 : f32
    %mul3A_149 = arith.constant 1.000000e-03 : f32
    %mul3A_150 = arith.mulf %mul3A_149, %div3A_148 : f32
    %mul3A_151 = arith.constant 5.000000e-01 : f32
    %mul3A_152 = arith.mulf %mul3A_151, %div3A_137 : f32
    %add3A_153 = arith.addf %div3A_65, %mul3A_152 : f32
    %add3A_154 = arith.addf %add3A_153, %mul3A_150 : f32
    %broadcast_in_dim3A_155 = vector.broadcast %add3A_154 : f32 to vector<1x1xf32>
    %swap3A = arith.constant 0 : index
    %swap3A_156 = arith.constant 0 : index
    %swap3A_157 = vector.load %arg4[%swap3A, %swap3A_156] : memref<1x1xf32, #tpu.memory_space<vmem>>, vector<1x1xf32>
    tpu.vector_store %arg4[%swap3A, %swap3A_156], %broadcast_in_dim3A_155 {strides = array<i32>} : memref<1x1xf32, #tpu.memory_space<vmem>>, vector<1x1xf32>,
    return
  }
}

</mosaic_0001>

<sc_bundles>
// kernel: kernel.6.cloned.1.call-start
scs
__scs_entry_jumppad:
0x0: {  	(pc) =	sbr.rel $0x88, $3  }
0x1: {  	(tag) =	ssettag $0x0;
	lr =	simm.s32 $0x1  }
0x2: {  	[smem:$0x3F96] =	sst lr;
	_ =	strace $0xD0000000  }
0x3: {  	_ = 	snop  }
0x4: {  	_ = 	snop  }
0x5: {  	_ = 	snop  }
0x6: {  	_ = 	snop  }
0x7: {  	_ = 	snop  }
__scs_overlays_trampoline_lowered:
0x8: {  	[smem:$0x3FA5] =	sst s0  }
0x9: {  	[smem:$0x3FA6] =	sst s1  }
0xa: {  	[smem:$0x3FA7] =	sst s2  }
0xb: {  	[smem:$0x3FA8] =	sst s3  }
0xc: {  	[smem:$0x3FA9] =	sst s4  }
0xd: {  	[smem:$0x3FAA] =	sst s5  }
0xe: {  	[smem:$0x3FAB] =	sst s6  }
0xf: {  	[smem:$0x3FAC] =	sst s7  }
0x10: {  	[smem:$0x3FAD] =	sst s8  }
0x11: {  	[smem:$0x3FAE] =	sst s9;
	s0 =	simm.s32 @!p0 $0x0  }
0x12: {  	s1 =	sld [smem:$0x3F94];
	s0 =	simm.s32 @p0 $0x1  }
0x13: {  	[smem:$0x3FAF] =	sst s0;
	s0 =	simm.s32 @!p1 $0x0  }
0x14: {  	s2 =	sld [smem:$0x3F93];
	s0 =	simm.s32 @p1 $0x1  }
0x15: {  	[smem:$0x3FB0] =	sst s0;
	s0 =	simm.s32 @!p2 $0x0  }
0x16: {  	s3 =	sld [smem:$0x3FDB];
	s0 =	simm.s32 @p2 $0x1  }
0x17: {  	s4 =	simm.s32 $0x1BF5;
	[smem:$0x3FB2] =	sst s0  }
0x18: {  	s0 =	sld [smem:$0x3F95];
	_ =	swait.ge [sflag:s4], $0x0  }
0x19: {  	s7 =	sld [smem:$0x3F96]  }
0x1a: {  	s8 =	sadd.s32 $0xFFFFE003, lr  }
0x1b: {  	s9 =	sadd.s32 $0xFFFFFEF7, lr;
	s5 =	simm.s32 $0xFFFFFFFF;
	p2 =	slt.u32 s8, $0xFFFFF086  }
0x1c: {  	p1 =	slt.u32 s9, $0xF7A;
	s5 =	simm.s32 @!p2 $0x0  }
0x1d: {  	s5 =	simm.s32 @p1 $0x1;
	p0 =	seq.s32 s7, s2  }
0x1e: {  	s7 =	smul.u32 @!p0 $0xF7A, s2;
	p2 =	seq.s32 @!p0 s5, $0x0  }
0x1f: {  	s9 =	smul.u32 $0xF7A, s1;
	s8 =	simm.s32 @!p0 $0x1BF5;
	p2 =	por !p2, p0  }
0x20: {  	[sflag:s8] =	ssyncset.s32 @!p0 $0xFFFFF086;
	s6 =	sadd.s32 @!p0 s3, s7;
	s7 =	simm.s32 @!p0 $0x108  }
0x21: {  	s3 =	sadd.s32 s3, s9;
	s6 =	sadd.s32 @!p0 $0x88, s6;
	s7 =	simm.s32 @p2 $0x1082  }
0x22: {  	[simem:s7], [sflag:s8] =	dma.local @!p0 [hbm:s6], $0xF7A  }
0x23: {  	s9 =	sor.u32 $0xD0000000, s2;
	s6 =	simm.s32 $0x108;
	_ =	swait.ge @!p0 [sflag:s8], $0x0  }
0x24: {  	s3 =	sadd.s32 $0x88, s3;
	s6 =	simm.s32 @!p1 $0x1082;
	[sflag:s4] =	ssyncset.s32 $0xFFFFF086  }
0x25: {  	[simem:s6], [sflag:s4] =	dma.local [hbm:s3], $0xF7A  }
0x26: {  	[smem:$0x3F96] =	sst s1;
	(tag) =	ssettag s2;
	_ =	strace s9  }
0x27: {  	s1 =	sld [smem:$0x3FA6]  }
0x28: {  	s2 =	sld [smem:$0x3FA7]  }
0x29: {  	s4 =	sld [smem:$0x3FA9]  }
0x2a: {  	p0 =	seq.s32 s5, $0x0;
	s5 =	sld [smem:$0x3FAA]  }
0x2b: {  	s6 =	sld [smem:$0x3FAB]  }
0x2c: {  	s7 =	sld [smem:$0x3FAC]  }
0x2d: {  	s3 =	simm.s32 $0x108;
	s8 =	sld [smem:$0x3FAD]  }
0x2e: {  	s3 =	simm.s32 @!p0 $0x1082;
	s9 =	sld [smem:$0x3FAE]  }
0x2f: {  	lr =	sadd.s32 s0, s3;
	s0 =	sld [smem:$0x3FA5]  }
0x30: {  	s3 =	sld [smem:$0x3FA8]  }
0x31: {  	[smem:$0x3FB1] =	sst s10  }
0x32: {  	s10 =	sld [smem:$0x3FAF];
	_ =	sdelay $0x3  }
0x33: {  	p0 =	seq.s32 s10, $0x1;
	s10 =	sld [smem:$0x3FB1];
	_ =	sdelay $0x3  }
0x34: {  	[smem:$0x3FB1] =	sst s10  }
0x35: {  	s10 =	sld [smem:$0x3FB0];
	_ =	sdelay $0x3  }
0x36: {  	p1 =	seq.s32 s10, $0x1;
	s10 =	sld [smem:$0x3FB1];
	_ =	sdelay $0x3  }
0x37: {  	[smem:$0x3FB1] =	sst s10  }
0x38: {  	s10 =	sld [smem:$0x3FB2]  }
0x39: {  	_ = 	snop;
	(pc) =	sbr.ind lr, $3  }
0x3a: {  	_ = 	snop  }
0x3b: {  	_ = 	snop  }
0x3c: {  	p2 =	seq.s32 s10, $0x1;
	s10 =	sld [smem:$0x3FB1]  }
0x3d: {  	_ =	shalt  }
0x3e: {  	_ =	shalt  }
0x3f: {  	_ =	shalt  }
0x40: {  	_ =	shalt  }
0x41: {  	_ =	shalt  }
0x42: {  	_ =	shalt  }
0x43: {  	_ =	shalt  }
0x44: {  	_ =	shalt  }
0x45: {  	_ =	shalt  }
0x46: {  	_ =	shalt  }
0x47: {  	_ =	shalt  }
0x48: {  	_ =	shalt  }
0x49: {  	_ =	shalt  }
0x4a: {  	_ =	shalt  }
0x4b: {  	_ =	shalt  }
0x4c: {  	_ =	shalt  }
0x4d: {  	_ =	shalt  }
0x4e: {  	_ =	shalt  }
0x4f: {  	_ =	shalt  }
0x50: {  	_ =	shalt  }
0x51: {  	_ =	shalt  }
0x52: {  	_ =	shalt  }
0x53: {  	_ =	shalt  }
0x54: {  	_ =	shalt  }
0x55: {  	_ =	shalt  }
0x56: {  	_ =	shalt  }
0x57: {  	_ =	shalt  }
0x58: {  	_ =	shalt  }
0x59: {  	_ =	shalt  }
0x5a: {  	_ =	shalt  }
0x5b: {  	_ =	shalt  }
0x5c: {  	_ =	shalt  }
0x5d: {  	_ =	shalt  }
0x5e: {  	_ =	shalt  }
0x5f: {  	_ =	shalt  }
0x60: {  	_ =	shalt  }
0x61: {  	_ =	shalt  }
0x62: {  	_ =	shalt  }
0x63: {  	_ =	shalt  }
0x64: {  	_ =	shalt  }
0x65: {  	_ =	shalt  }
0x66: {  	_ =	shalt  }
0x67: {  	_ =	shalt  }
0x68: {  	_ =	shalt  }
0x69: {  	_ =	shalt  }
0x6a: {  	_ =	shalt  }
0x6b: {  	_ =	shalt  }
0x6c: {  	_ =	shalt  }
0x6d: {  	_ =	shalt  }
0x6e: {  	_ =	shalt  }
0x6f: {  	_ =	shalt  }
0x70: {  	_ =	shalt  }
0x71: {  	_ =	shalt  }
0x72: {  	_ =	shalt  }
0x73: {  	_ =	shalt  }
0x74: {  	_ =	shalt  }
0x75: {  	_ =	shalt  }
0x76: {  	_ =	shalt  }
0x77: {  	_ =	shalt  }
0x78: {  	_ =	shalt  }
0x79: {  	_ =	shalt  }
0x7a: {  	_ =	shalt  }
0x7b: {  	_ =	shalt  }
0x7c: {  	_ =	shalt  }
0x7d: {  	_ =	shalt  }
0x7e: {  	_ =	shalt  }
0x7f: {  	_ =	shalt  }
0x80: {  	_ =	shalt  }
0x81: {  	_ =	shalt  }
0x82: {  	_ =	shalt  }
0x83: {  	_ =	shalt  }
0x84: {  	_ =	shalt  }
0x85: {  	_ =	shalt  }
0x86: {  	_ =	shalt  }
0x87: {  	_ =	shalt  }
.Lfunc_end0:
.L_simem_size_0:
called_computation_lowered:
.L_overlay_start_0:
0x88: {  	s2 =	sld [smem:$0x3FD9]  }
0x89: {  	s3 =	sld [smem:$0x3FFE];
	_ =	sdelay $0x1  }
0x8a: {  	s1 =	srdreg.scid  }
0x8b: {  	s0 =	sand.u32 $0x1, s1  }
0x8c: {  	s17 =	sshll.u32 s0, $0xA;
	s2 =	sadd.s32 s3, s2  }
0x8d: {  	s2 =	sadd.s32 s2, s17  }
0x8e: {  	[smem:$0x3FBD] =	sst s2  }
0x8f: {  	_ = 	snop  }
0x90: {  	s2 =	sld [smem:$0x3FC8]  }
0x91: {  	s18 =	sld [smem:$0x3FC2]  }
0x92: {  	s4 =	sld [smem:$0x3FC1];
	(tm) =	ssettm $0x1  }
0x93: {  	s5 =	sld [smem:$0x3FFB];
	_ =	sdelay $0x3  }
0x94: {  	_ =	strace s5  }
0x95: {  	s5 =	sld [smem:$0x3FFC];
	_ =	sdelay $0x3  }
0x96: {  	_ =	strace s5  }
0x97: {  	s5 =	sld [smem:$0x3FFD];
	_ =	sdelay $0x3  }
0x98: {  	_ =	strace s5  }
0x99: {  	_ =	strace $0x8FFFFFFF  }
0x9a: {  	s19 =	sld [smem:$0x3FDB];
	_ =	sdelay $0x1  }
0x9b: {  	s6 =	simm.s32 $_scs_section_size  }
0x9c: {  	s7 =	simm.s32 $_size__tile_overlayer_lowered;
	s8 =	simm.s32 $_tile_overlayer_lowered  }
0x9d: {  	s22 =	simm.s32 $0x1BFF;
	s21 =	sshll.u32 s8, $0x1;
	s5 =	sadd.s32 s6, s19  }
0x9e: {  	s9 =	simm.s32 $0x0;
	s20 =	sshll.u32 s7, $0x1;
	s7 =	sadd.s32 s21, s5  }
0x9f: {  	[timem:s9], [sflag:s22] =	dma.local [hbm:s7], s20  }
0xa0: {  	_ =	swait.ge [sflag:s22], s20  }
0xa1: {  	s6 =	ssub.s32 $0x0, s20;
	[sflag:s22] =	ssyncset.done $0x0  }
0xa2: {  	[sflag:s22] =	ssyncadd.s32 s6;
	_ =	sdelay $0x1  }
0xa3: {  	s23 =	simm.s32 $0x1B8B  }
0xa4: {  	_ =	swait.ge [sflag:s23], $0x1  }
0xa5: {  	[sflag:s23] =	ssyncset.done $0x0  }
0xa6: {  	s25 =	simm.s32 $0x1B8E;
	s24 =	sld [smem:$0x3FFE];
	[sflag:s23] =	ssyncadd.s32 $0xFFFFFFFF  }
0xa7: {  	s26 =	simm.s32 $execute0_lowered;
	[smem:$0x3FD2] =	sst s25  }
0xa8: {  	s7 =	sshll.u32 s26, $0x1;
	_ =	strace $0x80000046;
	[dreg:$0x1] =	wrdreg $0xFFFFFFFF  }
0xa9: {  	s28 =	simm.s32 $_size_execute0_lowered;
	s5 =	sadd.s32 s5, s7;
	[dreg:$0x0] =	wrdreg $0x0  }
0xaa: {  	s7 =	sshll.u32 s28, $0x1;
	[dreg:$0x2] =	wrdreg s5  }
0xab: {  	[dreg:$0x3] =	wrdreg s7  }
0xac: {  	[dreg:$0x4] =	wrdreg $0xC0  }
0xad: {  	_ =	task [dreg:s9], $0x5FFFF  }
0xae: {  	[dreg:$0x1] =	wrdreg $0xFFFFFFFF  }
0xaf: {  	[dreg:$0x0] =	wrdreg $0x60  }
0xb0: {  	[dreg:$0x2] =	wrdreg s2  }
0xb1: {  	[dreg:$0x3] =	wrdreg s4  }
0xb2: {  	[dreg:$0x4] =	wrdreg s18  }
0xb3: {  	[dreg:$0x5] =	wrdreg s24  }
0xb4: {  	[dreg:$0x6] =	wrdreg $0xA3000  }
0xb5: {  	[dreg:$0x7] =	wrdreg $0x9  }
0xb6: {  	_ =	task.clear_ibuf [dreg:s9], $0x8FFFF;
	_ =	strace $0x90000046  }
0xb7: {  	s29 =	simm.s32 $0x9;
	_ =	strace $0x80000048  }
0xb8: {  	_ =	swait.ge [sflag:s29], $0x1  }
0xb9: {  	[sflag:s29] =	ssyncadd.s32 $0xFFFFFFFF  }
0xba: {  	_ =	strace $0x90000048  }
0xbb: {  	_ =	sfence  }
0xbc: {  	s30 =	sld [smem:$0x0];
	_ =	sdelay $0x2  }
0xbd: {  	s31 =	sshll.u32 s1, $0xD;
	s1 =	sshrl.u32 s1, $0x2  }
0xbe: {  	s3 =	sand.u32 $0x4000, s31;
	s1 =	sadd.s32 s1, s30  }
0xbf: {  	s0 =	sor.u32 s3, s0;
	s1 =	sshll.u32 s1, $0x11  }
0xc0: {  	s0 =	sor.u32 s1, s0  }
0xc1: {  	s0 =	sadd.s32 $0x8F2B, s0  }
0xc2: {  	[sflag:s0] =	ssyncadd.remote.s32 $0x1  }
0xc3: {  	_ =	sfence.sel $0xFFFF  }
0xc4: {  	[dreg:$0x0] =	wrdreg $0xFFFFFFFF;
	(pc) =	sbr.abs _section_cstart, $3  }
0xc5: {  	[dreg:$0x1] =	wrdreg $0xFFFFFFFF  }
0xc6: {  	_ =	task.clear_ibuf [dreg:s9], $0x2FFFF;
	_ =	strace $0x9FFFFFFF  }
0xc7: {  	(tm) =	ssettm $0x7FFFFFFF  }
tec
execute0_lowered:
.L_overlay_start_1:
0x0: {  	(tag) =	ssettag $0x1  }
0x1: {  	s1 =	rddreg [dreg:$0x0]  }
0x2: {  	s0 =	rddreg [dreg:$0x1];
	s12 =	stileid.u32  }
0x3: {  	s3 =	srdreg.scid;
	s6 =	smul.u32 $0x2800, s12  }
0x4: {  	s2 =	rddreg [dreg:$0x2];
	s7 =	sand.u32 $0x1, s3;
	s11 =	smul.u32 $0x50000, s12  }
0x5: {  	s5 =	rddreg [dreg:$0x3];
	s8 =	smul.u32 $0x28000, s7  }
0x6: {  	s4 =	simm.s32 $0x0;
	s28 =	simm.s32 $0x1;
	s29 =	simm.s32 $0x4  }
0x7: {  	s3 =	rddreg [dreg:$0x4];
	s6 =	sadd.s32 s6, s8;
	s8 =	sshrl.u32 s11, $0x2  }
0x8: {  	[smem:$0x7FF] =	sst s4;
	s9 =	sadd.s32 s6, s5;
	s6 =	sadd.s32 s8, s3  }
0x9: {  	s31 =	sshll.u32 s12, $0x4;
	_ =	strace $0x80000047;
	s8 =	sadd.s32 $0x2000, s6  }
0xa: {  	s13 =	ssub.s32 $0x2, s7;
	s15 =	sadd.s32 $0x4000, s6;
	[dreg:$0x8] =	wrdreg s8  }
0xb: {  	s10 =	sshll.u32 s7, $0x4;
	s16 =	sadd.s32 $0x6000, s6;
	[dreg:$0x9] =	wrdreg s15  }
0xc: {  	s7 =	sshll.u32 s7, $0x8;
	s17 =	sadd.s32 $0x8000, s6;
	[dreg:$0xa] =	wrdreg s16  }
0xd: {  	s14 =	sshrl.u32 s13, $0x1;
	s18 =	sadd.s32 $0xA000, s6;
	[dreg:$0xb] =	wrdreg s17  }
0xe: {  	s11 =	ssub.s32 s13, s14;
	s19 =	sadd.s32 $0xC000, s6;
	[dreg:$0xc] =	wrdreg s18  }
0xf: {  	s5 =	sor.u32 s12, s10;
	s20 =	sadd.s32 $0xE000, s6;
	[dreg:$0xd] =	wrdreg s19  }
0x10: {  	s21 =	sadd.s32 $0x10000, s6;
	s22 =	sshll.u32 s5, $0x4;
	[dreg:$0xe] =	wrdreg s20  }
0x11: {  	s23 =	sadd.s32 $0x12000, s6;
	s26 =	ssub.s32 $0x9C4, s5;
	[dreg:$0xf] =	wrdreg s21  }
0x12: {  	s30 =	ssub.s32 $0x9A4, s5;
	[dreg:$0x10] =	wrdreg s23;
	s24 =	sadd.s32 s0, s22  }
0x13: {  	s25 =	sor.u32 $0x200, s22;
	s17 =	sadd.s32 s2, s22;
	[dreg:$0x6] =	wrdreg s26  }
0x14: {  	[dreg:$0x7] =	wrdreg s30;
	s20 =	sadd.s32 $0x2800, s9;
	s21 =	smax.u32 s11, $0x1  }
0x15: {  	[dreg:$0x11] =	wrdreg s24;
	s18 =	sadd.s32 s0, s25;
	s19 =	sadd.s32 s2, s25  }
0x16: {  	s2 =	sadd.s32 s7, s2;
	s0 =	sadd.s32 s7, s0;
	s24 =	simm.s32 $0xB  }
0x17: {  	v0 =	vimm.f32 $0.0e+00;
	s25 =	simm.s32 $0x2000;
	s22 =	sadd.s32 s31, s2;
	s23 =	sadd.s32 s31, s0  }
.LBB2_1:
0x18: {  	s0 =	simm.s32 $0x0;
	s2 =	simm.s32 $0x200  }
.LBB2_2:
0x19: {  	p0 =	sne.s32 s2, $0x7E00;
	[tilespmem:s0+$0x70] =	vst v0  }
0x1a: {  	[tilespmem:s0+$0x0] =	vst v0  }
0x1b: {  	[tilespmem:s0+$0x10] =	vst v0  }
.Ltmp0:
0x1c: {  	[tilespmem:s0+$0x20] =	vst v0;
	(pc) =	sbr.rel @p0 .LBB2_2-.Ltmp0, $4  }
0x1d: {  	[tilespmem:s0+$0x30] =	vst v0  }
0x1e: {  	[tilespmem:s0+$0x40] =	vst v0  }
0x1f: {  	[tilespmem:s0+$0x50] =	vst v0  }
0x20: {  	[tilespmem:s0+$0x60] =	vst v0;
	s0 =	sshra.s32 s2, $0x2;
	s2 =	sadd.s32 $0x200, s2  }
0x21: {  	[tilespmem:s0+$0x70] =	vst v0  }
0x22: {  	[tilespmem:s0+$0x0] =	vst v0  }
0x23: {  	[tilespmem:s0+$0x10] =	vst v0  }
0x24: {  	[tilespmem:s0+$0x20] =	vst v0  }
0x25: {  	[tilespmem:s0+$0x30] =	vst v0  }
0x26: {  	[tilespmem:s0+$0x40] =	vst v0  }
0x27: {  	[tilespmem:s0+$0x50] =	vst v0  }
0x28: {  	[tilespmem:s0+$0x60] =	vst v0;
	s0 =	simm.s32 $0x0  }
0x29: {  	[spmem:s6] =	stream.linear.scatter [tilespmem:s0], [sflag:$0xB], $0x2000, $0x38;
	[tilespmem:$0x1E300] =	vst v63  }
0x2a: {  	_ =	swait.ge [sflag:s24], $0x2000  }
0x2b: {  	[sflag:s24] =	ssyncset.done $0x0  }
0x2c: {  	s2 =	rddreg [dreg:$0x8];
	[sflag:s24] =	ssyncadd.s32 $0xFFFFE000  }
0x2d: {  	[spmem:s2] =	stream.linear.scatter [tilespmem:s0], [sflag:$0xB], $0x2000, $0x38;
	[tilespmem:$0x1E300] =	vst v63  }
0x2e: {  	_ =	swait.ge [sflag:s24], $0x2000  }
0x2f: {  	[sflag:s24] =	ssyncset.done $0x0  }
0x30: {  	s9 =	rddreg [dreg:$0x9];
	[sflag:s24] =	ssyncadd.s32 $0xFFFFE000  }
0x31: {  	[spmem:s9] =	stream.linear.scatter [tilespmem:s0], [sflag:$0xB], $0x2000, $0x38;
	[tilespmem:$0x1E300] =	vst v63  }
0x32: {  	_ =	swait.ge [sflag:s24], $0x2000  }
0x33: {  	[sflag:s24] =	ssyncset.done $0x0  }
0x34: {  	s10 =	rddreg [dreg:$0xa];
	[sflag:s24] =	ssyncadd.s32 $0xFFFFE000  }
0x35: {  	[spmem:s10] =	stream.linear.scatter [tilespmem:s0], [sflag:$0xB], $0x2000, $0x38;
	[tilespmem:$0x1E300] =	vst v63  }
0x36: {  	_ =	swait.ge [sflag:s24], $0x2000  }
0x37: {  	[sflag:s24] =	ssyncset.done $0x0  }
0x38: {  	s11 =	rddreg [dreg:$0xb];
	[sflag:s24] =	ssyncadd.s32 $0xFFFFE000  }
0x39: {  	[spmem:s11] =	stream.linear.scatter [tilespmem:s0], [sflag:$0xB], $0x2000, $0x38;
	[tilespmem:$0x1E300] =	vst v63  }
0x3a: {  	_ =	swait.ge [sflag:s24], $0x2000  }
0x3b: {  	[sflag:s24] =	ssyncset.done $0x0  }
0x3c: {  	s12 =	rddreg [dreg:$0xc];
	[sflag:s24] =	ssyncadd.s32 $0xFFFFE000  }
0x3d: {  	[spmem:s12] =	stream.linear.scatter [tilespmem:s0], [sflag:$0xB], $0x2000, $0x38;
	[tilespmem:$0x1E300] =	vst v63  }
0x3e: {  	_ =	swait.ge [sflag:s24], $0x2000  }
0x3f: {  	[sflag:s24] =	ssyncset.done $0x0  }
0x40: {  	s13 =	rddreg [dreg:$0xd];
	[sflag:s24] =	ssyncadd.s32 $0xFFFFE000  }
0x41: {  	[spmem:s13] =	stream.linear.scatter [tilespmem:s0], [sflag:$0xB], $0x2000, $0x38;
	[tilespmem:$0x1E300] =	vst v63  }
0x42: {  	_ =	swait.ge [sflag:s24], $0x2000  }
0x43: {  	[sflag:s24] =	ssyncset.done $0x0  }
0x44: {  	s14 =	rddreg [dreg:$0xe];
	[sflag:s24] =	ssyncadd.s32 $0xFFFFE000  }
0x45: {  	[spmem:s14] =	stream.linear.scatter [tilespmem:s0], [sflag:$0xB], $0x2000, $0x38;
	[tilespmem:$0x1E300] =	vst v63  }
0x46: {  	_ =	swait.ge [sflag:s24], $0x2000  }
0x47: {  	[sflag:s24] =	ssyncset.done $0x0  }
0x48: {  	s15 =	rddreg [dreg:$0xf];
	[sflag:s24] =	ssyncadd.s32 $0xFFFFE000  }
0x49: {  	[spmem:s15] =	stream.linear.scatter [tilespmem:s0], [sflag:$0xB], $0x2000, $0x38;
	[tilespmem:$0x1E300] =	vst v63  }
0x4a: {  	_ =	swait.ge [sflag:s24], $0x2000  }
0x4b: {  	[sflag:s24] =	ssyncset.done $0x0  }
0x4c: {  	s16 =	rddreg [dreg:$0x10];
	[sflag:s24] =	ssyncadd.s32 $0xFFFFE000  }
0x4d: {  	[spmem:s16] =	stream.linear.scatter [tilespmem:s0], [sflag:$0xB], $0x2000, $0x38;
	[tilespmem:$0x1E300] =	vst v63  }
0x4e: {  	_ =	swait.ge [sflag:s24], $0x2000  }
0x4f: {  	[sflag:s24] =	ssyncset.done $0x0  }
0x50: {  	[sflag:s24] =	ssyncadd.s32 $0xFFFFE000  }
0x51: {  	[bflag:$0x0] =	sbarrier.arrive $0xFFFF  }
0x52: {  	s26 =	rddreg [dreg:$0x11]  }
0x53: {  	[tilespmem:s25], [sflag:$0x1] =	stream.linear.gather [hbm4b:s26+s0], $0x80, $0x38;
	[tilespmem:$0x1E300] =	vst v63  }
0x54: {  	s7 =	simm.s32 $0x2180  }
0x55: {  	[tilespmem:s7], [sflag:$0x4] =	stream.linear.gather [hbm4b:s17+s0], $0x80, $0x38;
	[tilespmem:$0x1E300] =	vst v63  }
0x56: {  	_ =	swait.ge [sflag:s28], $0x80  }
0x57: {  	[sflag:s28] =	ssyncset.done $0x0  }
0x58: {  	[sflag:s28] =	ssyncadd.s32 $0xFFFFFF80  }
0x59: {  	_ =	swait.ge [sflag:s29], $0x80  }
0x5a: {  	[sflag:s29] =	ssyncset.done $0x0  }
0x5b: {  	s8 =	simm.s32 $0x80;
	s7 =	simm.s32 $0x2300;
	[sflag:s29] =	ssyncadd.s32 $0xFFFFFF80  }
0x5c: {  	[tilespmem:s7], [sflag:$0x7] =	stream.indirect.gather [hbm4b:s1+s8], $0x80, s25, s8, $0xb8;
	[tilespmem:$0x1E300] =	vst v63  }
0x5d: {  	s9 =	simm.s32 $0x2080;
	s10 =	rddreg [dreg:$0x6]  }
0x5e: {  	[tilespmem:s9], [sflag:$0x2] =	stream.linear.gather [hbm4b:s18+s0], $0x80, $0x38;
	[tilespmem:$0x1E300] =	vst v63  }
0x5f: {  	s11 =	simm.s32 $0x2200;
	p2 =	sle.u32 s10, $0x0  }
0x60: {  	[tilespmem:s11], [sflag:$0x5] =	stream.linear.gather [hbm4b:s19+s0], $0x80, $0x38;
	[tilespmem:$0x1E300] =	vst v63  }
0x61: {  	s0 =	simm.s32 @!p2 $0x7  }
0x62: {  	p1 =	por $0x1, $0x1;
	_ =	swait.ge @!p2 [sflag:s0], $0x4000  }
0x63: {  	s2 =	simm.s32 @!p2 $0x2180;
	s7 =	simm.s32 @!p2 $0x2300;
	[sflag:s0] =	ssyncset.done @!p2 $0x0  }
0x64: {  	s8 =	simm.s32 @!p1 $0xA;
	[sflag:s0] =	ssyncadd.s32 @!p2 $0xFFFFC000;
	s0 =	simm.s32 @!p2 $0x80  }
0x65: {  	[spmem:s3] =	stream.indirect.scatter.add.f32 @!p2 [tilespmem:s7], [sflag:$0x9], $0x80, s2, s0, $0xb8;
	[tilespmem:$0x1E300] =	vst v63  }
0x66: {  	_ =	swait.ge @!p1 [sflag:s8], $0x4000  }
0x67: {  	s12 =	rddreg [dreg:$0x7]  }
0x68: {  	[sflag:s8] =	ssyncset.done @!p1 $0x0;
	p0 =	sle.u32 s12, $0x0  }
0x69: {  	[sflag:s8] =	ssyncadd.s32 @!p1 $0xFFFFC000;
	s2 =	simm.s32 @!p0 $0x2  }
0x6a: {  	_ =	swait.ge @!p0 [sflag:s2], $0x80  }
0x6b: {  	s0 =	sadd.s32 $0x0, s5;
	[sflag:s2] =	ssyncset.done @!p0 $0x0  }
0x6c: {  	s13 =	sadd.s32 $0x40, s0;
	[sflag:s2] =	ssyncadd.s32 @!p0 $0xFFFFFF80;
	s2 =	simm.s32 @!p0 $0x5  }
0x6d: {  	p1 =	sgt.u32 s13, $0x9C3;
	s8 =	simm.s32 @!p0 $0x80;
	_ =	swait.ge @!p0 [sflag:s2], $0x80  }
0x6e: {  	s7 =	sadd.s32 @!p1 $0x0, s23;
	s9 =	simm.s32 @!p1 $0x2100;
	[sflag:s2] =	ssyncset.done @!p0 $0x0  }
0x6f: {  	s10 =	simm.s32 @!p0 $0x2080;
	[sflag:s2] =	ssyncadd.s32 @!p0 $0xFFFFFF80;
	s2 =	simm.s32 @!p0 $0x6300  }
0x70: {  	[tilespmem:s2], [sflag:$0x8] =	stream.indirect.gather @!p0 [hbm4b:s1+s8], $0x80, s10, s8, $0xb8;
	[tilespmem:$0x1E300] =	vst v63  }
0x71: {  	s11 =	simm.s32 @!p1 $0x0;
	s7 =	sadd.s32 @!p1 $0x400, s7;
	s10 =	sadd.s32 @!p1 $0x0, s22  }
0x72: {  	[tilespmem:s9], [sflag:$0x3] =	stream.linear.gather @!p1 [hbm4b:s7+s11], $0x80, $0x38;
	[tilespmem:$0x1E300] =	vst v63  }
0x73: {  	s12 =	simm.s32 @!p0 $0x8;
	s7 =	sadd.s32 @!p1 $0x400, s10;
	s10 =	simm.s32 @!p1 $0x2280  }
0x74: {  	[tilespmem:s10], [sflag:$0x6] =	stream.linear.gather @!p1 [hbm4b:s7+s11], $0x80, $0x38;
	[tilespmem:$0x1E300] =	vst v63  }
0x75: {  	_ =	swait.ge @!p0 [sflag:s12], $0x4000  }
0x76: {  	[sflag:s12] =	ssyncset.done @!p0 $0x0  }
0x77: {  	s7 =	simm.s32 @!p0 $0x2200;
	s11 =	simm.s32 @!p2 $0x9;
	[sflag:s12] =	ssyncadd.s32 @!p0 $0xFFFFC000  }
0x78: {  	[spmem:s3] =	stream.indirect.scatter.add.f32 @!p0 [tilespmem:s2], [sflag:$0xA], $0x80, s7, s8, $0xb8;
	[tilespmem:$0x1E300] =	vst v63  }
0x79: {  	_ =	swait.ge @!p2 [sflag:s11], $0x4000  }
0x7a: {  	[sflag:s11] =	ssyncset.done @!p2 $0x0  }
0x7b: {  	s2 =	simm.s32 @!p1 $0x3;
	[sflag:s11] =	ssyncadd.s32 @!p2 $0xFFFFC000  }
0x7c: {  	_ =	swait.ge @!p1 [sflag:s2], $0x80  }
0x7d: {  	[sflag:s2] =	ssyncset.done @!p1 $0x0  }
0x7e: {  	s14 =	sadd.s32 $0x60, s0;
	s7 =	simm.s32 @!p1 $0x6;
	[sflag:s2] =	ssyncadd.s32 @!p1 $0xFFFFFF80  }
0x7f: {  	p2 =	sgt.u32 s14, $0x9C3;
	_ =	swait.ge @!p1 [sflag:s7], $0x80  }
0x80: {  	s8 =	simm.s32 @!p1 $0x2300;
	s11 =	simm.s32 @!p2 $0x2000;
	[sflag:s7] =	ssyncset.done @!p1 $0x0  }
0x81: {  	s12 =	sadd.s32 @!p2 $0x0, s23;
	s2 =	simm.s32 @!p1 $0x80;
	[sflag:s7] =	ssyncadd.s32 @!p1 $0xFFFFFF80  }
0x82: {  	[tilespmem:s8], [sflag:$0x7] =	stream.indirect.gather @!p1 [hbm4b:s1+s2], $0x80, s9, s2, $0xb8;
	[tilespmem:$0x1E300] =	vst v63  }
0x83: {  	s7 =	simm.s32 @!p2 $0x0;
	s9 =	sadd.s32 @!p2 $0x600, s12;
	s12 =	sadd.s32 @!p2 $0x0, s22  }
0x84: {  	[tilespmem:s11], [sflag:$0x1] =	stream.linear.gather @!p2 [hbm4b:s9+s7], $0x80, $0x38;
	[tilespmem:$0x1E300] =	vst v63  }
0x85: {  	s13 =	simm.s32 @!p1 $0x7;
	s9 =	sadd.s32 @!p2 $0x600, s12;
	s12 =	simm.s32 @!p2 $0x2180  }
0x86: {  	[tilespmem:s12], [sflag:$0x4] =	stream.linear.gather @!p2 [hbm4b:s9+s7], $0x80, $0x38;
	[tilespmem:$0x1E300] =	vst v63  }
0x87: {  	_ =	swait.ge @!p1 [sflag:s13], $0x4000  }
0x88: {  	[sflag:s13] =	ssyncset.done @!p1 $0x0  }
0x89: {  	s7 =	simm.s32 @!p0 $0xA;
	[sflag:s13] =	ssyncadd.s32 @!p1 $0xFFFFC000  }
0x8a: {  	[spmem:s3] =	stream.indirect.scatter.add.f32 @!p1 [tilespmem:s8], [sflag:$0x9], $0x80, s10, s2, $0xb8;
	[tilespmem:$0x1E300] =	vst v63  }
0x8b: {  	_ =	swait.ge @!p0 [sflag:s7], $0x4000  }
0x8c: {  	[sflag:s7] =	ssyncset.done @!p0 $0x0  }
0x8d: {  	s2 =	simm.s32 @!p2 $0x1;
	[sflag:s7] =	ssyncadd.s32 @!p0 $0xFFFFC000  }
0x8e: {  	_ =	swait.ge @!p2 [sflag:s2], $0x80  }
0x8f: {  	[sflag:s2] =	ssyncset.done @!p2 $0x0  }
0x90: {  	s15 =	sadd.s32 $0x80, s0;
	s7 =	simm.s32 @!p2 $0x4;
	[sflag:s2] =	ssyncadd.s32 @!p2 $0xFFFFFF80  }
0x91: {  	p0 =	sgt.u32 s15, $0x9C3;
	_ =	swait.ge @!p2 [sflag:s7], $0x80  }
0x92: {  	s8 =	simm.s32 @!p2 $0x6300;
	s9 =	simm.s32 @!p0 $0x2080;
	[sflag:s7] =	ssyncset.done @!p2 $0x0  }
0x93: {  	s10 =	sadd.s32 @!p0 $0x0, s23;
	s2 =	simm.s32 @!p2 $0x80;
	[sflag:s7] =	ssyncadd.s32 @!p2 $0xFFFFFF80  }
0x94: {  	[tilespmem:s8], [sflag:$0x8] =	stream.indirect.gather @!p2 [hbm4b:s1+s2], $0x80, s11, s2, $0xb8;
	[tilespmem:$0x1E300] =	vst v63  }
0x95: {  	s10 =	sadd.s32 @!p0 $0x800, s10;
	s7 =	simm.s32 @!p0 $0x0;
	s11 =	sadd.s32 @!p0 $0x0, s22  }
0x96: {  	[tilespmem:s9], [sflag:$0x2] =	stream.linear.gather @!p0 [hbm4b:s10+s7], $0x80, $0x38;
	[tilespmem:$0x1E300] =	vst v63  }
0x97: {  	s13 =	simm.s32 @!p2 $0x8;
	s10 =	sadd.s32 @!p0 $0x800, s11;
	s11 =	simm.s32 @!p0 $0x2200  }
0x98: {  	[tilespmem:s11], [sflag:$0x5] =	stream.linear.gather @!p0 [hbm4b:s10+s7], $0x80, $0x38;
	[tilespmem:$0x1E300] =	vst v63  }
0x99: {  	_ =	swait.ge @!p2 [sflag:s13], $0x4000  }
0x9a: {  	[sflag:s13] =	ssyncset.done @!p2 $0x0  }
0x9b: {  	s7 =	simm.s32 @!p1 $0x9;
	[sflag:s13] =	ssyncadd.s32 @!p2 $0xFFFFC000  }
0x9c: {  	[spmem:s3] =	stream.indirect.scatter.add.f32 @!p2 [tilespmem:s8], [sflag:$0xA], $0x80, s12, s2, $0xb8;
	[tilespmem:$0x1E300] =	vst v63  }
0x9d: {  	_ =	swait.ge @!p1 [sflag:s7], $0x4000  }
0x9e: {  	[sflag:s7] =	ssyncset.done @!p1 $0x0  }
0x9f: {  	s2 =	simm.s32 @!p0 $0x2;
	[sflag:s7] =	ssyncadd.s32 @!p1 $0xFFFFC000  }
0xa0: {  	_ =	swait.ge @!p0 [sflag:s2], $0x80  }
0xa1: {  	[sflag:s2] =	ssyncset.done @!p0 $0x0  }
0xa2: {  	s16 =	sadd.s32 $0xA0, s0;
	s7 =	simm.s32 @!p0 $0x5;
	[sflag:s2] =	ssyncadd.s32 @!p0 $0xFFFFFF80  }
0xa3: {  	p3 =	sgt.u32 s16, $0x9C3;
	_ =	swait.ge @!p0 [sflag:s7], $0x80  }
0xa4: {  	s10 =	simm.s32 @!p3 $0x2100;
	s8 =	simm.s32 @!p0 $0x2300;
	[sflag:s7] =	ssyncset.done @!p0 $0x0  }
0xa5: {  	s12 =	sadd.s32 @!p3 $0x0, s23;
	s2 =	simm.s32 @!p0 $0x80;
	[sflag:s7] =	ssyncadd.s32 @!p0 $0xFFFFFF80  }
0xa6: {  	[tilespmem:s8], [sflag:$0x7] =	stream.indirect.gather @!p0 [hbm4b:s1+s2], $0x80, s9, s2, $0xb8;
	[tilespmem:$0x1E300] =	vst v63  }
0xa7: {  	s7 =	simm.s32 @!p3 $0x0;
	s9 =	sadd.s32 @!p3 $0xA00, s12;
	s12 =	sadd.s32 @!p3 $0x0, s22  }
0xa8: {  	[tilespmem:s10], [sflag:$0x3] =	stream.linear.gather @!p3 [hbm4b:s9+s7], $0x80, $0x38;
	[tilespmem:$0x1E300] =	vst v63  }
0xa9: {  	s13 =	simm.s32 @!p0 $0x7;
	s9 =	sadd.s32 @!p3 $0xA00, s12;
	s12 =	simm.s32 @!p3 $0x2280  }
0xaa: {  	[tilespmem:s12], [sflag:$0x6] =	stream.linear.gather @!p3 [hbm4b:s9+s7], $0x80, $0x38;
	[tilespmem:$0x1E300] =	vst v63  }
0xab: {  	_ =	swait.ge @!p0 [sflag:s13], $0x4000  }
0xac: {  	[sflag:s13] =	ssyncset.done @!p0 $0x0  }
0xad: {  	s7 =	simm.s32 @!p2 $0xA;
	[sflag:s13] =	ssyncadd.s32 @!p0 $0xFFFFC000  }
0xae: {  	[spmem:s3] =	stream.indirect.scatter.add.f32 @!p0 [tilespmem:s8], [sflag:$0x9], $0x80, s11, s2, $0xb8;
	[tilespmem:$0x1E300] =	vst v63  }
0xaf: {  	_ =	swait.ge @!p2 [sflag:s7], $0x4000  }
0xb0: {  	[sflag:s7] =	ssyncset.done @!p2 $0x0  }
0xb1: {  	s2 =	simm.s32 @!p3 $0x3;
	[sflag:s7] =	ssyncadd.s32 @!p2 $0xFFFFC000  }
0xb2: {  	_ =	swait.ge @!p3 [sflag:s2], $0x80  }
0xb3: {  	[sflag:s2] =	ssyncset.done @!p3 $0x0  }
0xb4: {  	s26 =	sadd.s32 $0xC0, s0;
	s8 =	simm.s32 @!p3 $0x6;
	[sflag:s2] =	ssyncadd.s32 @!p3 $0xFFFFFF80  }
0xb5: {  	p1 =	sgt.u32 s26, $0x9C3;
	_ =	swait.ge @!p3 [sflag:s8], $0x80  }
0xb6: {  	s9 =	simm.s32 @!p3 $0x6300;
	s11 =	simm.s32 @!p3 $0x80;
	[sflag:s8] =	ssyncset.done @!p3 $0x0  }
0xb7: {  	s7 =	simm.s32 @!p1 $0x2000;
	s2 =	sadd.s32 @!p1 $0x0, s23;
	[sflag:s8] =	ssyncadd.s32 @!p3 $0xFFFFFF80  }
0xb8: {  	[tilespmem:s9], [sflag:$0x8] =	stream.indirect.gather @!p3 [hbm4b:s1+s11], $0x80, s10, s11, $0xb8;
	[tilespmem:$0x1E300] =	vst v63  }
0xb9: {  	s2 =	sadd.s32 @!p1 $0xC00, s2;
	s8 =	simm.s32 @!p1 $0x0;
	s10 =	sadd.s32 @!p1 $0x0, s22  }
0xba: {  	[tilespmem:s7], [sflag:$0x1] =	stream.linear.gather @!p1 [hbm4b:s2+s8], $0x80, $0x38;
	[tilespmem:$0x1E300] =	vst v63  }
0xbb: {  	s13 =	simm.s32 @!p3 $0x8;
	s2 =	sadd.s32 @!p1 $0xC00, s10;
	s10 =	simm.s32 @!p1 $0x2180  }
0xbc: {  	[tilespmem:s10], [sflag:$0x4] =	stream.linear.gather @!p1 [hbm4b:s2+s8], $0x80, $0x38;
	[tilespmem:$0x1E300] =	vst v63  }
0xbd: {  	_ =	swait.ge @!p3 [sflag:s13], $0x4000  }
0xbe: {  	s30 =	simm.s32 $0xC00;
	[sflag:s13] =	ssyncset.done @!p3 $0x0  }
0xbf: {  	s0 =	sadd.s32 $0xE0, s0;
	s10 =	simm.s32 @!p0 $0x9;
	[sflag:s13] =	ssyncadd.s32 @!p3 $0xFFFFC000  }
0xc0: {  	[spmem:s3] =	stream.indirect.scatter.add.f32 @!p3 [tilespmem:s9], [sflag:$0xA], $0x80, s12, s11, $0xb8;
	[tilespmem:$0x1E300] =	vst v63  }
0xc1: {  	s31 =	simm.s32 $0xC0;
	p2 =	sgt.u32 s0, $0x9C3;
	_ =	swait.ge @!p0 [sflag:s10], $0x4000  }
0xc2: {  	s0 =	simm.s32 @!p2 $0x2080;
	s2 =	simm.s32 $0x1800;
	[sflag:s10] =	ssyncset.done @!p0 $0x0  }
0xc3: {  	s8 =	simm.s32 @!p1 $0x4;
	s11 =	simm.s32 @!p1 $0x1;
	[sflag:s10] =	ssyncadd.s32 @!p0 $0xFFFFC000  }
0xc4: {  	s13 =	sadd.s32 @!p2 $0x0, s22;
	s9 =	simm.s32 @!p1 $0x2300;
	_ =	swait.ge @!p1 [sflag:s11], $0x80  }
0xc5: {  	s12 =	sadd.s32 @!p2 $0x0, s23;
	s10 =	simm.s32 @!p2 $0x0;
	[sflag:s11] =	ssyncset.done @!p1 $0x0  }
.LBB2_4:
0xc6: {  	[sflag:s11] =	ssyncadd.s32 @!p1 $0xFFFFFF80  }
0xc7: {  	_ =	swait.ge @!p1 [sflag:s8], $0x80  }
0xc8: {  	[sflag:s8] =	ssyncset.done @!p1 $0x0  }
0xc9: {  	s14 =	simm.s32 @!p1 $0x80;
	s16 =	rddreg [dreg:$0x6];
	[sflag:s8] =	ssyncadd.s32 @!p1 $0xFFFFFF80  }
0xca: {  	[tilespmem:s9], [sflag:$0x7] =	stream.indirect.gather @!p1 [hbm4b:s1+s14], $0x80, s7, s14, $0xb8;
	[tilespmem:$0x1E300] =	vst v63  }
0xcb: {  	s11 =	sadd.s32 @!p2 $0xE00, s13;
	s8 =	sadd.s32 @!p2 $0xE00, s12;
	p3 =	sge.u32 s31, s16  }
0xcc: {  	[tilespmem:s0], [sflag:$0x2] =	stream.linear.gather @!p2 [hbm4b:s8+s10], $0x80, $0x38;
	[tilespmem:$0x1E300] =	vst v63  }
0xcd: {  	s26 =	smov.u32 s30;
	s7 =	simm.s32 @!p2 $0x2200;
	s0 =	simm.s32 @!p3 $0x7  }
0xce: {  	[tilespmem:s7], [sflag:$0x5] =	stream.linear.gather @!p2 [hbm4b:s11+s10], $0x80, $0x38;
	[tilespmem:$0x1E300] =	vst v63  }
0xcf: {  	p1 =	seq.s32 s26, $0x0;
	_ =	swait.ge @!p3 [sflag:s0], $0x4000  }
0xd0: {  	s9 =	simm.s32 @!p1 $0xA;
	s8 =	simm.s32 @!p3 $0x2300;
	[sflag:s0] =	ssyncset.done @!p3 $0x0  }
0xd1: {  	s7 =	simm.s32 @!p3 $0x2180;
	[sflag:s0] =	ssyncadd.s32 @!p3 $0xFFFFC000;
	s0 =	simm.s32 @!p3 $0x80  }
0xd2: {  	[spmem:s3] =	stream.indirect.scatter.add.f32 @!p3 [tilespmem:s8], [sflag:$0x9], $0x80, s7, s0, $0xb8;
	[tilespmem:$0x1E300] =	vst v63  }
0xd3: {  	_ =	swait.ge @!p1 [sflag:s9], $0x4000  }
0xd4: {  	s11 =	rddreg [dreg:$0x7]  }
0xd5: {  	[sflag:s9] =	ssyncset.done @!p1 $0x0;
	p2 =	sge.u32 s31, s11  }
0xd6: {  	s0 =	sadd.s32 s31, s5;
	[sflag:s9] =	ssyncadd.s32 @!p1 $0xFFFFC000;
	s8 =	simm.s32 @!p2 $0x2  }
0xd7: {  	s12 =	sadd.s32 $0x40, s0;
	_ =	swait.ge @!p2 [sflag:s8], $0x80  }
0xd8: {  	p1 =	sgt.u32 s12, $0x9C3;
	[sflag:s8] =	ssyncset.done @!p2 $0x0  }
0xd9: {  	s9 =	sadd.s32 @!p1 s26, s23;
	[sflag:s8] =	ssyncadd.s32 @!p2 $0xFFFFFF80;
	s8 =	simm.s32 @!p2 $0x5  }
0xda: {  	s11 =	sadd.s32 @!p1 $0x400, s9;
	s9 =	sadd.s32 @!p1 s26, s22;
	_ =	swait.ge @!p2 [sflag:s8], $0x80  }
0xdb: {  	s10 =	simm.s32 @!p2 $0x80;
	s12 =	sadd.s32 @!p1 $0x400, s9;
	[sflag:s8] =	ssyncset.done @!p2 $0x0  }
0xdc: {  	s9 =	simm.s32 @!p2 $0x2080;
	[sflag:s8] =	ssyncadd.s32 @!p2 $0xFFFFFF80;
	s8 =	simm.s32 @!p2 $0x6300  }
0xdd: {  	[tilespmem:s8], [sflag:$0x8] =	stream.indirect.gather @!p2 [hbm4b:s1+s10], $0x80, s9, s10, $0xb8;
	[tilespmem:$0x1E300] =	vst v63  }
0xde: {  	s7 =	simm.s32 @!p1 $0x2100;
	s13 =	simm.s32 @!p1 $0x0  }
0xdf: {  	[tilespmem:s7], [sflag:$0x3] =	stream.linear.gather @!p1 [hbm4b:s11+s13], $0x80, $0x38;
	[tilespmem:$0x1E300] =	vst v63  }
0xe0: {  	s9 =	simm.s32 @!p1 $0x2280;
	s11 =	simm.s32 @!p2 $0x8  }
0xe1: {  	[tilespmem:s9], [sflag:$0x6] =	stream.linear.gather @!p1 [hbm4b:s12+s13], $0x80, $0x38;
	[tilespmem:$0x1E300] =	vst v63  }
0xe2: {  	_ =	swait.ge @!p2 [sflag:s11], $0x4000  }
0xe3: {  	[sflag:s11] =	ssyncset.done @!p2 $0x0  }
0xe4: {  	s12 =	simm.s32 @!p2 $0x2200;
	[sflag:s11] =	ssyncadd.s32 @!p2 $0xFFFFC000;
	s11 =	simm.s32 @!p3 $0x9  }
0xe5: {  	[spmem:s3] =	stream.indirect.scatter.add.f32 @!p2 [tilespmem:s8], [sflag:$0xA], $0x80, s12, s10, $0xb8;
	[tilespmem:$0x1E300] =	vst v63  }
0xe6: {  	_ =	swait.ge @!p3 [sflag:s11], $0x4000  }
0xe7: {  	[sflag:s11] =	ssyncset.done @!p3 $0x0  }
0xe8: {  	s12 =	simm.s32 @!p1 $0x3;
	[sflag:s11] =	ssyncadd.s32 @!p3 $0xFFFFC000  }
0xe9: {  	_ =	swait.ge @!p1 [sflag:s12], $0x80  }
0xea: {  	[sflag:s12] =	ssyncset.done @!p1 $0x0  }
0xeb: {  	s10 =	simm.s32 @!p1 $0x6;
	[sflag:s12] =	ssyncadd.s32 @!p1 $0xFFFFFF80  }
0xec: {  	s13 =	sadd.s32 $0x60, s0;
	s11 =	simm.s32 @!p1 $0x2300;
	_ =	swait.ge @!p1 [sflag:s10], $0x80  }
0xed: {  	p3 =	sgt.u32 s13, $0x9C3;
	s13 =	simm.s32 @!p1 $0x80;
	[sflag:s10] =	ssyncset.done @!p1 $0x0  }
0xee: {  	s8 =	simm.s32 @!p3 $0x2000;
	s14 =	sadd.s32 @!p3 s26, s23;
	[sflag:s10] =	ssyncadd.s32 @!p1 $0xFFFFFF80  }
0xef: {  	[tilespmem:s11], [sflag:$0x7] =	stream.indirect.gather @!p1 [hbm4b:s1+s13], $0x80, s7, s13, $0xb8;
	[tilespmem:$0x1E300] =	vst v63  }
0xf0: {  	s15 =	simm.s32 @!p3 $0x0;
	s12 =	sadd.s32 @!p3 $0x600, s14;
	s14 =	sadd.s32 @!p3 s26, s22  }
0xf1: {  	[tilespmem:s8], [sflag:$0x1] =	stream.linear.gather @!p3 [hbm4b:s12+s15], $0x80, $0x38;
	[tilespmem:$0x1E300] =	vst v63  }
0xf2: {  	s14 =	sadd.s32 @!p3 $0x600, s14;
	s10 =	simm.s32 @!p3 $0x2180;
	s7 =	simm.s32 @!p1 $0x7  }
0xf3: {  	[tilespmem:s10], [sflag:$0x4] =	stream.linear.gather @!p3 [hbm4b:s14+s15], $0x80, $0x38;
	[tilespmem:$0x1E300] =	vst v63  }
0xf4: {  	_ =	swait.ge @!p1 [sflag:s7], $0x4000  }
0xf5: {  	[sflag:s7] =	ssyncset.done @!p1 $0x0  }
0xf6: {  	[sflag:s7] =	ssyncadd.s32 @!p1 $0xFFFFC000;
	s7 =	simm.s32 @!p2 $0xA  }
0xf7: {  	[spmem:s3] =	stream.indirect.scatter.add.f32 @!p1 [tilespmem:s11], [sflag:$0x9], $0x80, s9, s13, $0xb8;
	[tilespmem:$0x1E300] =	vst v63  }
0xf8: {  	_ =	swait.ge @!p2 [sflag:s7], $0x4000  }
0xf9: {  	[sflag:s7] =	ssyncset.done @!p2 $0x0  }
0xfa: {  	s11 =	simm.s32 @!p3 $0x1;
	[sflag:s7] =	ssyncadd.s32 @!p2 $0xFFFFC000  }
0xfb: {  	_ =	swait.ge @!p3 [sflag:s11], $0x80  }
0xfc: {  	[sflag:s11] =	ssyncset.done @!p3 $0x0  }
0xfd: {  	s9 =	simm.s32 @!p3 $0x4;
	[sflag:s11] =	ssyncadd.s32 @!p3 $0xFFFFFF80  }
0xfe: {  	s12 =	simm.s32 @!p3 $0x80;
	s14 =	sadd.s32 $0x80, s0;
	_ =	swait.ge @!p3 [sflag:s9], $0x80  }
0xff: {  	s13 =	simm.s32 @!p3 $0x6300;
	p2 =	sgt.u32 s14, $0x9C3;
	[sflag:s9] =	ssyncset.done @!p3 $0x0  }
0x100: {  	s7 =	simm.s32 @!p2 $0x2080;
	s14 =	sadd.s32 @!p2 s26, s23;
	[sflag:s9] =	ssyncadd.s32 @!p3 $0xFFFFFF80  }
0x101: {  	[tilespmem:s13], [sflag:$0x8] =	stream.indirect.gather @!p3 [hbm4b:s1+s12], $0x80, s8, s12, $0xb8;
	[tilespmem:$0x1E300] =	vst v63  }
0x102: {  	s15 =	simm.s32 @!p2 $0x0;
	s14 =	sadd.s32 @!p2 $0x800, s14;
	s11 =	sadd.s32 @!p2 s26, s22  }
0x103: {  	[tilespmem:s7], [sflag:$0x2] =	stream.linear.gather @!p2 [hbm4b:s14+s15], $0x80, $0x38;
	[tilespmem:$0x1E300] =	vst v63  }
0x104: {  	s16 =	sadd.s32 @!p2 $0x800, s11;
	s11 =	simm.s32 @!p2 $0x2200;
	s8 =	simm.s32 @!p3 $0x8  }
0x105: {  	[tilespmem:s11], [sflag:$0x5] =	stream.linear.gather @!p2 [hbm4b:s16+s15], $0x80, $0x38;
	[tilespmem:$0x1E300] =	vst v63  }
0x106: {  	_ =	swait.ge @!p3 [sflag:s8], $0x4000  }
0x107: {  	[sflag:s8] =	ssyncset.done @!p3 $0x0  }
0x108: {  	[sflag:s8] =	ssyncadd.s32 @!p3 $0xFFFFC000;
	s8 =	simm.s32 @!p1 $0x9  }
0x109: {  	[spmem:s3] =	stream.indirect.scatter.add.f32 @!p3 [tilespmem:s13], [sflag:$0xA], $0x80, s10, s12, $0xb8;
	[tilespmem:$0x1E300] =	vst v63  }
0x10a: {  	_ =	swait.ge @!p1 [sflag:s8], $0x4000  }
0x10b: {  	[sflag:s8] =	ssyncset.done @!p1 $0x0  }
0x10c: {  	s10 =	simm.s32 @!p2 $0x2;
	[sflag:s8] =	ssyncadd.s32 @!p1 $0xFFFFC000  }
0x10d: {  	_ =	swait.ge @!p2 [sflag:s10], $0x80  }
0x10e: {  	[sflag:s10] =	ssyncset.done @!p2 $0x0  }
0x10f: {  	s9 =	simm.s32 @!p2 $0x5;
	s15 =	sadd.s32 $0xA0, s0;
	[sflag:s10] =	ssyncadd.s32 @!p2 $0xFFFFFF80  }
0x110: {  	p4 =	sgt.u32 s15, $0x9C3;
	_ =	swait.ge @!p2 [sflag:s9], $0x80  }
0x111: {  	s14 =	sadd.s32 @!p4 s26, s23;
	s15 =	simm.s32 @!p4 $0x0;
	[sflag:s9] =	ssyncset.done @!p2 $0x0  }
0x112: {  	s13 =	simm.s32 @!p2 $0x2300;
	s12 =	simm.s32 @!p2 $0x80;
	[sflag:s9] =	ssyncadd.s32 @!p2 $0xFFFFFF80  }
0x113: {  	[tilespmem:s13], [sflag:$0x7] =	stream.indirect.gather @!p2 [hbm4b:s1+s12], $0x80, s7, s12, $0xb8;
	[tilespmem:$0x1E300] =	vst v63  }
0x114: {  	s8 =	simm.s32 @!p4 $0x2100;
	s10 =	sadd.s32 @!p4 $0xA00, s14;
	s14 =	sadd.s32 @!p4 s26, s22  }
0x115: {  	[tilespmem:s8], [sflag:$0x3] =	stream.linear.gather @!p4 [hbm4b:s10+s15], $0x80, $0x38;
	[tilespmem:$0x1E300] =	vst v63  }
0x116: {  	s14 =	sadd.s32 @!p4 $0xA00, s14;
	s9 =	simm.s32 @!p4 $0x2280;
	s7 =	simm.s32 @!p2 $0x7  }
0x117: {  	[tilespmem:s9], [sflag:$0x6] =	stream.linear.gather @!p4 [hbm4b:s14+s15], $0x80, $0x38;
	[tilespmem:$0x1E300] =	vst v63  }
0x118: {  	_ =	swait.ge @!p2 [sflag:s7], $0x4000  }
0x119: {  	[sflag:s7] =	ssyncset.done @!p2 $0x0  }
0x11a: {  	[sflag:s7] =	ssyncadd.s32 @!p2 $0xFFFFC000;
	s7 =	simm.s32 @!p3 $0xA  }
0x11b: {  	[spmem:s3] =	stream.indirect.scatter.add.f32 @!p2 [tilespmem:s13], [sflag:$0x9], $0x80, s11, s12, $0xb8;
	[tilespmem:$0x1E300] =	vst v63  }
0x11c: {  	_ =	swait.ge @!p3 [sflag:s7], $0x4000  }
0x11d: {  	[sflag:s7] =	ssyncset.done @!p3 $0x0  }
0x11e: {  	s11 =	simm.s32 @!p4 $0x3;
	[sflag:s7] =	ssyncadd.s32 @!p3 $0xFFFFC000  }
0x11f: {  	_ =	swait.ge @!p4 [sflag:s11], $0x80  }
0x120: {  	[sflag:s11] =	ssyncset.done @!p4 $0x0  }
0x121: {  	s16 =	sadd.s32 $0xC0, s0;
	s10 =	simm.s32 @!p4 $0x6;
	[sflag:s11] =	ssyncadd.s32 @!p4 $0xFFFFFF80  }
0x122: {  	p1 =	sgt.u32 s16, $0x9C3;
	_ =	swait.ge @!p4 [sflag:s10], $0x80  }
0x123: {  	s14 =	sadd.s32 @!p1 s26, s23;
	s15 =	simm.s32 @!p1 $0x0;
	[sflag:s10] =	ssyncset.done @!p4 $0x0  }
0x124: {  	s13 =	simm.s32 @!p4 $0x6300;
	s12 =	simm.s32 @!p4 $0x80;
	[sflag:s10] =	ssyncadd.s32 @!p4 $0xFFFFFF80  }
0x125: {  	[tilespmem:s13], [sflag:$0x8] =	stream.indirect.gather @!p4 [hbm4b:s1+s12], $0x80, s8, s12, $0xb8;
	[tilespmem:$0x1E300] =	vst v63  }
0x126: {  	s7 =	simm.s32 @!p1 $0x2000;
	s11 =	sadd.s32 @!p1 $0xC00, s14;
	s14 =	sadd.s32 @!p1 s26, s22  }
0x127: {  	[tilespmem:s7], [sflag:$0x1] =	stream.linear.gather @!p1 [hbm4b:s11+s15], $0x80, $0x38;
	[tilespmem:$0x1E300] =	vst v63  }
0x128: {  	s14 =	sadd.s32 @!p1 $0xC00, s14;
	s10 =	simm.s32 @!p4 $0x8;
	s8 =	simm.s32 @!p1 $0x2180  }
0x129: {  	[tilespmem:s8], [sflag:$0x4] =	stream.linear.gather @!p1 [hbm4b:s14+s15], $0x80, $0x38;
	[tilespmem:$0x1E300] =	vst v63  }
0x12a: {  	s30 =	smov.u32 s2;
	s2 =	sadd.s32 $0xC00, s2;
	_ =	swait.ge @!p4 [sflag:s10], $0x4000  }
0x12b: {  	p0 =	sne.s32 s2, $0xA800;
	[sflag:s10] =	ssyncset.done @!p4 $0x0  }
0x12c: {  	s31 =	sadd.s32 $0xC0, s31;
	[sflag:s10] =	ssyncadd.s32 @!p4 $0xFFFFC000;
	s10 =	simm.s32 @!p2 $0x9  }
0x12d: {  	[spmem:s3] =	stream.indirect.scatter.add.f32 @!p4 [tilespmem:s13], [sflag:$0xA], $0x80, s9, s12, $0xb8;
	[tilespmem:$0x1E300] =	vst v63  }
.Ltmp1:
0x12e: {  	s0 =	sadd.s32 $0xE0, s0;
	_ =	swait.ge @!p2 [sflag:s10], $0x4000;
	(pc) =	sbr.rel @p0 .LBB2_4-.Ltmp1, $4  }
0x12f: {  	s11 =	simm.s32 @!p1 $0x1;
	s8 =	simm.s32 @!p1 $0x4;
	[sflag:s10] =	ssyncset.done @!p2 $0x0  }
0x130: {  	s9 =	simm.s32 @!p1 $0x2300;
	[sflag:s10] =	ssyncadd.s32 @!p2 $0xFFFFC000;
	p2 =	sgt.u32 s0, $0x9C3  }
0x131: {  	_ =	swait.ge @!p1 [sflag:s11], $0x80;
	s0 =	simm.s32 @!p2 $0x2080;
	s13 =	sadd.s32 @!p2 s26, s22  }
0x132: {  	s12 =	sadd.s32 @!p2 s26, s23;
	s10 =	simm.s32 @!p2 $0x0;
	[sflag:s11] =	ssyncset.done @!p1 $0x0  }
0x133: {  	[sflag:s11] =	ssyncadd.s32 @!p1 $0xFFFFFF80  }
0x134: {  	_ =	swait.ge @!p1 [sflag:s8], $0x80  }
0x135: {  	[sflag:s8] =	ssyncset.done @!p1 $0x0  }
0x136: {  	s11 =	simm.s32 @!p1 $0x80;
	s2 =	rddreg [dreg:$0x6];
	[sflag:s8] =	ssyncadd.s32 @!p1 $0xFFFFFF80  }
0x137: {  	[tilespmem:s9], [sflag:$0x7] =	stream.indirect.gather @!p1 [hbm4b:s1+s11], $0x80, s7, s11, $0xb8;
	[tilespmem:$0x1E300] =	vst v63  }
0x138: {  	s7 =	sadd.s32 @!p2 $0xE00, s12;
	p1 =	sge.u32 s31, s2  }
0x139: {  	[tilespmem:s0], [sflag:$0x2] =	stream.linear.gather @!p2 [hbm4b:s7+s10], $0x80, $0x38;
	[tilespmem:$0x1E300] =	vst v63  }
0x13a: {  	s2 =	simm.s32 @!p2 $0x2200;
	s0 =	sadd.s32 @!p2 $0xE00, s13;
	s7 =	simm.s32 @!p1 $0x7  }
0x13b: {  	[tilespmem:s2], [sflag:$0x5] =	stream.linear.gather @!p2 [hbm4b:s0+s10], $0x80, $0x38;
	[tilespmem:$0x1E300] =	vst v63  }
0x13c: {  	p0 =	seq.s32 s30, $0x0;
	_ =	swait.ge @!p1 [sflag:s7], $0x4000  }
0x13d: {  	s8 =	simm.s32 @!p0 $0xA;
	s0 =	simm.s32 @!p1 $0x2180;
	[sflag:s7] =	ssyncset.done @!p1 $0x0  }
0x13e: {  	s2 =	simm.s32 @!p1 $0x2300;
	[sflag:s7] =	ssyncadd.s32 @!p1 $0xFFFFC000;
	s7 =	simm.s32 @!p1 $0x80  }
0x13f: {  	[spmem:s3] =	stream.indirect.scatter.add.f32 @!p1 [tilespmem:s2], [sflag:$0x9], $0x80, s0, s7, $0xb8;
	[tilespmem:$0x1E300] =	vst v63  }
0x140: {  	_ =	swait.ge @!p0 [sflag:s8], $0x4000  }
0x141: {  	s26 =	rddreg [dreg:$0x7]  }
0x142: {  	[sflag:s8] =	ssyncset.done @!p0 $0x0;
	p2 =	sge.u32 s31, s26  }
0x143: {  	[sflag:s8] =	ssyncadd.s32 @!p0 $0xFFFFC000;
	s2 =	simm.s32 @!p2 $0x2  }
0x144: {  	_ =	swait.ge @!p2 [sflag:s2], $0x80  }
0x145: {  	s31 =	sadd.s32 s31, s5;
	[sflag:s2] =	ssyncset.done @!p2 $0x0  }
0x146: {  	s13 =	sadd.s32 $0x40, s31;
	[sflag:s2] =	ssyncadd.s32 @!p2 $0xFFFFFF80;
	s2 =	simm.s32 @!p2 $0x5  }
0x147: {  	s8 =	simm.s32 @!p2 $0x80;
	p0 =	sgt.u32 s13, $0x9C3;
	_ =	swait.ge @!p2 [sflag:s2], $0x80  }
0x148: {  	s10 =	simm.s32 @!p2 $0x2080;
	s7 =	sadd.s32 @!p0 s30, s23;
	[sflag:s2] =	ssyncset.done @!p2 $0x0  }
0x149: {  	s9 =	simm.s32 @!p0 $0x2100;
	[sflag:s2] =	ssyncadd.s32 @!p2 $0xFFFFFF80;
	s2 =	simm.s32 @!p2 $0x6300  }
0x14a: {  	[tilespmem:s2], [sflag:$0x8] =	stream.indirect.gather @!p2 [hbm4b:s1+s8], $0x80, s10, s8, $0xb8;
	[tilespmem:$0x1E300] =	vst v63  }
0x14b: {  	s11 =	simm.s32 @!p0 $0x0;
	s7 =	sadd.s32 @!p0 $0x400, s7;
	s10 =	sadd.s32 @!p0 s30, s22  }
0x14c: {  	[tilespmem:s9], [sflag:$0x3] =	stream.linear.gather @!p0 [hbm4b:s7+s11], $0x80, $0x38;
	[tilespmem:$0x1E300] =	vst v63  }
0x14d: {  	s12 =	simm.s32 @!p2 $0x8;
	s7 =	sadd.s32 @!p0 $0x400, s10;
	s10 =	simm.s32 @!p0 $0x2280  }
0x14e: {  	[tilespmem:s10], [sflag:$0x6] =	stream.linear.gather @!p0 [hbm4b:s7+s11], $0x80, $0x38;
	[tilespmem:$0x1E300] =	vst v63  }
0x14f: {  	_ =	swait.ge @!p2 [sflag:s12], $0x4000  }
0x150: {  	[sflag:s12] =	ssyncset.done @!p2 $0x0  }
0x151: {  	s7 =	simm.s32 @!p2 $0x2200;
	s11 =	simm.s32 @!p1 $0x9;
	[sflag:s12] =	ssyncadd.s32 @!p2 $0xFFFFC000  }
0x152: {  	[spmem:s3] =	stream.indirect.scatter.add.f32 @!p2 [tilespmem:s2], [sflag:$0xA], $0x80, s7, s8, $0xb8;
	[tilespmem:$0x1E300] =	vst v63  }
0x153: {  	_ =	swait.ge @!p1 [sflag:s11], $0x4000  }
0x154: {  	[sflag:s11] =	ssyncset.done @!p1 $0x0  }
0x155: {  	s2 =	simm.s32 @!p0 $0x3;
	[sflag:s11] =	ssyncadd.s32 @!p1 $0xFFFFC000  }
0x156: {  	_ =	swait.ge @!p0 [sflag:s2], $0x80  }
0x157: {  	[sflag:s2] =	ssyncset.done @!p0 $0x0  }
0x158: {  	s14 =	sadd.s32 $0x60, s31;
	s7 =	simm.s32 @!p0 $0x6;
	[sflag:s2] =	ssyncadd.s32 @!p0 $0xFFFFFF80  }
0x159: {  	p1 =	sgt.u32 s14, $0x9C3;
	_ =	swait.ge @!p0 [sflag:s7], $0x80  }
0x15a: {  	s8 =	simm.s32 @!p0 $0x2300;
	s11 =	simm.s32 @!p1 $0x2000;
	[sflag:s7] =	ssyncset.done @!p0 $0x0  }
0x15b: {  	s12 =	sadd.s32 @!p1 s30, s23;
	s2 =	simm.s32 @!p0 $0x80;
	[sflag:s7] =	ssyncadd.s32 @!p0 $0xFFFFFF80  }
0x15c: {  	[tilespmem:s8], [sflag:$0x7] =	stream.indirect.gather @!p0 [hbm4b:s1+s2], $0x80, s9, s2, $0xb8;
	[tilespmem:$0x1E300] =	vst v63  }
0x15d: {  	s7 =	simm.s32 @!p1 $0x0;
	s9 =	sadd.s32 @!p1 $0x600, s12;
	s12 =	sadd.s32 @!p1 s30, s22  }
0x15e: {  	[tilespmem:s11], [sflag:$0x1] =	stream.linear.gather @!p1 [hbm4b:s9+s7], $0x80, $0x38;
	[tilespmem:$0x1E300] =	vst v63  }
0x15f: {  	s13 =	simm.s32 @!p0 $0x7;
	s9 =	sadd.s32 @!p1 $0x600, s12;
	s12 =	simm.s32 @!p1 $0x2180  }
0x160: {  	[tilespmem:s12], [sflag:$0x4] =	stream.linear.gather @!p1 [hbm4b:s9+s7], $0x80, $0x38;
	[tilespmem:$0x1E300] =	vst v63  }
0x161: {  	_ =	swait.ge @!p0 [sflag:s13], $0x4000  }
0x162: {  	[sflag:s13] =	ssyncset.done @!p0 $0x0  }
0x163: {  	s7 =	simm.s32 @!p2 $0xA;
	[sflag:s13] =	ssyncadd.s32 @!p0 $0xFFFFC000  }
0x164: {  	[spmem:s3] =	stream.indirect.scatter.add.f32 @!p0 [tilespmem:s8], [sflag:$0x9], $0x80, s10, s2, $0xb8;
	[tilespmem:$0x1E300] =	vst v63  }
0x165: {  	_ =	swait.ge @!p2 [sflag:s7], $0x4000  }
0x166: {  	[sflag:s7] =	ssyncset.done @!p2 $0x0  }
0x167: {  	s2 =	simm.s32 @!p1 $0x1;
	[sflag:s7] =	ssyncadd.s32 @!p2 $0xFFFFC000  }
0x168: {  	_ =	swait.ge @!p1 [sflag:s2], $0x80  }
0x169: {  	[sflag:s2] =	ssyncset.done @!p1 $0x0  }
0x16a: {  	s15 =	sadd.s32 $0x80, s31;
	s7 =	simm.s32 @!p1 $0x4;
	[sflag:s2] =	ssyncadd.s32 @!p1 $0xFFFFFF80  }
0x16b: {  	p2 =	sgt.u32 s15, $0x9C3;
	_ =	swait.ge @!p1 [sflag:s7], $0x80  }
0x16c: {  	s8 =	simm.s32 @!p1 $0x6300;
	s9 =	simm.s32 @!p2 $0x2080;
	[sflag:s7] =	ssyncset.done @!p1 $0x0  }
0x16d: {  	s10 =	sadd.s32 @!p2 s30, s23;
	s2 =	simm.s32 @!p1 $0x80;
	[sflag:s7] =	ssyncadd.s32 @!p1 $0xFFFFFF80  }
0x16e: {  	[tilespmem:s8], [sflag:$0x8] =	stream.indirect.gather @!p1 [hbm4b:s1+s2], $0x80, s11, s2, $0xb8;
	[tilespmem:$0x1E300] =	vst v63  }
0x16f: {  	s10 =	sadd.s32 @!p2 $0x800, s10;
	s7 =	simm.s32 @!p2 $0x0;
	s11 =	sadd.s32 @!p2 s30, s22  }
0x170: {  	[tilespmem:s9], [sflag:$0x2] =	stream.linear.gather @!p2 [hbm4b:s10+s7], $0x80, $0x38;
	[tilespmem:$0x1E300] =	vst v63  }
0x171: {  	s13 =	simm.s32 @!p1 $0x8;
	s10 =	sadd.s32 @!p2 $0x800, s11;
	s11 =	simm.s32 @!p2 $0x2200  }
0x172: {  	[tilespmem:s11], [sflag:$0x5] =	stream.linear.gather @!p2 [hbm4b:s10+s7], $0x80, $0x38;
	[tilespmem:$0x1E300] =	vst v63  }
0x173: {  	_ =	swait.ge @!p1 [sflag:s13], $0x4000  }
0x174: {  	[sflag:s13] =	ssyncset.done @!p1 $0x0  }
0x175: {  	s7 =	simm.s32 @!p0 $0x9;
	[sflag:s13] =	ssyncadd.s32 @!p1 $0xFFFFC000  }
0x176: {  	[spmem:s3] =	stream.indirect.scatter.add.f32 @!p1 [tilespmem:s8], [sflag:$0xA], $0x80, s12, s2, $0xb8;
	[tilespmem:$0x1E300] =	vst v63  }
0x177: {  	_ =	swait.ge @!p0 [sflag:s7], $0x4000  }
0x178: {  	[sflag:s7] =	ssyncset.done @!p0 $0x0  }
0x179: {  	s2 =	simm.s32 @!p2 $0x2;
	[sflag:s7] =	ssyncadd.s32 @!p0 $0xFFFFC000  }
0x17a: {  	_ =	swait.ge @!p2 [sflag:s2], $0x80  }
0x17b: {  	[sflag:s2] =	ssyncset.done @!p2 $0x0  }
0x17c: {  	s16 =	sadd.s32 $0xA0, s31;
	s7 =	simm.s32 @!p2 $0x5;
	[sflag:s2] =	ssyncadd.s32 @!p2 $0xFFFFFF80  }
0x17d: {  	p0 =	sgt.u32 s16, $0x9C3;
	_ =	swait.ge @!p2 [sflag:s7], $0x80  }
0x17e: {  	s8 =	simm.s32 @!p2 $0x2300;
	s10 =	simm.s32 @!p0 $0x2100;
	[sflag:s7] =	ssyncset.done @!p2 $0x0  }
0x17f: {  	s12 =	sadd.s32 @!p0 s30, s23;
	s2 =	simm.s32 @!p2 $0x80;
	[sflag:s7] =	ssyncadd.s32 @!p2 $0xFFFFFF80  }
0x180: {  	[tilespmem:s8], [sflag:$0x7] =	stream.indirect.gather @!p2 [hbm4b:s1+s2], $0x80, s9, s2, $0xb8;
	[tilespmem:$0x1E300] =	vst v63  }
0x181: {  	s7 =	simm.s32 @!p0 $0x0;
	s9 =	sadd.s32 @!p0 $0xA00, s12;
	s12 =	sadd.s32 @!p0 s30, s22  }
0x182: {  	[tilespmem:s10], [sflag:$0x3] =	stream.linear.gather @!p0 [hbm4b:s9+s7], $0x80, $0x38;
	[tilespmem:$0x1E300] =	vst v63  }
0x183: {  	s13 =	simm.s32 @!p2 $0x7;
	s9 =	sadd.s32 @!p0 $0xA00, s12;
	s12 =	simm.s32 @!p0 $0x2280  }
0x184: {  	[tilespmem:s12], [sflag:$0x6] =	stream.linear.gather @!p0 [hbm4b:s9+s7], $0x80, $0x38;
	[tilespmem:$0x1E300] =	vst v63  }
0x185: {  	_ =	swait.ge @!p2 [sflag:s13], $0x4000  }
0x186: {  	[sflag:s13] =	ssyncset.done @!p2 $0x0  }
0x187: {  	s7 =	simm.s32 @!p1 $0xA;
	[sflag:s13] =	ssyncadd.s32 @!p2 $0xFFFFC000  }
0x188: {  	[spmem:s3] =	stream.indirect.scatter.add.f32 @!p2 [tilespmem:s8], [sflag:$0x9], $0x80, s11, s2, $0xb8;
	[tilespmem:$0x1E300] =	vst v63  }
0x189: {  	_ =	swait.ge @!p1 [sflag:s7], $0x4000  }
0x18a: {  	[sflag:s7] =	ssyncset.done @!p1 $0x0  }
0x18b: {  	s2 =	simm.s32 @!p0 $0x3;
	[sflag:s7] =	ssyncadd.s32 @!p1 $0xFFFFC000  }
0x18c: {  	_ =	swait.ge @!p0 [sflag:s2], $0x80  }
0x18d: {  	[sflag:s2] =	ssyncset.done @!p0 $0x0  }
0x18e: {  	s26 =	sadd.s32 $0xC0, s31;
	s7 =	simm.s32 @!p0 $0x6;
	[sflag:s2] =	ssyncadd.s32 @!p0 $0xFFFFFF80  }
0x18f: {  	p1 =	sgt.u32 s26, $0x9C3;
	_ =	swait.ge @!p0 [sflag:s7], $0x80  }
0x190: {  	s8 =	simm.s32 @!p0 $0x6300;
	s9 =	simm.s32 @!p1 $0x2000;
	[sflag:s7] =	ssyncset.done @!p0 $0x0  }
0x191: {  	s11 =	sadd.s32 @!p1 s30, s23;
	s2 =	simm.s32 @!p0 $0x80;
	[sflag:s7] =	ssyncadd.s32 @!p0 $0xFFFFFF80  }
0x192: {  	[tilespmem:s8], [sflag:$0x8] =	stream.indirect.gather @!p0 [hbm4b:s1+s2], $0x80, s10, s2, $0xb8;
	[tilespmem:$0x1E300] =	vst v63  }
0x193: {  	s7 =	simm.s32 @!p1 $0x0;
	s10 =	sadd.s32 @!p1 $0xC00, s11;
	s11 =	sadd.s32 @!p1 s30, s22  }
0x194: {  	[tilespmem:s9], [sflag:$0x1] =	stream.linear.gather @!p1 [hbm4b:s10+s7], $0x80, $0x38;
	[tilespmem:$0x1E300] =	vst v63  }
0x195: {  	s13 =	simm.s32 @!p0 $0x8;
	s10 =	sadd.s32 @!p1 $0xC00, s11;
	s11 =	simm.s32 @!p1 $0x2180  }
0x196: {  	[tilespmem:s11], [sflag:$0x4] =	stream.linear.gather @!p1 [hbm4b:s10+s7], $0x80, $0x38;
	[tilespmem:$0x1E300] =	vst v63  }
0x197: {  	_ =	swait.ge @!p0 [sflag:s13], $0x4000  }
0x198: {  	[sflag:s13] =	ssyncset.done @!p0 $0x0  }
0x199: {  	s7 =	simm.s32 @!p2 $0x9;
	[sflag:s13] =	ssyncadd.s32 @!p0 $0xFFFFC000  }
0x19a: {  	[spmem:s3] =	stream.indirect.scatter.add.f32 @!p0 [tilespmem:s8], [sflag:$0xA], $0x80, s12, s2, $0xb8;
	[tilespmem:$0x1E300] =	vst v63  }
0x19b: {  	_ =	swait.ge @!p2 [sflag:s7], $0x4000  }
0x19c: {  	[sflag:s7] =	ssyncset.done @!p2 $0x0  }
0x19d: {  	s2 =	simm.s32 @!p1 $0x1;
	[sflag:s7] =	ssyncadd.s32 @!p2 $0xFFFFC000  }
0x19e: {  	_ =	swait.ge @!p1 [sflag:s2], $0x80  }
0x19f: {  	[sflag:s2] =	ssyncset.done @!p1 $0x0  }
0x1a0: {  	s0 =	sadd.s32 $0xE0, s31;
	s7 =	simm.s32 @!p1 $0x4;
	[sflag:s2] =	ssyncadd.s32 @!p1 $0xFFFFFF80  }
0x1a1: {  	s4 =	sadd.s32 $0x1, s4;
	p0 =	sgt.u32 s0, $0x9C3;
	_ =	swait.ge @!p1 [sflag:s7], $0x80  }
0x1a2: {  	s10 =	simm.s32 @!p1 $0x80;
	s8 =	sadd.s32 @!p0 s30, s23;
	[sflag:s7] =	ssyncset.done @!p1 $0x0  }
0x1a3: {  	s0 =	simm.s32 @!p1 $0x2300;
	s8 =	sadd.s32 @!p0 $0xE00, s8;
	[sflag:s7] =	ssyncadd.s32 @!p1 $0xFFFFFF80  }
0x1a4: {  	[tilespmem:s0], [sflag:$0x7] =	stream.indirect.gather @!p1 [hbm4b:s1+s10], $0x80, s9, s10, $0xb8;
	[tilespmem:$0x1E300] =	vst v63  }
0x1a5: {  	s2 =	simm.s32 @!p0 $0x2080;
	s7 =	simm.s32 @!p0 $0x0;
	s0 =	sadd.s32 @!p0 s30, s22  }
0x1a6: {  	[tilespmem:s2], [sflag:$0x2] =	stream.linear.gather @!p0 [hbm4b:s8+s7], $0x80, $0x38;
	[tilespmem:$0x1E300] =	vst v63  }
0x1a7: {  	s30 =	stileid.u32;
	s0 =	sadd.s32 @!p0 $0xE00, s0;
	s2 =	simm.s32 @!p0 $0x2200  }
0x1a8: {  	[tilespmem:s2], [sflag:$0x5] =	stream.linear.gather @!p0 [hbm4b:s0+s7], $0x80, $0x38;
	[tilespmem:$0x1E300] =	vst v63  }
0x1a9: {  	s31 =	sshrl.u32 s6, $0x3;
	s0 =	sshll.u32 s30, $0x6;
	p0 =	sne.s32 s4, s21  }
.Ltmp2:
0x1aa: {  	[bflag:$0x0] =	sbarrier.arrive $0xFFFF;
	s0 =	sor.u32 $0x1C0B, s0;
	(pc) =	sbr.rel @p0 .LBB2_1-.Ltmp2, $4  }
0x1ab: {  	[hbm:s20], [sflag:s0] =	dma.local [spmem:s31], $0x2800  }
0x1ac: {  	_ =	swait.ge [sflag:s24], $0x2800  }
0x1ad: {  	[sflag:s24] =	ssyncset.done $0x0  }
0x1ae: {  	[sflag:s24] =	ssyncadd.s32 $0xFFFFD800  }
0x1af: {  	_ =	sfence.sel $0x180000  }
0x1b0: {  	[bflag:$0x0] =	sbarrier.arrive $0xFFFF  }
0x1b1: {  	_ =	strace $0x90000047  }
0x1b2: {  	s0 =	stileid.u32;
	[bflag:$0x2] =	sbarrier.arrive $0xFFFF  }
0x1b3: {  	p0 =	sne.s32 s0, $0x0;
	s0 =	rddreg [dreg:$0x5]  }
0x1b4: {  	s0 =	sadd.s32 @!p0 $0x100000, s0  }
0x1b5: {  	[sflag:s0] =	ssyncadd.tile.s32 @!p0 $0x1;
	_ =	shalt  }
.Lfunc_end2:
_tile_overlayer_lowered:
.L_overlay_start_2:
0x1b6: {  	(tag) =	ssettag $0x2  }
0x1b7: {  	s0 =	rddreg [dreg:$0x0];
	s2 =	stileid.u32  }
0x1b8: {  	s1 =	rddreg [dreg:$0x1];
	p0 =	sne.s32 s2, $0x0  }
0x1b9: {  	s3 =	rddreg [dreg:$0x2];
	[bflag:$0x3] =	sbarrier.arrive $0xFFFF;
	s2 =	simm.s32 @!p0 $0x1C0B  }
0x1ba: {  	[timem:s3], [sflag:s2] =	dma.local @!p0 [hbm:s0], s1  }
0x1bb: {  	s0 =	simm.s32 @!p0 $0xB  }
0x1bc: {  	_ =	swait.ge @!p0 [sflag:s0], s1  }
0x1bd: {  	s1 =	ssub.s32 @!p0 $0x0, s1;
	[sflag:s0] =	ssyncset.done @!p0 $0x0  }
0x1be: {  	[sflag:s0] =	ssyncadd.s32 @!p0 s1  }
0x1bf: {  	[bflag:$0x3] =	sbarrier.arrive $0xFFFF  }
0x1c0: {  	_ =	shalt  }

// kernel: kernel.9.cloned.1.call-start
scs
__scs_entry_jumppad:
0x0: {  	(pc) =	sbr.rel $0x88, $3  }
0x1: {  	(tag) =	ssettag $0x0;
	lr =	simm.s32 $0x1  }
0x2: {  	[smem:$0x3F96] =	sst lr;
	_ =	strace $0xD0000000  }
0x3: {  	_ = 	snop  }
0x4: {  	_ = 	snop  }
0x5: {  	_ = 	snop  }
0x6: {  	_ = 	snop  }
0x7: {  	_ = 	snop  }
__scs_overlays_trampoline_lowered:
0x8: {  	[smem:$0x3FA5] =	sst s0  }
0x9: {  	[smem:$0x3FA6] =	sst s1  }
0xa: {  	[smem:$0x3FA7] =	sst s2  }
0xb: {  	[smem:$0x3FA8] =	sst s3  }
0xc: {  	[smem:$0x3FA9] =	sst s4  }
0xd: {  	[smem:$0x3FAA] =	sst s5  }
0xe: {  	[smem:$0x3FAB] =	sst s6  }
0xf: {  	[smem:$0x3FAC] =	sst s7  }
0x10: {  	[smem:$0x3FAD] =	sst s8  }
0x11: {  	[smem:$0x3FAE] =	sst s9;
	s0 =	simm.s32 @!p0 $0x0  }
0x12: {  	s1 =	sld [smem:$0x3F94];
	s0 =	simm.s32 @p0 $0x1  }
0x13: {  	[smem:$0x3FAF] =	sst s0;
	s0 =	simm.s32 @!p1 $0x0  }
0x14: {  	s2 =	sld [smem:$0x3F93];
	s0 =	simm.s32 @p1 $0x1  }
0x15: {  	[smem:$0x3FB0] =	sst s0;
	s0 =	simm.s32 @!p2 $0x0  }
0x16: {  	s3 =	sld [smem:$0x3FDB];
	s0 =	simm.s32 @p2 $0x1  }
0x17: {  	s4 =	simm.s32 $0x1BF5;
	[smem:$0x3FB2] =	sst s0  }
0x18: {  	s0 =	sld [smem:$0x3F95];
	_ =	swait.ge [sflag:s4], $0x0  }
0x19: {  	s7 =	sld [smem:$0x3F96]  }
0x1a: {  	s8 =	sadd.s32 $0xFFFFE003, lr  }
0x1b: {  	s9 =	sadd.s32 $0xFFFFFEF7, lr;
	s5 =	simm.s32 $0xFFFFFFFF;
	p2 =	slt.u32 s8, $0xFFFFF086  }
0x1c: {  	p1 =	slt.u32 s9, $0xF7A;
	s5 =	simm.s32 @!p2 $0x0  }
0x1d: {  	s5 =	simm.s32 @p1 $0x1;
	p0 =	seq.s32 s7, s2  }
0x1e: {  	s7 =	smul.u32 @!p0 $0xF7A, s2;
	p2 =	seq.s32 @!p0 s5, $0x0  }
0x1f: {  	s9 =	smul.u32 $0xF7A, s1;
	s8 =	simm.s32 @!p0 $0x1BF5;
	p2 =	por !p2, p0  }
0x20: {  	[sflag:s8] =	ssyncset.s32 @!p0 $0xFFFFF086;
	s6 =	sadd.s32 @!p0 s3, s7;
	s7 =	simm.s32 @!p0 $0x108  }
0x21: {  	s3 =	sadd.s32 s3, s9;
	s6 =	sadd.s32 @!p0 $0x88, s6;
	s7 =	simm.s32 @p2 $0x1082  }
0x22: {  	[simem:s7], [sflag:s8] =	dma.local @!p0 [hbm:s6], $0xF7A  }
0x23: {  	s9 =	sor.u32 $0xD0000000, s2;
	s6 =	simm.s32 $0x108;
	_ =	swait.ge @!p0 [sflag:s8], $0x0  }
0x24: {  	s3 =	sadd.s32 $0x88, s3;
	s6 =	simm.s32 @!p1 $0x1082;
	[sflag:s4] =	ssyncset.s32 $0xFFFFF086  }
0x25: {  	[simem:s6], [sflag:s4] =	dma.local [hbm:s3], $0xF7A  }
0x26: {  	[smem:$0x3F96] =	sst s1;
	(tag) =	ssettag s2;
	_ =	strace s9  }
0x27: {  	s1 =	sld [smem:$0x3FA6]  }
0x28: {  	s2 =	sld [smem:$0x3FA7]  }
0x29: {  	s4 =	sld [smem:$0x3FA9]  }
0x2a: {  	p0 =	seq.s32 s5, $0x0;
	s5 =	sld [smem:$0x3FAA]  }
0x2b: {  	s6 =	sld [smem:$0x3FAB]  }
0x2c: {  	s7 =	sld [smem:$0x3FAC]  }
0x2d: {  	s3 =	simm.s32 $0x108;
	s8 =	sld [smem:$0x3FAD]  }
0x2e: {  	s3 =	simm.s32 @!p0 $0x1082;
	s9 =	sld [smem:$0x3FAE]  }
0x2f: {  	lr =	sadd.s32 s0, s3;
	s0 =	sld [smem:$0x3FA5]  }
0x30: {  	s3 =	sld [smem:$0x3FA8]  }
0x31: {  	[smem:$0x3FB1] =	sst s10  }
0x32: {  	s10 =	sld [smem:$0x3FAF];
	_ =	sdelay $0x3  }
0x33: {  	p0 =	seq.s32 s10, $0x1;
	s10 =	sld [smem:$0x3FB1];
	_ =	sdelay $0x3  }
0x34: {  	[smem:$0x3FB1] =	sst s10  }
0x35: {  	s10 =	sld [smem:$0x3FB0];
	_ =	sdelay $0x3  }
0x36: {  	p1 =	seq.s32 s10, $0x1;
	s10 =	sld [smem:$0x3FB1];
	_ =	sdelay $0x3  }
0x37: {  	[smem:$0x3FB1] =	sst s10  }
0x38: {  	s10 =	sld [smem:$0x3FB2]  }
0x39: {  	_ = 	snop;
	(pc) =	sbr.ind lr, $3  }
0x3a: {  	_ = 	snop  }
0x3b: {  	_ = 	snop  }
0x3c: {  	p2 =	seq.s32 s10, $0x1;
	s10 =	sld [smem:$0x3FB1]  }
0x3d: {  	_ =	shalt  }
0x3e: {  	_ =	shalt  }
0x3f: {  	_ =	shalt  }
0x40: {  	_ =	shalt  }
0x41: {  	_ =	shalt  }
0x42: {  	_ =	shalt  }
0x43: {  	_ =	shalt  }
0x44: {  	_ =	shalt  }
0x45: {  	_ =	shalt  }
0x46: {  	_ =	shalt  }
0x47: {  	_ =	shalt  }
0x48: {  	_ =	shalt  }
0x49: {  	_ =	shalt  }
0x4a: {  	_ =	shalt  }
0x4b: {  	_ =	shalt  }
0x4c: {  	_ =	shalt  }
0x4d: {  	_ =	shalt  }
0x4e: {  	_ =	shalt  }
0x4f: {  	_ =	shalt  }
0x50: {  	_ =	shalt  }
0x51: {  	_ =	shalt  }
0x52: {  	_ =	shalt  }
0x53: {  	_ =	shalt  }
0x54: {  	_ =	shalt  }
0x55: {  	_ =	shalt  }
0x56: {  	_ =	shalt  }
0x57: {  	_ =	shalt  }
0x58: {  	_ =	shalt  }
0x59: {  	_ =	shalt  }
0x5a: {  	_ =	shalt  }
0x5b: {  	_ =	shalt  }
0x5c: {  	_ =	shalt  }
0x5d: {  	_ =	shalt  }
0x5e: {  	_ =	shalt  }
0x5f: {  	_ =	shalt  }
0x60: {  	_ =	shalt  }
0x61: {  	_ =	shalt  }
0x62: {  	_ =	shalt  }
0x63: {  	_ =	shalt  }
0x64: {  	_ =	shalt  }
0x65: {  	_ =	shalt  }
0x66: {  	_ =	shalt  }
0x67: {  	_ =	shalt  }
0x68: {  	_ =	shalt  }
0x69: {  	_ =	shalt  }
0x6a: {  	_ =	shalt  }
0x6b: {  	_ =	shalt  }
0x6c: {  	_ =	shalt  }
0x6d: {  	_ =	shalt  }
0x6e: {  	_ =	shalt  }
0x6f: {  	_ =	shalt  }
0x70: {  	_ =	shalt  }
0x71: {  	_ =	shalt  }
0x72: {  	_ =	shalt  }
0x73: {  	_ =	shalt  }
0x74: {  	_ =	shalt  }
0x75: {  	_ =	shalt  }
0x76: {  	_ =	shalt  }
0x77: {  	_ =	shalt  }
0x78: {  	_ =	shalt  }
0x79: {  	_ =	shalt  }
0x7a: {  	_ =	shalt  }
0x7b: {  	_ =	shalt  }
0x7c: {  	_ =	shalt  }
0x7d: {  	_ =	shalt  }
0x7e: {  	_ =	shalt  }
0x7f: {  	_ =	shalt  }
0x80: {  	_ =	shalt  }
0x81: {  	_ =	shalt  }
0x82: {  	_ =	shalt  }
0x83: {  	_ =	shalt  }
0x84: {  	_ =	shalt  }
0x85: {  	_ =	shalt  }
0x86: {  	_ =	shalt  }
0x87: {  	_ =	shalt  }
.Lfunc_end0:
.L_simem_size_0:
called_computation.1_lowered:
.L_overlay_start_0:
0x88: {  	s2 =	sld [smem:$0x3FD9]  }
0x89: {  	s3 =	sld [smem:$0x3FFE];
	_ =	sdelay $0x1  }
0x8a: {  	s1 =	srdreg.scid  }
0x8b: {  	s0 =	sand.u32 $0x1, s1  }
0x8c: {  	s17 =	sshll.u32 s0, $0xA;
	s2 =	sadd.s32 s3, s2  }
0x8d: {  	s2 =	sadd.s32 s2, s17  }
0x8e: {  	[smem:$0x3FBD] =	sst s2  }
0x8f: {  	_ = 	snop  }
0x90: {  	s2 =	sld [smem:$0x3FC0]  }
0x91: {  	s18 =	sld [smem:$0x3FBF];
	(tm) =	ssettm $0x1  }
0x92: {  	s4 =	sld [smem:$0x3FFB];
	_ =	sdelay $0x3  }
0x93: {  	_ =	strace s4  }
0x94: {  	s4 =	sld [smem:$0x3FFC];
	_ =	sdelay $0x3  }
0x95: {  	_ =	strace s4  }
0x96: {  	s4 =	sld [smem:$0x3FFD];
	_ =	sdelay $0x3  }
0x97: {  	_ =	strace s4  }
0x98: {  	_ =	strace $0x8FFFFFFF  }
0x99: {  	s19 =	sld [smem:$0x3FDB];
	_ =	sdelay $0x1  }
0x9a: {  	s5 =	simm.s32 $_scs_section_size  }
0x9b: {  	s6 =	simm.s32 $_size__tile_overlayer_lowered;
	s7 =	simm.s32 $_tile_overlayer_lowered  }
0x9c: {  	s22 =	simm.s32 $0x1BFF;
	s21 =	sshll.u32 s7, $0x1;
	s4 =	sadd.s32 s5, s19  }
0x9d: {  	s8 =	simm.s32 $0x0;
	s20 =	sshll.u32 s6, $0x1;
	s6 =	sadd.s32 s21, s4  }
0x9e: {  	[timem:s8], [sflag:s22] =	dma.local [hbm:s6], s20  }
0x9f: {  	_ =	swait.ge [sflag:s22], s20  }
0xa0: {  	s5 =	ssub.s32 $0x0, s20;
	[sflag:s22] =	ssyncset.done $0x0  }
0xa1: {  	[sflag:s22] =	ssyncadd.s32 s5;
	_ =	sdelay $0x1  }
0xa2: {  	s23 =	simm.s32 $0x1B8B  }
0xa3: {  	_ =	swait.ge [sflag:s23], $0x1  }
0xa4: {  	[sflag:s23] =	ssyncset.done $0x0  }
0xa5: {  	s25 =	simm.s32 $0x1B8E;
	s24 =	sld [smem:$0x3FFE];
	[sflag:s23] =	ssyncadd.s32 $0xFFFFFFFF  }
0xa6: {  	s26 =	simm.s32 $execute0_lowered;
	[smem:$0x3FD2] =	sst s25  }
0xa7: {  	s6 =	sshll.u32 s26, $0x1;
	_ =	strace $0x80000049;
	[dreg:$0x1] =	wrdreg $0xFFFFFFFF  }
0xa8: {  	s28 =	simm.s32 $_size_execute0_lowered;
	s4 =	sadd.s32 s4, s6;
	[dreg:$0x0] =	wrdreg $0x0  }
0xa9: {  	s6 =	sshll.u32 s28, $0x1;
	[dreg:$0x2] =	wrdreg s4  }
0xaa: {  	[dreg:$0x3] =	wrdreg s6  }
0xab: {  	[dreg:$0x4] =	wrdreg $0xC0  }
0xac: {  	_ =	task [dreg:s8], $0x5FFFF  }
0xad: {  	[dreg:$0x1] =	wrdreg $0xFFFFFFFF  }
0xae: {  	[dreg:$0x0] =	wrdreg $0x60  }
0xaf: {  	[dreg:$0x2] =	wrdreg s24  }
0xb0: {  	[dreg:$0x3] =	wrdreg s2  }
0xb1: {  	[dreg:$0x4] =	wrdreg s18  }
0xb2: {  	[dreg:$0x5] =	wrdreg $0x9  }
0xb3: {  	_ =	task.clear_ibuf [dreg:s8], $0x6FFFF;
	_ =	strace $0x90000049  }
0xb4: {  	s29 =	simm.s32 $0x9;
	_ =	strace $0x8000004B  }
0xb5: {  	_ =	swait.ge [sflag:s29], $0x1  }
0xb6: {  	[sflag:s29] =	ssyncadd.s32 $0xFFFFFFFF  }
0xb7: {  	_ =	strace $0x9000004B  }
0xb8: {  	_ =	sfence  }
0xb9: {  	s30 =	sld [smem:$0x0];
	_ =	sdelay $0x2  }
0xba: {  	s31 =	sshll.u32 s1, $0xD;
	s1 =	sshrl.u32 s1, $0x2  }
0xbb: {  	s3 =	sand.u32 $0x4000, s31;
	s1 =	sadd.s32 s1, s30  }
0xbc: {  	s0 =	sor.u32 s3, s0;
	s1 =	sshll.u32 s1, $0x11  }
0xbd: {  	s0 =	sor.u32 s1, s0  }
0xbe: {  	s0 =	sadd.s32 $0x8F2B, s0  }
0xbf: {  	[sflag:s0] =	ssyncadd.remote.s32 $0x1  }
0xc0: {  	_ =	sfence.sel $0xFFFF  }
0xc1: {  	[dreg:$0x0] =	wrdreg $0xFFFFFFFF;
	(pc) =	sbr.abs _section_cstart, $3  }
0xc2: {  	[dreg:$0x1] =	wrdreg $0xFFFFFFFF  }
0xc3: {  	_ =	task.clear_ibuf [dreg:s8], $0x2FFFF;
	_ =	strace $0x9FFFFFFF  }
0xc4: {  	(tm) =	ssettm $0x7FFFFFFF  }
0xc5: {  	_ =	shalt  }
tec
execute0_lowered:
.L_overlay_start_1:
0x0: {  	(tag) =	ssettag $0x1  }
0x1: {  	s21 =	rddreg [dreg:$0x0];
	s0 =	srdreg.scid  }
0x2: {  	s1 =	rddreg [dreg:$0x1];
	s0 =	sand.u32 $0x1, s0  }
0x3: {  	s3 =	stileid.u32;
	[dreg:$0x4] =	wrdreg s0;
	s0 =	sshll.u32 s0, $0x4  }
0x4: {  	s29 =	rddreg [dreg:$0x2];
	s2 =	simm.s32 $0x0;
	s10 =	sor.u32 s3, s0  }
0x5: {  	[smem:$0x7FF] =	sst s2;
	s0 =	sshll.u32 s10, $0x4  }
0x6: {  	_ =	strace $0x8000004A;
	s3 =	simm.s32 $0x2;
	s4 =	sadd.s32 s1, s0  }
0x7: {  	[tilespmem:s2], [sflag:$0x2] =	stream.linear.gather [hbm4b:s4+s2], $0x80, $0x38;
	[tilespmem:$0x4080] =	vst v63  }
0x8: {  	_ =	swait.ge [sflag:s3], $0x80  }
0x9: {  	s6 =	simm.s32 $0x80;
	[sflag:s3] =	ssyncset.done $0x0  }
0xa: {  	s7 =	simm.s32 $0x1;
	s5 =	sadd.s32 $0x52800, s21;
	[sflag:s3] =	ssyncadd.s32 $0xFFFFFF80  }
0xb: {  	[tilespmem:s6], [sflag:$0x1] =	stream.indirect.gather [hbm4b:s5+s6], $0x80, s2, s6, $0xb8;
	[tilespmem:$0x4080] =	vst v63  }
0xc: {  	s26 =	sshll.u32 s10, $0xB;
	_ =	swait.ge [sflag:s7], $0x4000  }
0xd: {  	s0 =	sadd.s32 s26, s21;
	[sflag:s7] =	ssyncset.done $0x0  }
0xe: {  	s8 =	sadd.s32 $0x29A00, s0;
	s0 =	smul.u32 $0x280, s10;
	[sflag:s7] =	ssyncadd.s32 $0xFFFFC000  }
0xf: {  	[hbm4b:s8+s2] =	stream.linear.scatter [tilespmem:s6], [sflag:$0x2], $0x4000, $0x38;
	[tilespmem:$0x4080] =	vst v63  }
0x10: {  	_ =	swait.ge [sflag:s3], $0x4000  }
0x11: {  	s17 =	sadd.s32 $0xA0A00, s21;
	s19 =	sshrl.u32 s0, $0x3;
	[sflag:s3] =	ssyncset.done $0x0  }
0x12: {  	s9 =	sadd.s32 s17, s19;
	[sflag:s3] =	ssyncadd.s32 $0xFFFFC000  }
0x13: {  	[tilespmem:s2], [sflag:$0x2] =	stream.linear.gather [hbm4b:s9+s2], $0x80, $0x38;
	[tilespmem:$0x4080] =	vst v63  }
0x14: {  	_ =	swait.ge [sflag:s3], $0x80  }
0x15: {  	[sflag:s3] =	ssyncset.done $0x0  }
0x16: {  	[sflag:s3] =	ssyncadd.s32 $0xFFFFFF80  }
0x17: {  	[tilespmem:s6], [sflag:$0x1] =	stream.indirect.gather [hbm4b:s5+s6], $0x80, s2, s6, $0xb8;
	[tilespmem:$0x4080] =	vst v63  }
0x18: {  	s22 =	smul.u32 $0x2800, s10;
	_ =	swait.ge [sflag:s7], $0x4000  }
0x19: {  	s18 =	sadd.s32 $0xA1400, s21;
	[sflag:s7] =	ssyncset.done $0x0  }
0x1a: {  	s10 =	sadd.s32 s18, s22;
	[sflag:s7] =	ssyncadd.s32 $0xFFFFC000  }
0x1b: {  	[hbm4b:s10+s2] =	stream.linear.scatter [tilespmem:s6], [sflag:$0x2], $0x4000, $0x38;
	[tilespmem:$0x4080] =	vst v63  }
0x1c: {  	s12 =	sadd.s32 $0x80, s0;
	_ =	swait.ge [sflag:s3], $0x4000  }
0x1d: {  	s23 =	sshrl.u32 s12, $0x3;
	[sflag:s3] =	ssyncset.done $0x0  }
0x1e: {  	s11 =	sadd.s32 s17, s23;
	[sflag:s3] =	ssyncadd.s32 $0xFFFFC000  }
0x1f: {  	[tilespmem:s2], [sflag:$0x2] =	stream.linear.gather [hbm4b:s11+s2], $0x80, $0x38;
	[tilespmem:$0x4080] =	vst v63  }
0x20: {  	_ =	swait.ge [sflag:s3], $0x80  }
0x21: {  	[sflag:s3] =	ssyncset.done $0x0  }
0x22: {  	[sflag:s3] =	ssyncadd.s32 $0xFFFFFF80  }
0x23: {  	[tilespmem:s6], [sflag:$0x1] =	stream.indirect.gather [hbm4b:s5+s6], $0x80, s2, s6, $0xb8;
	[tilespmem:$0x4080] =	vst v63  }
0x24: {  	_ =	swait.ge [sflag:s7], $0x4000  }
0x25: {  	s24 =	sshll.u32 s12, $0x4;
	[sflag:s7] =	ssyncset.done $0x0  }
0x26: {  	s12 =	sadd.s32 s18, s24;
	[sflag:s7] =	ssyncadd.s32 $0xFFFFC000  }
0x27: {  	[hbm4b:s12+s2] =	stream.linear.scatter [tilespmem:s6], [sflag:$0x2], $0x4000, $0x38;
	[tilespmem:$0x4080] =	vst v63  }
0x28: {  	s14 =	sadd.s32 $0x100, s0;
	_ =	swait.ge [sflag:s3], $0x4000  }
0x29: {  	s25 =	sshrl.u32 s14, $0x3;
	[sflag:s3] =	ssyncset.done $0x0  }
0x2a: {  	s13 =	sadd.s32 s17, s25;
	[sflag:s3] =	ssyncadd.s32 $0xFFFFC000  }
0x2b: {  	[tilespmem:s2], [sflag:$0x2] =	stream.linear.gather [hbm4b:s13+s2], $0x80, $0x38;
	[tilespmem:$0x4080] =	vst v63  }
0x2c: {  	_ =	swait.ge [sflag:s3], $0x80  }
0x2d: {  	[sflag:s3] =	ssyncset.done $0x0  }
0x2e: {  	[sflag:s3] =	ssyncadd.s32 $0xFFFFFF80  }
0x2f: {  	[tilespmem:s6], [sflag:$0x1] =	stream.indirect.gather [hbm4b:s5+s6], $0x80, s2, s6, $0xb8;
	[tilespmem:$0x4080] =	vst v63  }
0x30: {  	_ =	swait.ge [sflag:s7], $0x4000  }
0x31: {  	s26 =	sshll.u32 s14, $0x4;
	[sflag:s7] =	ssyncset.done $0x0  }
0x32: {  	s14 =	sadd.s32 s18, s26;
	[sflag:s7] =	ssyncadd.s32 $0xFFFFC000  }
0x33: {  	[hbm4b:s14+s2] =	stream.linear.scatter [tilespmem:s6], [sflag:$0x2], $0x4000, $0x38;
	[tilespmem:$0x4080] =	vst v63  }
0x34: {  	s16 =	sadd.s32 $0x180, s0;
	_ =	swait.ge [sflag:s3], $0x4000  }
0x35: {  	s28 =	sshrl.u32 s16, $0x3;
	[sflag:s3] =	ssyncset.done $0x0  }
0x36: {  	s15 =	sadd.s32 s17, s28;
	[sflag:s3] =	ssyncadd.s32 $0xFFFFC000  }
0x37: {  	[tilespmem:s2], [sflag:$0x2] =	stream.linear.gather [hbm4b:s15+s2], $0x80, $0x38;
	[tilespmem:$0x4080] =	vst v63  }
0x38: {  	_ =	swait.ge [sflag:s3], $0x80  }
0x39: {  	[sflag:s3] =	ssyncset.done $0x0  }
0x3a: {  	[sflag:s3] =	ssyncadd.s32 $0xFFFFFF80  }
0x3b: {  	[tilespmem:s6], [sflag:$0x1] =	stream.indirect.gather [hbm4b:s5+s6], $0x80, s2, s6, $0xb8;
	[tilespmem:$0x4080] =	vst v63  }
0x3c: {  	_ =	swait.ge [sflag:s7], $0x4000  }
0x3d: {  	s31 =	sshll.u32 s16, $0x4;
	[sflag:s7] =	ssyncset.done $0x0  }
0x3e: {  	s16 =	sadd.s32 s18, s31;
	[sflag:s7] =	ssyncadd.s32 $0xFFFFC000  }
0x3f: {  	[hbm4b:s16+s2] =	stream.linear.scatter [tilespmem:s6], [sflag:$0x2], $0x4000, $0x38;
	[tilespmem:$0x4080] =	vst v63  }
0x40: {  	s20 =	sadd.s32 $0x200, s0;
	_ =	swait.ge [sflag:s3], $0x4000  }
0x41: {  	s1 =	sshrl.u32 s20, $0x3;
	[sflag:s3] =	ssyncset.done $0x0  }
0x42: {  	s17 =	sadd.s32 s17, s1;
	[sflag:s3] =	ssyncadd.s32 $0xFFFFC000  }
0x43: {  	[tilespmem:s2], [sflag:$0x2] =	stream.linear.gather [hbm4b:s17+s2], $0x80, $0x38;
	[tilespmem:$0x4080] =	vst v63  }
0x44: {  	_ =	swait.ge [sflag:s3], $0x80  }
0x45: {  	[sflag:s3] =	ssyncset.done $0x0  }
0x46: {  	[sflag:s3] =	ssyncadd.s32 $0xFFFFFF80  }
0x47: {  	[tilespmem:s6], [sflag:$0x1] =	stream.indirect.gather [hbm4b:s5+s6], $0x80, s2, s6, $0xb8;
	[tilespmem:$0x4080] =	vst v63  }
0x48: {  	_ =	swait.ge [sflag:s7], $0x4000  }
0x49: {  	s30 =	sshll.u32 s20, $0x4;
	[sflag:s7] =	ssyncset.done $0x0  }
0x4a: {  	s18 =	sadd.s32 s18, s30;
	[sflag:s7] =	ssyncadd.s32 $0xFFFFC000  }
0x4b: {  	[hbm4b:s18+s2] =	stream.linear.scatter [tilespmem:s6], [sflag:$0x2], $0x4000, $0x38;
	[tilespmem:$0x4080] =	vst v63  }
0x4c: {  	_ =	swait.ge [sflag:s3], $0x4000  }
0x4d: {  	[sflag:s3] =	ssyncset.done $0x0  }
0x4e: {  	s19 =	sadd.s32 s29, s19;
	[sflag:s3] =	ssyncadd.s32 $0xFFFFC000  }
0x4f: {  	[tilespmem:s2], [sflag:$0x2] =	stream.linear.gather [hbm4b:s19+s2], $0x80, $0x38;
	[tilespmem:$0x4080] =	vst v63  }
0x50: {  	_ =	swait.ge [sflag:s3], $0x80  }
0x51: {  	[sflag:s3] =	ssyncset.done $0x0  }
0x52: {  	s20 =	sadd.s32 $0x2800, s21;
	[sflag:s3] =	ssyncadd.s32 $0xFFFFFF80  }
0x53: {  	[tilespmem:s6], [sflag:$0x1] =	stream.indirect.gather [hbm4b:s20+s6], $0x80, s2, s6, $0xb8;
	[tilespmem:$0x4080] =	vst v63  }
0x54: {  	_ =	swait.ge [sflag:s7], $0x4000  }
0x55: {  	s0 =	sadd.s32 $0xF1400, s21;
	[sflag:s7] =	ssyncset.done $0x0  }
0x56: {  	s21 =	sadd.s32 s0, s22;
	[sflag:s7] =	ssyncadd.s32 $0xFFFFC000  }
0x57: {  	[hbm4b:s21+s2] =	stream.linear.scatter [tilespmem:s6], [sflag:$0x2], $0x4000, $0x38;
	[tilespmem:$0x4080] =	vst v63  }
0x58: {  	_ =	swait.ge [sflag:s3], $0x4000  }
0x59: {  	[sflag:s3] =	ssyncset.done $0x0  }
0x5a: {  	s22 =	sadd.s32 s29, s23;
	[sflag:s3] =	ssyncadd.s32 $0xFFFFC000  }
0x5b: {  	[tilespmem:s2], [sflag:$0x2] =	stream.linear.gather [hbm4b:s22+s2], $0x80, $0x38;
	[tilespmem:$0x4080] =	vst v63  }
0x5c: {  	_ =	swait.ge [sflag:s3], $0x80  }
0x5d: {  	[sflag:s3] =	ssyncset.done $0x0  }
0x5e: {  	[sflag:s3] =	ssyncadd.s32 $0xFFFFFF80  }
0x5f: {  	[tilespmem:s6], [sflag:$0x1] =	stream.indirect.gather [hbm4b:s20+s6], $0x80, s2, s6, $0xb8;
	[tilespmem:$0x4080] =	vst v63  }
0x60: {  	_ =	swait.ge [sflag:s7], $0x4000  }
0x61: {  	[sflag:s7] =	ssyncset.done $0x0  }
0x62: {  	s23 =	sadd.s32 s0, s24;
	[sflag:s7] =	ssyncadd.s32 $0xFFFFC000  }
0x63: {  	[hbm4b:s23+s2] =	stream.linear.scatter [tilespmem:s6], [sflag:$0x2], $0x4000, $0x38;
	[tilespmem:$0x4080] =	vst v63  }
0x64: {  	_ =	swait.ge [sflag:s3], $0x4000  }
0x65: {  	[sflag:s3] =	ssyncset.done $0x0  }
0x66: {  	s24 =	sadd.s32 s29, s25;
	[sflag:s3] =	ssyncadd.s32 $0xFFFFC000  }
0x67: {  	[tilespmem:s2], [sflag:$0x2] =	stream.linear.gather [hbm4b:s24+s2], $0x80, $0x38;
	[tilespmem:$0x4080] =	vst v63  }
0x68: {  	_ =	swait.ge [sflag:s3], $0x80  }
0x69: {  	[sflag:s3] =	ssyncset.done $0x0  }
0x6a: {  	[sflag:s3] =	ssyncadd.s32 $0xFFFFFF80  }
0x6b: {  	[tilespmem:s6], [sflag:$0x1] =	stream.indirect.gather [hbm4b:s20+s6], $0x80, s2, s6, $0xb8;
	[tilespmem:$0x4080] =	vst v63  }
0x6c: {  	_ =	swait.ge [sflag:s7], $0x4000  }
0x6d: {  	[sflag:s7] =	ssyncset.done $0x0  }
0x6e: {  	s25 =	sadd.s32 s0, s26;
	[sflag:s7] =	ssyncadd.s32 $0xFFFFC000  }
0x6f: {  	[hbm4b:s25+s2] =	stream.linear.scatter [tilespmem:s6], [sflag:$0x2], $0x4000, $0x38;
	[tilespmem:$0x4080] =	vst v63  }
0x70: {  	_ =	swait.ge [sflag:s3], $0x4000  }
0x71: {  	[sflag:s3] =	ssyncset.done $0x0  }
0x72: {  	s26 =	sadd.s32 s29, s28;
	[sflag:s3] =	ssyncadd.s32 $0xFFFFC000  }
0x73: {  	[tilespmem:s2], [sflag:$0x2] =	stream.linear.gather [hbm4b:s26+s2], $0x80, $0x38;
	[tilespmem:$0x4080] =	vst v63  }
0x74: {  	_ =	swait.ge [sflag:s3], $0x80  }
0x75: {  	[sflag:s3] =	ssyncset.done $0x0  }
0x76: {  	[sflag:s3] =	ssyncadd.s32 $0xFFFFFF80  }
0x77: {  	[tilespmem:s6], [sflag:$0x1] =	stream.indirect.gather [hbm4b:s20+s6], $0x80, s2, s6, $0xb8;
	[tilespmem:$0x4080] =	vst v63  }
0x78: {  	_ =	swait.ge [sflag:s7], $0x4000  }
0x79: {  	[sflag:s7] =	ssyncset.done $0x0  }
0x7a: {  	s28 =	sadd.s32 s0, s31;
	[sflag:s7] =	ssyncadd.s32 $0xFFFFC000  }
0x7b: {  	[hbm4b:s28+s2] =	stream.linear.scatter [tilespmem:s6], [sflag:$0x2], $0x4000, $0x38;
	[tilespmem:$0x4080] =	vst v63  }
0x7c: {  	_ =	swait.ge [sflag:s3], $0x4000  }
0x7d: {  	[sflag:s3] =	ssyncset.done $0x0  }
0x7e: {  	s29 =	sadd.s32 s29, s1;
	[sflag:s3] =	ssyncadd.s32 $0xFFFFC000  }
0x7f: {  	[tilespmem:s2], [sflag:$0x2] =	stream.linear.gather [hbm4b:s29+s2], $0x80, $0x38;
	[tilespmem:$0x4080] =	vst v63  }
0x80: {  	_ =	swait.ge [sflag:s3], $0x80  }
0x81: {  	[sflag:s3] =	ssyncset.done $0x0;
	s1 =	rddreg [dreg:$0x4]  }
0x82: {  	s1 =	ssub.s32 $0x2, s1;
	[sflag:s3] =	ssyncadd.s32 $0xFFFFFF80  }
0x83: {  	[tilespmem:s6], [sflag:$0x1] =	stream.indirect.gather [hbm4b:s20+s6], $0x80, s2, s6, $0xb8;
	[tilespmem:$0x4080] =	vst v63  }
0x84: {  	s31 =	sshrl.u32 s1, $0x1  }
0x85: {  	s1 =	ssub.s32 s1, s31  }
0x86: {  	s1 =	smax.u32 s1, $0x1  }
0x87: {  	_ =	swait.ge [sflag:s7], $0x4000;
	p0 =	sne.s32 s1, $0x1  }
.Ltmp0:
0x88: {  	[sflag:s7] =	ssyncset.done $0x0;
	(pc) =	sbr.rel @!p0 .LBB2_2-.Ltmp0, $4  }
0x89: {  	s30 =	sadd.s32 s0, s30;
	[sflag:s7] =	ssyncadd.s32 $0xFFFFC000  }
0x8a: {  	[hbm4b:s30+s2] =	stream.linear.scatter [tilespmem:s6], [sflag:$0x2], $0x4000, $0x38;
	[tilespmem:$0x4080] =	vst v63  }
0x8b: {  	_ =	swait.ge [sflag:s3], $0x4000  }
0x8c: {  	s31 =	sadd.s32 $0xFFFFFFFF, s1;
	[sflag:s3] =	ssyncset.done $0x0  }
.LBB2_1:
0x8d: {  	p0 =	sne.s32 s31, $0x1;
	s31 =	sadd.s32 $0xFFFFFFFF, s31;
	[sflag:s3] =	ssyncadd.s32 $0xFFFFC000  }
0x8e: {  	[tilespmem:s2], [sflag:$0x2] =	stream.linear.gather [hbm4b:s4+s2], $0x80, $0x38;
	[tilespmem:$0x4080] =	vst v63  }
0x8f: {  	_ =	swait.ge [sflag:s3], $0x80  }
0x90: {  	[sflag:s3] =	ssyncset.done $0x0  }
0x91: {  	[sflag:s3] =	ssyncadd.s32 $0xFFFFFF80  }
0x92: {  	[tilespmem:s6], [sflag:$0x1] =	stream.indirect.gather [hbm4b:s5+s6], $0x80, s2, s6, $0xb8;
	[tilespmem:$0x4080] =	vst v63  }
0x93: {  	_ =	swait.ge [sflag:s7], $0x4000  }
0x94: {  	[sflag:s7] =	ssyncset.done $0x0  }
0x95: {  	[sflag:s7] =	ssyncadd.s32 $0xFFFFC000  }
0x96: {  	[hbm4b:s8+s2] =	stream.linear.scatter [tilespmem:s6], [sflag:$0x2], $0x4000, $0x38;
	[tilespmem:$0x4080] =	vst v63  }
0x97: {  	_ =	swait.ge [sflag:s3], $0x4000  }
0x98: {  	[sflag:s3] =	ssyncset.done $0x0  }
0x99: {  	[sflag:s3] =	ssyncadd.s32 $0xFFFFC000  }
0x9a: {  	[tilespmem:s2], [sflag:$0x2] =	stream.linear.gather [hbm4b:s9+s2], $0x80, $0x38;
	[tilespmem:$0x4080] =	vst v63  }
0x9b: {  	_ =	swait.ge [sflag:s3], $0x80  }
0x9c: {  	[sflag:s3] =	ssyncset.done $0x0  }
0x9d: {  	[sflag:s3] =	ssyncadd.s32 $0xFFFFFF80  }
0x9e: {  	[tilespmem:s6], [sflag:$0x1] =	stream.indirect.gather [hbm4b:s5+s6], $0x80, s2, s6, $0xb8;
	[tilespmem:$0x4080] =	vst v63  }
0x9f: {  	_ =	swait.ge [sflag:s7], $0x4000  }
0xa0: {  	[sflag:s7] =	ssyncset.done $0x0  }
0xa1: {  	[sflag:s7] =	ssyncadd.s32 $0xFFFFC000  }
0xa2: {  	[hbm4b:s10+s2] =	stream.linear.scatter [tilespmem:s6], [sflag:$0x2], $0x4000, $0x38;
	[tilespmem:$0x4080] =	vst v63  }
0xa3: {  	_ =	swait.ge [sflag:s3], $0x4000  }
0xa4: {  	[sflag:s3] =	ssyncset.done $0x0  }
0xa5: {  	[sflag:s3] =	ssyncadd.s32 $0xFFFFC000  }
0xa6: {  	[tilespmem:s2], [sflag:$0x2] =	stream.linear.gather [hbm4b:s11+s2], $0x80, $0x38;
	[tilespmem:$0x4080] =	vst v63  }
0xa7: {  	_ =	swait.ge [sflag:s3], $0x80  }
0xa8: {  	[sflag:s3] =	ssyncset.done $0x0  }
0xa9: {  	[sflag:s3] =	ssyncadd.s32 $0xFFFFFF80  }
0xaa: {  	[tilespmem:s6], [sflag:$0x1] =	stream.indirect.gather [hbm4b:s5+s6], $0x80, s2, s6, $0xb8;
	[tilespmem:$0x4080] =	vst v63  }
0xab: {  	_ =	swait.ge [sflag:s7], $0x4000  }
0xac: {  	[sflag:s7] =	ssyncset.done $0x0  }
0xad: {  	[sflag:s7] =	ssyncadd.s32 $0xFFFFC000  }
0xae: {  	[hbm4b:s12+s2] =	stream.linear.scatter [tilespmem:s6], [sflag:$0x2], $0x4000, $0x38;
	[tilespmem:$0x4080] =	vst v63  }
0xaf: {  	_ =	swait.ge [sflag:s3], $0x4000  }
0xb0: {  	[sflag:s3] =	ssyncset.done $0x0  }
0xb1: {  	[sflag:s3] =	ssyncadd.s32 $0xFFFFC000  }
0xb2: {  	[tilespmem:s2], [sflag:$0x2] =	stream.linear.gather [hbm4b:s13+s2], $0x80, $0x38;
	[tilespmem:$0x4080] =	vst v63  }
0xb3: {  	_ =	swait.ge [sflag:s3], $0x80  }
0xb4: {  	[sflag:s3] =	ssyncset.done $0x0  }
0xb5: {  	[sflag:s3] =	ssyncadd.s32 $0xFFFFFF80  }
0xb6: {  	[tilespmem:s6], [sflag:$0x1] =	stream.indirect.gather [hbm4b:s5+s6], $0x80, s2, s6, $0xb8;
	[tilespmem:$0x4080] =	vst v63  }
0xb7: {  	_ =	swait.ge [sflag:s7], $0x4000  }
0xb8: {  	[sflag:s7] =	ssyncset.done $0x0  }
0xb9: {  	[sflag:s7] =	ssyncadd.s32 $0xFFFFC000  }
0xba: {  	[hbm4b:s14+s2] =	stream.linear.scatter [tilespmem:s6], [sflag:$0x2], $0x4000, $0x38;
	[tilespmem:$0x4080] =	vst v63  }
0xbb: {  	_ =	swait.ge [sflag:s3], $0x4000  }
0xbc: {  	[sflag:s3] =	ssyncset.done $0x0  }
0xbd: {  	[sflag:s3] =	ssyncadd.s32 $0xFFFFC000  }
0xbe: {  	[tilespmem:s2], [sflag:$0x2] =	stream.linear.gather [hbm4b:s15+s2], $0x80, $0x38;
	[tilespmem:$0x4080] =	vst v63  }
0xbf: {  	_ =	swait.ge [sflag:s3], $0x80  }
0xc0: {  	[sflag:s3] =	ssyncset.done $0x0  }
0xc1: {  	[sflag:s3] =	ssyncadd.s32 $0xFFFFFF80  }
0xc2: {  	[tilespmem:s6], [sflag:$0x1] =	stream.indirect.gather [hbm4b:s5+s6], $0x80, s2, s6, $0xb8;
	[tilespmem:$0x4080] =	vst v63  }
0xc3: {  	_ =	swait.ge [sflag:s7], $0x4000  }
0xc4: {  	[sflag:s7] =	ssyncset.done $0x0  }
0xc5: {  	[sflag:s7] =	ssyncadd.s32 $0xFFFFC000  }
0xc6: {  	[hbm4b:s16+s2] =	stream.linear.scatter [tilespmem:s6], [sflag:$0x2], $0x4000, $0x38;
	[tilespmem:$0x4080] =	vst v63  }
0xc7: {  	_ =	swait.ge [sflag:s3], $0x4000  }
0xc8: {  	[sflag:s3] =	ssyncset.done $0x0  }
0xc9: {  	[sflag:s3] =	ssyncadd.s32 $0xFFFFC000  }
0xca: {  	[tilespmem:s2], [sflag:$0x2] =	stream.linear.gather [hbm4b:s17+s2], $0x80, $0x38;
	[tilespmem:$0x4080] =	vst v63  }
0xcb: {  	_ =	swait.ge [sflag:s3], $0x80  }
0xcc: {  	[sflag:s3] =	ssyncset.done $0x0  }
0xcd: {  	[sflag:s3] =	ssyncadd.s32 $0xFFFFFF80  }
0xce: {  	[tilespmem:s6], [sflag:$0x1] =	stream.indirect.gather [hbm4b:s5+s6], $0x80, s2, s6, $0xb8;
	[tilespmem:$0x4080] =	vst v63  }
0xcf: {  	_ =	swait.ge [sflag:s7], $0x4000  }
0xd0: {  	[sflag:s7] =	ssyncset.done $0x0  }
0xd1: {  	[sflag:s7] =	ssyncadd.s32 $0xFFFFC000  }
0xd2: {  	[hbm4b:s18+s2] =	stream.linear.scatter [tilespmem:s6], [sflag:$0x2], $0x4000, $0x38;
	[tilespmem:$0x4080] =	vst v63  }
0xd3: {  	_ =	swait.ge [sflag:s3], $0x4000  }
0xd4: {  	[sflag:s3] =	ssyncset.done $0x0  }
0xd5: {  	[sflag:s3] =	ssyncadd.s32 $0xFFFFC000  }
0xd6: {  	[tilespmem:s2], [sflag:$0x2] =	stream.linear.gather [hbm4b:s19+s2], $0x80, $0x38;
	[tilespmem:$0x4080] =	vst v63  }
0xd7: {  	_ =	swait.ge [sflag:s3], $0x80  }
0xd8: {  	[sflag:s3] =	ssyncset.done $0x0  }
0xd9: {  	[sflag:s3] =	ssyncadd.s32 $0xFFFFFF80  }
0xda: {  	[tilespmem:s6], [sflag:$0x1] =	stream.indirect.gather [hbm4b:s20+s6], $0x80, s2, s6, $0xb8;
	[tilespmem:$0x4080] =	vst v63  }
0xdb: {  	_ =	swait.ge [sflag:s7], $0x4000  }
0xdc: {  	[sflag:s7] =	ssyncset.done $0x0  }
0xdd: {  	[sflag:s7] =	ssyncadd.s32 $0xFFFFC000  }
0xde: {  	[hbm4b:s21+s2] =	stream.linear.scatter [tilespmem:s6], [sflag:$0x2], $0x4000, $0x38;
	[tilespmem:$0x4080] =	vst v63  }
0xdf: {  	_ =	swait.ge [sflag:s3], $0x4000  }
0xe0: {  	[sflag:s3] =	ssyncset.done $0x0  }
0xe1: {  	[sflag:s3] =	ssyncadd.s32 $0xFFFFC000  }
0xe2: {  	[tilespmem:s2], [sflag:$0x2] =	stream.linear.gather [hbm4b:s22+s2], $0x80, $0x38;
	[tilespmem:$0x4080] =	vst v63  }
0xe3: {  	_ =	swait.ge [sflag:s3], $0x80  }
0xe4: {  	[sflag:s3] =	ssyncset.done $0x0  }
0xe5: {  	[sflag:s3] =	ssyncadd.s32 $0xFFFFFF80  }
0xe6: {  	[tilespmem:s6], [sflag:$0x1] =	stream.indirect.gather [hbm4b:s20+s6], $0x80, s2, s6, $0xb8;
	[tilespmem:$0x4080] =	vst v63  }
0xe7: {  	_ =	swait.ge [sflag:s7], $0x4000  }
0xe8: {  	[sflag:s7] =	ssyncset.done $0x0  }
0xe9: {  	[sflag:s7] =	ssyncadd.s32 $0xFFFFC000  }
0xea: {  	[hbm4b:s23+s2] =	stream.linear.scatter [tilespmem:s6], [sflag:$0x2], $0x4000, $0x38;
	[tilespmem:$0x4080] =	vst v63  }
0xeb: {  	_ =	swait.ge [sflag:s3], $0x4000  }
0xec: {  	[sflag:s3] =	ssyncset.done $0x0  }
0xed: {  	[sflag:s3] =	ssyncadd.s32 $0xFFFFC000  }
0xee: {  	[tilespmem:s2], [sflag:$0x2] =	stream.linear.gather [hbm4b:s24+s2], $0x80, $0x38;
	[tilespmem:$0x4080] =	vst v63  }
0xef: {  	_ =	swait.ge [sflag:s3], $0x80  }
0xf0: {  	[sflag:s3] =	ssyncset.done $0x0  }
0xf1: {  	[sflag:s3] =	ssyncadd.s32 $0xFFFFFF80  }
0xf2: {  	[tilespmem:s6], [sflag:$0x1] =	stream.indirect.gather [hbm4b:s20+s6], $0x80, s2, s6, $0xb8;
	[tilespmem:$0x4080] =	vst v63  }
0xf3: {  	_ =	swait.ge [sflag:s7], $0x4000  }
0xf4: {  	[sflag:s7] =	ssyncset.done $0x0  }
0xf5: {  	[sflag:s7] =	ssyncadd.s32 $0xFFFFC000  }
0xf6: {  	[hbm4b:s25+s2] =	stream.linear.scatter [tilespmem:s6], [sflag:$0x2], $0x4000, $0x38;
	[tilespmem:$0x4080] =	vst v63  }
0xf7: {  	_ =	swait.ge [sflag:s3], $0x4000  }
0xf8: {  	[sflag:s3] =	ssyncset.done $0x0  }
0xf9: {  	[sflag:s3] =	ssyncadd.s32 $0xFFFFC000  }
0xfa: {  	[tilespmem:s2], [sflag:$0x2] =	stream.linear.gather [hbm4b:s26+s2], $0x80, $0x38;
	[tilespmem:$0x4080] =	vst v63  }
0xfb: {  	_ =	swait.ge [sflag:s3], $0x80  }
0xfc: {  	[sflag:s3] =	ssyncset.done $0x0  }
0xfd: {  	[sflag:s3] =	ssyncadd.s32 $0xFFFFFF80  }
0xfe: {  	[tilespmem:s6], [sflag:$0x1] =	stream.indirect.gather [hbm4b:s20+s6], $0x80, s2, s6, $0xb8;
	[tilespmem:$0x4080] =	vst v63  }
0xff: {  	_ =	swait.ge [sflag:s7], $0x4000  }
0x100: {  	[sflag:s7] =	ssyncset.done $0x0  }
0x101: {  	[sflag:s7] =	ssyncadd.s32 $0xFFFFC000  }
0x102: {  	[hbm4b:s28+s2] =	stream.linear.scatter [tilespmem:s6], [sflag:$0x2], $0x4000, $0x38;
	[tilespmem:$0x4080] =	vst v63  }
0x103: {  	_ =	swait.ge [sflag:s3], $0x4000  }
0x104: {  	[sflag:s3] =	ssyncset.done $0x0  }
0x105: {  	[sflag:s3] =	ssyncadd.s32 $0xFFFFC000  }
0x106: {  	[tilespmem:s2], [sflag:$0x2] =	stream.linear.gather [hbm4b:s29+s2], $0x80, $0x38;
	[tilespmem:$0x4080] =	vst v63  }
0x107: {  	_ =	swait.ge [sflag:s3], $0x80  }
0x108: {  	[sflag:s3] =	ssyncset.done $0x0  }
0x109: {  	[sflag:s3] =	ssyncadd.s32 $0xFFFFFF80  }
0x10a: {  	[tilespmem:s6], [sflag:$0x1] =	stream.indirect.gather [hbm4b:s20+s6], $0x80, s2, s6, $0xb8;
	[tilespmem:$0x4080] =	vst v63  }
0x10b: {  	_ =	swait.ge [sflag:s7], $0x4000  }
.Ltmp1:
0x10c: {  	[sflag:s7] =	ssyncset.done $0x0;
	(pc) =	sbr.rel @p0 .LBB2_1-.Ltmp1, $4  }
0x10d: {  	[sflag:s7] =	ssyncadd.s32 $0xFFFFC000  }
0x10e: {  	[hbm4b:s30+s2] =	stream.linear.scatter [tilespmem:s6], [sflag:$0x2], $0x4000, $0x38;
	[tilespmem:$0x4080] =	vst v63  }
0x10f: {  	_ =	swait.ge [sflag:s3], $0x4000  }
0x110: {  	[sflag:s3] =	ssyncset.done $0x0  }
.LBB2_2:
0x111: {  	[sflag:s3] =	ssyncadd.s32 $0xFFFFC000  }
0x112: {  	_ =	sfence.sel $0x180000  }
0x113: {  	[bflag:$0x0] =	sbarrier.arrive $0xFFFF  }
0x114: {  	_ =	strace $0x9000004A  }
0x115: {  	s0 =	stileid.u32;
	[bflag:$0x2] =	sbarrier.arrive $0xFFFF  }
0x116: {  	p0 =	sne.s32 s0, $0x0;
	s0 =	rddreg [dreg:$0x3]  }
0x117: {  	s0 =	sadd.s32 @!p0 $0x100000, s0  }
0x118: {  	[sflag:s0] =	ssyncadd.tile.s32 @!p0 $0x1;
	_ =	shalt  }
.Lfunc_end2:
_tile_overlayer_lowered:
.L_overlay_start_2:
0x119: {  	(tag) =	ssettag $0x2  }
0x11a: {  	s0 =	rddreg [dreg:$0x0];
	s2 =	stileid.u32  }
0x11b: {  	s1 =	rddreg [dreg:$0x1];
	p0 =	sne.s32 s2, $0x0  }
0x11c: {  	s3 =	rddreg [dreg:$0x2];
	[bflag:$0x3] =	sbarrier.arrive $0xFFFF;
	s2 =	simm.s32 @!p0 $0x1C02  }
0x11d: {  	[timem:s3], [sflag:s2] =	dma.local @!p0 [hbm:s0], s1  }
0x11e: {  	s0 =	simm.s32 @!p0 $0x2  }
0x11f: {  	_ =	swait.ge @!p0 [sflag:s0], s1  }
0x120: {  	s1 =	ssub.s32 @!p0 $0x0, s1;
	[sflag:s0] =	ssyncset.done @!p0 $0x0  }
0x121: {  	[sflag:s0] =	ssyncadd.s32 @!p0 s1  }
0x122: {  	[bflag:$0x3] =	sbarrier.arrive $0xFFFF  }
0x123: {  	_ =	shalt  }

</sc_bundles>
